<compile_context>
chip_gen: v7x
topology: tpu7x:2x2x1
jax: 0.10.2.dev20260603
libtpu: 0.0.44.dev20260713+nightly
codegen_flags: <defaults>
</compile_context>

<pallas_src>
import functools

import jax
import jax.numpy as jnp
import numpy as np
from jax import lax
from jax.experimental import pallas as pl
from jax.experimental.pallas import tpu as pltpu
from jax.experimental.pallas import tpu_sc as plsc

_DIM = 33
_N3 = _DIM * _DIM * _DIM
_INV_BIN = np.float32((_DIM - 1) / 1.0001)
_LANES = 16
_TR, _TC = 8, 128
_NW = 32
_UNROLL = 3


def _build_sc_call(B, H, W):
    nbatch = B
    wper = _NW // nbatch
    rows_per_w = H // wper
    nrt = rows_per_w // _TR
    nct = W // _TC
    nchunks = nrt * nct

    mesh = plsc.VectorSubcoreMesh(core_axis_name="c", subcore_axis_name="s")

    @functools.partial(
        pl.kernel,
        out_type=jax.ShapeDtypeStruct((B, 3, H, W), jnp.float32),
        mesh=mesh,
        compiler_params=pltpu.CompilerParams(needs_layout_passes=False),
        scratch_types=(
            [pltpu.VMEM((_N3,), jnp.float32)] * 3
            + [pltpu.VMEM((_TR, _TC), jnp.float32)] * 12
            + [pltpu.SemaphoreType.DMA] * 4
        ),
    )
    def sc_fn(l0_hbm, l1_hbm, l2_hbm, x_hbm, out_hbm, l0, l1, l2, *rest):
        lbufs = (l0, l1, l2)
        bufs = rest[:12]
        isems = rest[12:14]
        osems = rest[14:16]
        rbufs, gbufs, bbufs = bufs[0:2], bufs[2:4], bufs[4:6]
        obufs = [bufs[6:9], bufs[9:12]]

        cid = lax.axis_index("c")
        sid = lax.axis_index("s")
        wid = sid * 2 + cid
        batch = wid // wper
        quarter = wid % wper
        row0 = quarter * rows_per_w

        pltpu.sync_copy(l0_hbm, l0)
        pltpu.sync_copy(l1_hbm, l1)
        pltpu.sync_copy(l2_hbm, l2)

        def tile_at(ref, ch, chunk):
            rt = chunk >> 2
            ct = chunk & 3
            return ref.at[
                batch, ch, pl.ds(row0 + rt * _TR, _TR), pl.ds(ct * _TC, _TC)
            ]

        def start_in(chunk, slot):
            for c, buf in enumerate((rbufs[slot], gbufs[slot], bbufs[slot])):
                pltpu.async_copy(tile_at(x_hbm, c, chunk), buf, isems[slot])

        def wait_in(slot):
            for buf in (rbufs[slot], gbufs[slot], bbufs[slot]):
                pltpu.make_async_copy(tile_at(x_hbm, 0, 0), buf, isems[slot]).wait()

        def start_out(chunk, slot):
            for c in range(3):
                pltpu.async_copy(
                    obufs[slot][c], tile_at(out_hbm, c, chunk), osems[slot]
                )

        def wait_out(slot):
            for c in range(3):
                pltpu.make_async_copy(
                    obufs[slot][c], tile_at(out_hbm, 0, 0), osems[slot]
                ).wait()

        def compute(slot):
            rb, gb, bb = rbufs[slot], gbufs[slot], bbufs[slot]
            o0, o1, o2 = obufs[slot]

            @plsc.parallel_loop(0, _TR * _TC, step=_LANES, unroll=_UNROLL)
            def _group(s):
                row = s >> 7
                col = pl.multiple_of(s & (_TC - 1), _LANES)
                r = rb[row, pl.ds(col, _LANES)]
                g = gb[row, pl.ds(col, _LANES)]
                b = bb[row, pl.ds(col, _LANES)]
                qr = r * _INV_BIN
                qg = g * _INV_BIN
                qb = b * _INV_BIN
                rid = qr.astype(jnp.int32)
                gid = qg.astype(jnp.int32)
                bid = qb.astype(jnp.int32)
                rd = qr - rid.astype(jnp.float32)
                gd = qg - gid.astype(jnp.float32)
                bd = qb - bid.astype(jnp.float32)
                i000 = rid + gid * _DIM + bid * (_DIM * _DIM)

                wr0 = 1.0 - rd
                wg0 = 1.0 - gd
                wb0 = 1.0 - bd
                w00 = wg0 * wb0
                w10 = gd * wb0
                w01 = wg0 * bd
                w11 = gd * bd
                wc = (
                    (0, wr0 * w00),
                    (1, rd * w00),
                    (_DIM, wr0 * w10),
                    (_DIM + 1, rd * w10),
                    (_DIM * _DIM, wr0 * w01),
                    (_DIM * _DIM + 1, rd * w01),
                    (_DIM * _DIM + _DIM, wr0 * w11),
                    (_DIM * _DIM + _DIM + 1, rd * w11),
                )
                acc = [None, None, None]
                for d, wk in wc:
                    j = i000 if d == 0 else i000 + d
                    for c in range(3):
                        v = plsc.load_gather(lbufs[c], [j])
                        t = wk * v
                        acc[c] = t if acc[c] is None else acc[c] + t

                o0[row, pl.ds(col, _LANES)] = acc[0]
                o1[row, pl.ds(col, _LANES)] = acc[1]
                o2[row, pl.ds(col, _LANES)] = acc[2]

        start_in(0, 0)
        start_in(1, 1)

        @pl.loop(0, nchunks, step=2)
        def _pair(ci):
            for slot in range(2):
                chunk = ci + slot
                wait_in(slot)

                @pl.when(chunk >= 2)
                def _():
                    wait_out(slot)

                compute(slot)
                start_out(chunk, slot)

                @pl.when(chunk + 2 < nchunks)
                def _():
                    start_in(chunk + 2, slot)

        wait_out(0)
        wait_out(1)

    return sc_fn


def kernel(LUT, x):
    B, C, H, W = x.shape
    l0 = LUT[0].reshape(_N3)
    l1 = LUT[1].reshape(_N3)
    l2 = LUT[2].reshape(_N3)
    return _build_sc_call(B, H, W)(l0, l1, l2, x)

# --- scband reference (transcript-rebuilt; emitter-appended) ---
"""Pipeline reference for scband-generator3-dlut-identity-13812614824357 (READ-ONLY COPY).

The authoritative reference and input builder live on the scoring server;
editing this copy changes nothing except your own understanding.
"""

import jax, jax.numpy as jnp
import numpy as np

DIM = 33

def make_identity_lut(dim):
    # Reproduces IdentityLUT33.txt: LUT[0,i,j,k]=k/(dim-1) (red varies fastest),
    # LUT[1,i,j,k]=j/(dim-1), LUT[2,i,j,k]=i/(dim-1).
    v = np.arange(dim, dtype=np.float32) / (dim - 1)
    LUT = np.zeros((3, dim, dim, dim), dtype=np.float32)
    LUT[0] = v[None, None, :]
    LUT[1] = v[None, :, None]
    LUT[2] = v[:, None, None]
    return jnp.asarray(LUT)

def setup_inputs(seed: int = 0):
    key = jax.random.key(seed)
    x = jax.random.uniform(key, (8, 3, 512, 512), dtype=jnp.float32)
    LUT = make_identity_lut(DIM)
    return {"LUT": LUT, "x": x}

def reference(LUT, x):
    # Faithful JAX port of the trilinear_ext.forward CUDA kernel.
    dim = LUT.shape[-1]
    binsize = 1.0001 / (dim - 1)
    r, g, b = x[:, 0], x[:, 1], x[:, 2]
    r_id = jnp.floor(r / binsize).astype(jnp.int32)
    g_id = jnp.floor(g / binsize).astype(jnp.int32)
    b_id = jnp.floor(b / binsize).astype(jnp.int32)
    r_d = (r - r_id.astype(x.dtype) * binsize) / binsize
    g_d = (g - g_id.astype(x.dtype) * binsize) / binsize
    b_d = (b - b_id.astype(x.dtype) * binsize) / binsize
    w000 = (1 - r_d) * (1 - g_d) * (1 - b_d)
    w100 = r_d * (1 - g_d) * (1 - b_d)
    w010 = (1 - r_d) * g_d * (1 - b_d)
    w110 = r_d * g_d * (1 - b_d)
    w001 = (1 - r_d) * (1 - g_d) * b_d
    w101 = r_d * (1 - g_d) * b_d
    w011 = (1 - r_d) * g_d * b_d
    w111 = r_d * g_d * b_d
    id000 = r_id + g_id * dim + b_id * dim * dim
    id100 = id000 + 1
    id010 = id000 + dim
    id110 = id000 + dim + 1
    id001 = id000 + dim * dim
    id101 = id001 + 1
    id011 = id001 + dim
    id111 = id001 + dim + 1
    lut_flat = LUT.reshape(3, -1)
    def gather(ids):
        # (3, B, H, W) gather per output channel
        return jnp.take(lut_flat, ids, axis=1)
    out = (w000[None] * gather(id000) + w100[None] * gather(id100)
           + w010[None] * gather(id010) + w110[None] * gather(id110)
           + w001[None] * gather(id001) + w101[None] * gather(id101)
           + w011[None] * gather(id011) + w111[None] * gather(id111))
    return jnp.transpose(out, (1, 0, 2, 3))

if __name__ == "__main__":
    import jax
    _d = setup_inputs()
    print(jax.jit(kernel)(*tuple(_d.values())))

</pallas_src>

<mosaic_0001>
#map = affine_map<(d0, d1) -> (0)>
#map1 = affine_map<(d0, d1) -> (0, 0, 0, 0)>
module attributes {stable_mosaic.version = 14 : i64} {
  func.func @sc_fn(%arg0: i32, %arg1: i32, %arg2: memref<35937xf32, #tpu.memory_space<hbm>>, %arg3: memref<35937xf32, #tpu.memory_space<hbm>>, %arg4: memref<35937xf32, #tpu.memory_space<hbm>>, %arg5: memref<8x3x512x512xf32, #tpu.memory_space<hbm>>, %arg6: memref<8x3x512x512xf32, #tpu.memory_space<hbm>>, %arg7: memref<35937xf32, #tpu.memory_space<vmem>>, %arg8: memref<35937xf32, #tpu.memory_space<vmem>>, %arg9: memref<35937xf32, #tpu.memory_space<vmem>>, %arg10: memref<8x128xf32, #tpu.memory_space<vmem>>, %arg11: memref<8x128xf32, #tpu.memory_space<vmem>>, %arg12: memref<8x128xf32, #tpu.memory_space<vmem>>, %arg13: memref<8x128xf32, #tpu.memory_space<vmem>>, %arg14: memref<8x128xf32, #tpu.memory_space<vmem>>, %arg15: memref<8x128xf32, #tpu.memory_space<vmem>>, %arg16: memref<8x128xf32, #tpu.memory_space<vmem>>, %arg17: memref<8x128xf32, #tpu.memory_space<vmem>>, %arg18: memref<8x128xf32, #tpu.memory_space<vmem>>, %arg19: memref<8x128xf32, #tpu.memory_space<vmem>>, %arg20: memref<8x128xf32, #tpu.memory_space<vmem>>, %arg21: memref<8x128xf32, #tpu.memory_space<vmem>>, %arg22: memref<!tpu.dma_semaphore, #tpu.memory_space<semaphore_mem>>, %arg23: memref<!tpu.dma_semaphore, #tpu.memory_space<semaphore_mem>>, %arg24: memref<!tpu.dma_semaphore, #tpu.memory_space<semaphore_mem>>, %arg25: memref<!tpu.dma_semaphore, #tpu.memory_space<semaphore_mem>>) attributes {dimension_semantics = [#tpu.dimension_semantics<core_parallel>, #tpu.dimension_semantics<subcore_parallel>], iteration_bounds = array<i64: 2, 16>, scalar_prefetch = 0 : i64, scratch_operands = 19 : i64, tpu.core_type = #tpu.core_type<sc_vector_subcore>, window_params = [{transform_indices = #map}, {transform_indices = #map}, {transform_indices = #map}, {transform_indices = #map1}, {transform_indices = #map1}]} {
    %mul3A = arith.constant 2 : i32
    %mul3A_0 = arith.muli %arg1, %mul3A : i32
    %add3A = arith.addi %mul3A_0, %arg0 : i32
    %jit3A = arith.constant 4 : i32
    %div3A = arith.divsi %add3A, %jit3A : i32
    %sign3A = arith.constant 0 : i32
    %sign3A_1 = arith.cmpi sgt, %add3A, %sign3A : i32
    %sign3A_2 = arith.extui %sign3A_1 : i1 to i32
    %sign3A_3 = arith.constant 0 : i32
    %sign3A_4 = arith.cmpi slt, %add3A, %sign3A_3 : i32
    %sign3A_5 = arith.extui %sign3A_4 : i1 to i32
    %sign3A_6 = arith.subi %sign3A_2, %sign3A_5 : i32
    %sign3A_7 = arith.constant 0 : i32
    %sign3A_8 = arith.cmpi sgt, %jit3A, %sign3A_7 : i32
    %sign3A_9 = arith.extui %sign3A_8 : i1 to i32
    %sign3A_10 = arith.constant 0 : i32
    %sign3A_11 = arith.cmpi slt, %jit3A, %sign3A_10 : i32
    %sign3A_12 = arith.extui %sign3A_11 : i1 to i32
    %sign3A_13 = arith.subi %sign3A_9, %sign3A_12 : i32
    %ne3A = arith.cmpi ne, %sign3A_6, %sign3A_13 : i32
    %rem3A = arith.remsi %add3A, %jit3A : i32
    %ne3A_14 = arith.constant 0 : i32
    %ne3A_15 = arith.cmpi ne, %rem3A, %ne3A_14 : i32
    %and3A = arith.andi %ne3A, %ne3A_15 : i1
    %sub3A = arith.constant 1 : i32
    %sub3A_16 = arith.subi %div3A, %sub3A : i32
    %select_n3A = arith.select %and3A, %sub3A_16, %div3A : i32
    %jit3A_17 = arith.constant 4 : i32
    %eq3A = arith.constant 0 : i32
    %eq3A_18 = arith.cmpi eq, %jit3A_17, %eq3A : i32
    %jit3A_19 = arith.constant 1 : i32
    %select_n3A_20 = arith.select %eq3A_18, %jit3A_19, %jit3A_17 : i32
    %rem3A_21 = arith.remsi %add3A, %select_n3A_20 : i32
    %ne3A_22 = arith.constant 0 : i32
    %ne3A_23 = arith.cmpi ne, %rem3A_21, %ne3A_22 : i32
    %lt3A = arith.constant 0 : i32
    %lt3A_24 = arith.cmpi slt, %rem3A_21, %lt3A : i32
    %lt3A_25 = arith.constant 0 : i32
    %lt3A_26 = arith.cmpi slt, %select_n3A_20, %lt3A_25 : i32
    %ne3A_27 = arith.xori %lt3A_24, %lt3A_26 : i1
    %and3A_28 = arith.andi %ne3A_27, %ne3A_23 : i1
    %add3A_29 = arith.addi %rem3A_21, %select_n3A_20 : i32
    %select_n3A_30 = arith.select %and3A_28, %add3A_29, %rem3A_21 : i32
    %mul3A_31 = arith.constant 128 : i32
    %mul3A_32 = arith.muli %select_n3A_30, %mul3A_31 : i32
    "tpu.region"() ({
      %run_scoped3A = tpu.sem_alloc : memref<!tpu.dma_semaphore, #tpu.memory_space<semaphore_mem>>
      tpu.enqueue_dma source(%arg2 : memref<35937xf32, #tpu.memory_space<hbm>>) target(%arg7 : memref<35937xf32, #tpu.memory_space<vmem>>) target_semaphore(%run_scoped3A : memref<!tpu.dma_semaphore, #tpu.memory_space<semaphore_mem>>)
      tpu.wait_dma2 semaphore(%run_scoped3A : memref<!tpu.dma_semaphore, #tpu.memory_space<semaphore_mem>>) src(%arg2 : memref<35937xf32, #tpu.memory_space<hbm>>) dst(%arg7 : memref<35937xf32, #tpu.memory_space<vmem>>)
      tpu.yield
    }) : () -> ()
    "tpu.region"() ({
      %run_scoped3A = tpu.sem_alloc : memref<!tpu.dma_semaphore, #tpu.memory_space<semaphore_mem>>
      tpu.enqueue_dma source(%arg3 : memref<35937xf32, #tpu.memory_space<hbm>>) target(%arg8 : memref<35937xf32, #tpu.memory_space<vmem>>) target_semaphore(%run_scoped3A : memref<!tpu.dma_semaphore, #tpu.memory_space<semaphore_mem>>)
      tpu.wait_dma2 semaphore(%run_scoped3A : memref<!tpu.dma_semaphore, #tpu.memory_space<semaphore_mem>>) src(%arg3 : memref<35937xf32, #tpu.memory_space<hbm>>) dst(%arg8 : memref<35937xf32, #tpu.memory_space<vmem>>)
      tpu.yield
    }) : () -> ()
    "tpu.region"() ({
      %run_scoped3A = tpu.sem_alloc : memref<!tpu.dma_semaphore, #tpu.memory_space<semaphore_mem>>
      tpu.enqueue_dma source(%arg4 : memref<35937xf32, #tpu.memory_space<hbm>>) target(%arg9 : memref<35937xf32, #tpu.memory_space<vmem>>) target_semaphore(%run_scoped3A : memref<!tpu.dma_semaphore, #tpu.memory_space<semaphore_mem>>)
      tpu.wait_dma2 semaphore(%run_scoped3A : memref<!tpu.dma_semaphore, #tpu.memory_space<semaphore_mem>>) src(%arg4 : memref<35937xf32, #tpu.memory_space<hbm>>) dst(%arg9 : memref<35937xf32, #tpu.memory_space<vmem>>)
      tpu.yield
    }) : () -> ()
    %add3A_33 = arith.constant 0 : i32
    %add3A_34 = arith.addi %mul3A_32, %add3A_33 : i32
    %dma_start3A = arith.constant 0 : i32
    %dma_start3A_35 = arith.constant 0 : i32
    %dma_start3A_36 = tpu.memref_slice %arg5[%select_n3A, %dma_start3A, %add3A_34, %dma_start3A_35] : memref<8x3x512x512xf32, #tpu.memory_space<hbm>> -> memref<1x1x8x128xf32, #tpu.memory_space<hbm>>
    %dma_start3A_37 = tpu.memref_squeeze %dma_start3A_36 : memref<1x1x8x128xf32, #tpu.memory_space<hbm>> -> memref<8x128xf32, #tpu.memory_space<hbm>>
    %dma_start3A_38 = arith.constant 0 : i32
    %dma_start3A_39 = tpu.memref_slice %arg5[%select_n3A, %dma_start3A, %add3A_34, %dma_start3A_38] : memref<8x3x512x512xf32, #tpu.memory_space<hbm>> -> memref<1x1x8x128xf32, #tpu.memory_space<hbm>>
    %dma_start3A_40 = tpu.memref_squeeze %dma_start3A_39 : memref<1x1x8x128xf32, #tpu.memory_space<hbm>> -> memref<8x128xf32, #tpu.memory_space<hbm>>
    tpu.enqueue_dma source(%dma_start3A_40 : memref<8x128xf32, #tpu.memory_space<hbm>>) target(%arg10 : memref<8x128xf32, #tpu.memory_space<vmem>>) target_semaphore(%arg22 : memref<!tpu.dma_semaphore, #tpu.memory_space<semaphore_mem>>)
    %add3A_41 = arith.constant 0 : i32
    %add3A_42 = arith.addi %mul3A_32, %add3A_41 : i32
    %dma_start3A_43 = arith.constant 1 : i32
    %dma_start3A_44 = arith.constant 0 : i32
    %dma_start3A_45 = tpu.memref_slice %arg5[%select_n3A, %dma_start3A_43, %add3A_42, %dma_start3A_44] : memref<8x3x512x512xf32, #tpu.memory_space<hbm>> -> memref<1x1x8x128xf32, #tpu.memory_space<hbm>>
    %dma_start3A_46 = tpu.memref_squeeze %dma_start3A_45 : memref<1x1x8x128xf32, #tpu.memory_space<hbm>> -> memref<8x128xf32, #tpu.memory_space<hbm>>
    %dma_start3A_47 = arith.constant 0 : i32
    %dma_start3A_48 = tpu.memref_slice %arg5[%select_n3A, %dma_start3A_43, %add3A_42, %dma_start3A_47] : memref<8x3x512x512xf32, #tpu.memory_space<hbm>> -> memref<1x1x8x128xf32, #tpu.memory_space<hbm>>
    %dma_start3A_49 = tpu.memref_squeeze %dma_start3A_48 : memref<1x1x8x128xf32, #tpu.memory_space<hbm>> -> memref<8x128xf32, #tpu.memory_space<hbm>>
    tpu.enqueue_dma source(%dma_start3A_49 : memref<8x128xf32, #tpu.memory_space<hbm>>) target(%arg12 : memref<8x128xf32, #tpu.memory_space<vmem>>) target_semaphore(%arg22 : memref<!tpu.dma_semaphore, #tpu.memory_space<semaphore_mem>>)
    %add3A_50 = arith.constant 0 : i32
    %add3A_51 = arith.addi %mul3A_32, %add3A_50 : i32
    %dma_start3A_52 = arith.constant 2 : i32
    %dma_start3A_53 = arith.constant 0 : i32
    %dma_start3A_54 = tpu.memref_slice %arg5[%select_n3A, %dma_start3A_52, %add3A_51, %dma_start3A_53] : memref<8x3x512x512xf32, #tpu.memory_space<hbm>> -> memref<1x1x8x128xf32, #tpu.memory_space<hbm>>
    %dma_start3A_55 = tpu.memref_squeeze %dma_start3A_54 : memref<1x1x8x128xf32, #tpu.memory_space<hbm>> -> memref<8x128xf32, #tpu.memory_space<hbm>>
    %dma_start3A_56 = arith.constant 0 : i32
    %dma_start3A_57 = tpu.memref_slice %arg5[%select_n3A, %dma_start3A_52, %add3A_51, %dma_start3A_56] : memref<8x3x512x512xf32, #tpu.memory_space<hbm>> -> memref<1x1x8x128xf32, #tpu.memory_space<hbm>>
    %dma_start3A_58 = tpu.memref_squeeze %dma_start3A_57 : memref<1x1x8x128xf32, #tpu.memory_space<hbm>> -> memref<8x128xf32, #tpu.memory_space<hbm>>
    tpu.enqueue_dma source(%dma_start3A_58 : memref<8x128xf32, #tpu.memory_space<hbm>>) target(%arg14 : memref<8x128xf32, #tpu.memory_space<vmem>>) target_semaphore(%arg22 : memref<!tpu.dma_semaphore, #tpu.memory_space<semaphore_mem>>)
    %add3A_59 = arith.constant 0 : i32
    %add3A_60 = arith.addi %mul3A_32, %add3A_59 : i32
    %dma_start3A_61 = arith.constant 0 : i32
    %dma_start3A_62 = arith.constant 128 : i32
    %dma_start3A_63 = tpu.memref_slice %arg5[%select_n3A, %dma_start3A_61, %add3A_60, %dma_start3A_62] : memref<8x3x512x512xf32, #tpu.memory_space<hbm>> -> memref<1x1x8x128xf32, #tpu.memory_space<hbm>>
    %dma_start3A_64 = tpu.memref_squeeze %dma_start3A_63 : memref<1x1x8x128xf32, #tpu.memory_space<hbm>> -> memref<8x128xf32, #tpu.memory_space<hbm>>
    %dma_start3A_65 = arith.constant 128 : i32
    %dma_start3A_66 = tpu.memref_slice %arg5[%select_n3A, %dma_start3A_61, %add3A_60, %dma_start3A_65] : memref<8x3x512x512xf32, #tpu.memory_space<hbm>> -> memref<1x1x8x128xf32, #tpu.memory_space<hbm>>
    %dma_start3A_67 = tpu.memref_squeeze %dma_start3A_66 : memref<1x1x8x128xf32, #tpu.memory_space<hbm>> -> memref<8x128xf32, #tpu.memory_space<hbm>>
    tpu.enqueue_dma source(%dma_start3A_67 : memref<8x128xf32, #tpu.memory_space<hbm>>) target(%arg11 : memref<8x128xf32, #tpu.memory_space<vmem>>) target_semaphore(%arg23 : memref<!tpu.dma_semaphore, #tpu.memory_space<semaphore_mem>>)
    %add3A_68 = arith.constant 0 : i32
    %add3A_69 = arith.addi %mul3A_32, %add3A_68 : i32
    %dma_start3A_70 = arith.constant 1 : i32
    %dma_start3A_71 = arith.constant 128 : i32
    %dma_start3A_72 = tpu.memref_slice %arg5[%select_n3A, %dma_start3A_70, %add3A_69, %dma_start3A_71] : memref<8x3x512x512xf32, #tpu.memory_space<hbm>> -> memref<1x1x8x128xf32, #tpu.memory_space<hbm>>
    %dma_start3A_73 = tpu.memref_squeeze %dma_start3A_72 : memref<1x1x8x128xf32, #tpu.memory_space<hbm>> -> memref<8x128xf32, #tpu.memory_space<hbm>>
    %dma_start3A_74 = arith.constant 128 : i32
    %dma_start3A_75 = tpu.memref_slice %arg5[%select_n3A, %dma_start3A_70, %add3A_69, %dma_start3A_74] : memref<8x3x512x512xf32, #tpu.memory_space<hbm>> -> memref<1x1x8x128xf32, #tpu.memory_space<hbm>>
    %dma_start3A_76 = tpu.memref_squeeze %dma_start3A_75 : memref<1x1x8x128xf32, #tpu.memory_space<hbm>> -> memref<8x128xf32, #tpu.memory_space<hbm>>
    tpu.enqueue_dma source(%dma_start3A_76 : memref<8x128xf32, #tpu.memory_space<hbm>>) target(%arg13 : memref<8x128xf32, #tpu.memory_space<vmem>>) target_semaphore(%arg23 : memref<!tpu.dma_semaphore, #tpu.memory_space<semaphore_mem>>)
    %add3A_77 = arith.constant 0 : i32
    %add3A_78 = arith.addi %mul3A_32, %add3A_77 : i32
    %dma_start3A_79 = arith.constant 2 : i32
    %dma_start3A_80 = arith.constant 128 : i32
    %dma_start3A_81 = tpu.memref_slice %arg5[%select_n3A, %dma_start3A_79, %add3A_78, %dma_start3A_80] : memref<8x3x512x512xf32, #tpu.memory_space<hbm>> -> memref<1x1x8x128xf32, #tpu.memory_space<hbm>>
    %dma_start3A_82 = tpu.memref_squeeze %dma_start3A_81 : memref<1x1x8x128xf32, #tpu.memory_space<hbm>> -> memref<8x128xf32, #tpu.memory_space<hbm>>
    %dma_start3A_83 = arith.constant 128 : i32
    %dma_start3A_84 = tpu.memref_slice %arg5[%select_n3A, %dma_start3A_79, %add3A_78, %dma_start3A_83] : memref<8x3x512x512xf32, #tpu.memory_space<hbm>> -> memref<1x1x8x128xf32, #tpu.memory_space<hbm>>
    %dma_start3A_85 = tpu.memref_squeeze %dma_start3A_84 : memref<1x1x8x128xf32, #tpu.memory_space<hbm>> -> memref<8x128xf32, #tpu.memory_space<hbm>>
    tpu.enqueue_dma source(%dma_start3A_85 : memref<8x128xf32, #tpu.memory_space<hbm>>) target(%arg15 : memref<8x128xf32, #tpu.memory_space<vmem>>) target_semaphore(%arg23 : memref<!tpu.dma_semaphore, #tpu.memory_space<semaphore_mem>>)
    %scan3A = arith.constant 0 : i32
    %scan3A_86 = arith.constant 32 : i32
    %scan3A_87 = arith.addi %scan3A, %scan3A_86 : i32
    %scan3A_88 = arith.constant 1 : i32
    scf.for %scan3A_143 = %scan3A to %scan3A_87 step %scan3A_88  : i32 {
      %mul3A_144 = arith.constant 2 : i32
      %mul3A_145 = arith.muli %scan3A_143, %mul3A_144 : i32
      %add3A_146 = arith.constant 0 : i32
      %add3A_147 = arith.addi %add3A_146, %mul3A_145 : i32
      %add3A_148 = arith.constant 0 : i32
      %add3A_149 = arith.addi %add3A_147, %add3A_148 : i32
      %add3A_150 = arith.constant 0 : i32
      %add3A_151 = arith.addi %mul3A_32, %add3A_150 : i32
      %dma_wait3A_152 = arith.constant 0 : i32
      %dma_wait3A_153 = arith.constant 0 : i32
      %dma_wait3A_154 = tpu.memref_slice %arg5[%select_n3A, %dma_wait3A_152, %add3A_151, %dma_wait3A_153] : memref<8x3x512x512xf32, #tpu.memory_space<hbm>> -> memref<1x1x8x128xf32, #tpu.memory_space<hbm>>
      %dma_wait3A_155 = tpu.memref_squeeze %dma_wait3A_154 : memref<1x1x8x128xf32, #tpu.memory_space<hbm>> -> memref<8x128xf32, #tpu.memory_space<hbm>>
      %dma_wait3A_156 = arith.constant 0 : i32
      %dma_wait3A_157 = tpu.memref_slice %arg5[%select_n3A, %dma_wait3A_152, %add3A_151, %dma_wait3A_156] : memref<8x3x512x512xf32, #tpu.memory_space<hbm>> -> memref<1x1x8x128xf32, #tpu.memory_space<hbm>>
      %dma_wait3A_158 = tpu.memref_squeeze %dma_wait3A_157 : memref<1x1x8x128xf32, #tpu.memory_space<hbm>> -> memref<8x128xf32, #tpu.memory_space<hbm>>
      tpu.wait_dma2 semaphore(%arg22 : memref<!tpu.dma_semaphore, #tpu.memory_space<semaphore_mem>>) src(%dma_wait3A_158 : memref<8x128xf32, #tpu.memory_space<hbm>>) dst(%arg10 : memref<8x128xf32, #tpu.memory_space<vmem>>)
      %add3A_159 = arith.constant 0 : i32
      %add3A_160 = arith.addi %mul3A_32, %add3A_159 : i32
      %dma_wait3A_161 = arith.constant 0 : i32
      %dma_wait3A_162 = arith.constant 0 : i32
      %dma_wait3A_163 = tpu.memref_slice %arg5[%select_n3A, %dma_wait3A_161, %add3A_160, %dma_wait3A_162] : memref<8x3x512x512xf32, #tpu.memory_space<hbm>> -> memref<1x1x8x128xf32, #tpu.memory_space<hbm>>
      %dma_wait3A_164 = tpu.memref_squeeze %dma_wait3A_163 : memref<1x1x8x128xf32, #tpu.memory_space<hbm>> -> memref<8x128xf32, #tpu.memory_space<hbm>>
      %dma_wait3A_165 = arith.constant 0 : i32
      %dma_wait3A_166 = tpu.memref_slice %arg5[%select_n3A, %dma_wait3A_161, %add3A_160, %dma_wait3A_165] : memref<8x3x512x512xf32, #tpu.memory_space<hbm>> -> memref<1x1x8x128xf32, #tpu.memory_space<hbm>>
      %dma_wait3A_167 = tpu.memref_squeeze %dma_wait3A_166 : memref<1x1x8x128xf32, #tpu.memory_space<hbm>> -> memref<8x128xf32, #tpu.memory_space<hbm>>
      tpu.wait_dma2 semaphore(%arg22 : memref<!tpu.dma_semaphore, #tpu.memory_space<semaphore_mem>>) src(%dma_wait3A_167 : memref<8x128xf32, #tpu.memory_space<hbm>>) dst(%arg12 : memref<8x128xf32, #tpu.memory_space<vmem>>)
      %add3A_168 = arith.constant 0 : i32
      %add3A_169 = arith.addi %mul3A_32, %add3A_168 : i32
      %dma_wait3A_170 = arith.constant 0 : i32
      %dma_wait3A_171 = arith.constant 0 : i32
      %dma_wait3A_172 = tpu.memref_slice %arg5[%select_n3A, %dma_wait3A_170, %add3A_169, %dma_wait3A_171] : memref<8x3x512x512xf32, #tpu.memory_space<hbm>> -> memref<1x1x8x128xf32, #tpu.memory_space<hbm>>
      %dma_wait3A_173 = tpu.memref_squeeze %dma_wait3A_172 : memref<1x1x8x128xf32, #tpu.memory_space<hbm>> -> memref<8x128xf32, #tpu.memory_space<hbm>>
      %dma_wait3A_174 = arith.constant 0 : i32
      %dma_wait3A_175 = tpu.memref_slice %arg5[%select_n3A, %dma_wait3A_170, %add3A_169, %dma_wait3A_174] : memref<8x3x512x512xf32, #tpu.memory_space<hbm>> -> memref<1x1x8x128xf32, #tpu.memory_space<hbm>>
      %dma_wait3A_176 = tpu.memref_squeeze %dma_wait3A_175 : memref<1x1x8x128xf32, #tpu.memory_space<hbm>> -> memref<8x128xf32, #tpu.memory_space<hbm>>
      tpu.wait_dma2 semaphore(%arg22 : memref<!tpu.dma_semaphore, #tpu.memory_space<semaphore_mem>>) src(%dma_wait3A_176 : memref<8x128xf32, #tpu.memory_space<hbm>>) dst(%arg14 : memref<8x128xf32, #tpu.memory_space<vmem>>)
      %ge3A = arith.constant 2 : i32
      %ge3A_177 = arith.cmpi sge, %add3A_149, %ge3A : i32
      %convert_element_type3A = arith.extui %ge3A_177 : i1 to i32
      %cond3A = arith.constant 0 : i32
      %cond3A_178 = arith.cmpi ne, %convert_element_type3A, %cond3A : i32
      scf.if %cond3A_178 {
        %add3A_315 = arith.constant 0 : i32
        %add3A_316 = arith.addi %mul3A_32, %add3A_315 : i32
        %dma_wait3A_317 = arith.constant 0 : i32
        %dma_wait3A_318 = arith.constant 0 : i32
        %dma_wait3A_319 = tpu.memref_slice %arg6[%select_n3A, %dma_wait3A_317, %add3A_316, %dma_wait3A_318] : memref<8x3x512x512xf32, #tpu.memory_space<hbm>> -> memref<1x1x8x128xf32, #tpu.memory_space<hbm>>
        %dma_wait3A_320 = tpu.memref_squeeze %dma_wait3A_319 : memref<1x1x8x128xf32, #tpu.memory_space<hbm>> -> memref<8x128xf32, #tpu.memory_space<hbm>>
        %dma_wait3A_321 = arith.constant 0 : i32
        %dma_wait3A_322 = tpu.memref_slice %arg6[%select_n3A, %dma_wait3A_317, %add3A_316, %dma_wait3A_321] : memref<8x3x512x512xf32, #tpu.memory_space<hbm>> -> memref<1x1x8x128xf32, #tpu.memory_space<hbm>>
        %dma_wait3A_323 = tpu.memref_squeeze %dma_wait3A_322 : memref<1x1x8x128xf32, #tpu.memory_space<hbm>> -> memref<8x128xf32, #tpu.memory_space<hbm>>
        tpu.wait_dma2 semaphore(%arg24 : memref<!tpu.dma_semaphore, #tpu.memory_space<semaphore_mem>>) src(%arg16 : memref<8x128xf32, #tpu.memory_space<vmem>>) dst(%dma_wait3A_323 : memref<8x128xf32, #tpu.memory_space<hbm>>)
        %add3A_324 = arith.constant 0 : i32
        %add3A_325 = arith.addi %mul3A_32, %add3A_324 : i32
        %dma_wait3A_326 = arith.constant 0 : i32
        %dma_wait3A_327 = arith.constant 0 : i32
        %dma_wait3A_328 = tpu.memref_slice %arg6[%select_n3A, %dma_wait3A_326, %add3A_325, %dma_wait3A_327] : memref<8x3x512x512xf32, #tpu.memory_space<hbm>> -> memref<1x1x8x128xf32, #tpu.memory_space<hbm>>
        %dma_wait3A_329 = tpu.memref_squeeze %dma_wait3A_328 : memref<1x1x8x128xf32, #tpu.memory_space<hbm>> -> memref<8x128xf32, #tpu.memory_space<hbm>>
        %dma_wait3A_330 = arith.constant 0 : i32
        %dma_wait3A_331 = tpu.memref_slice %arg6[%select_n3A, %dma_wait3A_326, %add3A_325, %dma_wait3A_330] : memref<8x3x512x512xf32, #tpu.memory_space<hbm>> -> memref<1x1x8x128xf32, #tpu.memory_space<hbm>>
        %dma_wait3A_332 = tpu.memref_squeeze %dma_wait3A_331 : memref<1x1x8x128xf32, #tpu.memory_space<hbm>> -> memref<8x128xf32, #tpu.memory_space<hbm>>
        tpu.wait_dma2 semaphore(%arg24 : memref<!tpu.dma_semaphore, #tpu.memory_space<semaphore_mem>>) src(%arg17 : memref<8x128xf32, #tpu.memory_space<vmem>>) dst(%dma_wait3A_332 : memref<8x128xf32, #tpu.memory_space<hbm>>)
        %add3A_333 = arith.constant 0 : i32
        %add3A_334 = arith.addi %mul3A_32, %add3A_333 : i32
        %dma_wait3A_335 = arith.constant 0 : i32
        %dma_wait3A_336 = arith.constant 0 : i32
        %dma_wait3A_337 = tpu.memref_slice %arg6[%select_n3A, %dma_wait3A_335, %add3A_334, %dma_wait3A_336] : memref<8x3x512x512xf32, #tpu.memory_space<hbm>> -> memref<1x1x8x128xf32, #tpu.memory_space<hbm>>
        %dma_wait3A_338 = tpu.memref_squeeze %dma_wait3A_337 : memref<1x1x8x128xf32, #tpu.memory_space<hbm>> -> memref<8x128xf32, #tpu.memory_space<hbm>>
        %dma_wait3A_339 = arith.constant 0 : i32
        %dma_wait3A_340 = tpu.memref_slice %arg6[%select_n3A, %dma_wait3A_335, %add3A_334, %dma_wait3A_339] : memref<8x3x512x512xf32, #tpu.memory_space<hbm>> -> memref<1x1x8x128xf32, #tpu.memory_space<hbm>>
        %dma_wait3A_341 = tpu.memref_squeeze %dma_wait3A_340 : memref<1x1x8x128xf32, #tpu.memory_space<hbm>> -> memref<8x128xf32, #tpu.memory_space<hbm>>
        tpu.wait_dma2 semaphore(%arg24 : memref<!tpu.dma_semaphore, #tpu.memory_space<semaphore_mem>>) src(%arg18 : memref<8x128xf32, #tpu.memory_space<vmem>>) dst(%dma_wait3A_341 : memref<8x128xf32, #tpu.memory_space<hbm>>)
      } else {
      }
      %parallel_loop3A = arith.constant 0 : i32
      %parallel_loop3A_179 = arith.constant 1024 : i32
      %parallel_loop3A_180 = arith.constant 16 : i32
      scf.for %parallel_loop3A_315 = %parallel_loop3A to %parallel_loop3A_179 step %parallel_loop3A_180  : i32 {
        %parallel_loop3A_316 = arith.constant 7 : i32
        %parallel_loop3A_317 = arith.shrsi %parallel_loop3A_315, %parallel_loop3A_316 : i32
        %parallel_loop3A_318 = arith.constant 127 : i32
        %parallel_loop3A_319 = arith.andi %parallel_loop3A_315, %parallel_loop3A_318 : i32
        %parallel_loop3A_320 = tpu.assume_multiple %parallel_loop3A_319, 16 : i32
        %parallel_loop3A_321 = arith.index_cast %parallel_loop3A_317 : i32 to index
        %parallel_loop3A_322 = arith.index_cast %parallel_loop3A_320 : i32 to index
        %parallel_loop3A_323 = tpu.vector_load %arg10[%parallel_loop3A_321, %parallel_loop3A_322] {strides = array<i32>} : memref<8x128xf32, #tpu.memory_space<vmem>>, vector<16xf32>,
        %parallel_loop3A_324 = arith.index_cast %parallel_loop3A_317 : i32 to index
        %parallel_loop3A_325 = arith.index_cast %parallel_loop3A_320 : i32 to index
        %parallel_loop3A_326 = tpu.vector_load %arg12[%parallel_loop3A_324, %parallel_loop3A_325] {strides = array<i32>} : memref<8x128xf32, #tpu.memory_space<vmem>>, vector<16xf32>,
        %parallel_loop3A_327 = arith.index_cast %parallel_loop3A_317 : i32 to index
        %parallel_loop3A_328 = arith.index_cast %parallel_loop3A_320 : i32 to index
        %parallel_loop3A_329 = tpu.vector_load %arg14[%parallel_loop3A_327, %parallel_loop3A_328] {strides = array<i32>} : memref<8x128xf32, #tpu.memory_space<vmem>>, vector<16xf32>,
        %parallel_loop3A_330 = arith.constant 3.199680e+01 : f32
        %parallel_loop3A_331 = vector.broadcast %parallel_loop3A_330 : f32 to vector<16xf32>
        %parallel_loop3A_332 = arith.mulf %parallel_loop3A_323, %parallel_loop3A_331 : vector<16xf32>
        %parallel_loop3A_333 = arith.constant 3.199680e+01 : f32
        %parallel_loop3A_334 = vector.broadcast %parallel_loop3A_333 : f32 to vector<16xf32>
        %parallel_loop3A_335 = arith.mulf %parallel_loop3A_326, %parallel_loop3A_334 : vector<16xf32>
        %parallel_loop3A_336 = arith.constant 3.199680e+01 : f32
        %parallel_loop3A_337 = vector.broadcast %parallel_loop3A_336 : f32 to vector<16xf32>
        %parallel_loop3A_338 = arith.mulf %parallel_loop3A_329, %parallel_loop3A_337 : vector<16xf32>
        %parallel_loop3A_339 = arith.fptosi %parallel_loop3A_332 : vector<16xf32> to vector<16xi32>
        %parallel_loop3A_340 = arith.fptosi %parallel_loop3A_335 : vector<16xf32> to vector<16xi32>
        %parallel_loop3A_341 = arith.fptosi %parallel_loop3A_338 : vector<16xf32> to vector<16xi32>
        %parallel_loop3A_342 = arith.sitofp %parallel_loop3A_339 : vector<16xi32> to vector<16xf32>
        %parallel_loop3A_343 = arith.subf %parallel_loop3A_332, %parallel_loop3A_342 : vector<16xf32>
        %parallel_loop3A_344 = arith.sitofp %parallel_loop3A_340 : vector<16xi32> to vector<16xf32>
        %parallel_loop3A_345 = arith.subf %parallel_loop3A_335, %parallel_loop3A_344 : vector<16xf32>
        %parallel_loop3A_346 = arith.sitofp %parallel_loop3A_341 : vector<16xi32> to vector<16xf32>
        %parallel_loop3A_347 = arith.subf %parallel_loop3A_338, %parallel_loop3A_346 : vector<16xf32>
        %parallel_loop3A_348 = arith.constant 33 : i32
        %parallel_loop3A_349 = vector.broadcast %parallel_loop3A_348 : i32 to vector<16xi32>
        %parallel_loop3A_350 = arith.muli %parallel_loop3A_340, %parallel_loop3A_349 : vector<16xi32>
        %parallel_loop3A_351 = arith.addi %parallel_loop3A_339, %parallel_loop3A_350 : vector<16xi32>
        %parallel_loop3A_352 = arith.constant 1089 : i32
        %parallel_loop3A_353 = vector.broadcast %parallel_loop3A_352 : i32 to vector<16xi32>
        %parallel_loop3A_354 = arith.muli %parallel_loop3A_341, %parallel_loop3A_353 : vector<16xi32>
        %parallel_loop3A_355 = arith.addi %parallel_loop3A_351, %parallel_loop3A_354 : vector<16xi32>
        %parallel_loop3A_356 = arith.constant 1.000000e+00 : f32
        %parallel_loop3A_357 = vector.broadcast %parallel_loop3A_356 : f32 to vector<16xf32>
        %parallel_loop3A_358 = arith.subf %parallel_loop3A_357, %parallel_loop3A_343 : vector<16xf32>
        %parallel_loop3A_359 = arith.constant 1.000000e+00 : f32
        %parallel_loop3A_360 = vector.broadcast %parallel_loop3A_359 : f32 to vector<16xf32>
        %parallel_loop3A_361 = arith.subf %parallel_loop3A_360, %parallel_loop3A_345 : vector<16xf32>
        %parallel_loop3A_362 = arith.constant 1.000000e+00 : f32
        %parallel_loop3A_363 = vector.broadcast %parallel_loop3A_362 : f32 to vector<16xf32>
        %parallel_loop3A_364 = arith.subf %parallel_loop3A_363, %parallel_loop3A_347 : vector<16xf32>
        %parallel_loop3A_365 = arith.mulf %parallel_loop3A_361, %parallel_loop3A_364 : vector<16xf32>
        %parallel_loop3A_366 = arith.mulf %parallel_loop3A_345, %parallel_loop3A_364 : vector<16xf32>
        %parallel_loop3A_367 = arith.mulf %parallel_loop3A_361, %parallel_loop3A_347 : vector<16xf32>
        %parallel_loop3A_368 = arith.mulf %parallel_loop3A_345, %parallel_loop3A_347 : vector<16xf32>
        %parallel_loop3A_369 = arith.mulf %parallel_loop3A_358, %parallel_loop3A_365 : vector<16xf32>
        %parallel_loop3A_370 = arith.mulf %parallel_loop3A_343, %parallel_loop3A_365 : vector<16xf32>
        %parallel_loop3A_371 = arith.mulf %parallel_loop3A_358, %parallel_loop3A_366 : vector<16xf32>
        %parallel_loop3A_372 = arith.mulf %parallel_loop3A_343, %parallel_loop3A_366 : vector<16xf32>
        %parallel_loop3A_373 = arith.mulf %parallel_loop3A_358, %parallel_loop3A_367 : vector<16xf32>
        %parallel_loop3A_374 = arith.mulf %parallel_loop3A_343, %parallel_loop3A_367 : vector<16xf32>
        %parallel_loop3A_375 = arith.mulf %parallel_loop3A_358, %parallel_loop3A_368 : vector<16xf32>
        %parallel_loop3A_376 = arith.mulf %parallel_loop3A_343, %parallel_loop3A_368 : vector<16xf32>
        %parallel_loop3A_377 = tpu.vector_load_idx %arg7[%parallel_loop3A_355] : memref<35937xf32, #tpu.memory_space<vmem>>[vector<16xi32>], vector<16xf32>,
        %parallel_loop3A_378 = arith.mulf %parallel_loop3A_369, %parallel_loop3A_377 : vector<16xf32>
        %parallel_loop3A_379 = tpu.vector_load_idx %arg8[%parallel_loop3A_355] : memref<35937xf32, #tpu.memory_space<vmem>>[vector<16xi32>], vector<16xf32>,
        %parallel_loop3A_380 = arith.mulf %parallel_loop3A_369, %parallel_loop3A_379 : vector<16xf32>
        %parallel_loop3A_381 = tpu.vector_load_idx %arg9[%parallel_loop3A_355] : memref<35937xf32, #tpu.memory_space<vmem>>[vector<16xi32>], vector<16xf32>,
        %parallel_loop3A_382 = arith.mulf %parallel_loop3A_369, %parallel_loop3A_381 : vector<16xf32>
        %parallel_loop3A_383 = arith.constant 1 : i32
        %parallel_loop3A_384 = vector.broadcast %parallel_loop3A_383 : i32 to vector<16xi32>
        %parallel_loop3A_385 = arith.addi %parallel_loop3A_355, %parallel_loop3A_384 : vector<16xi32>
        %parallel_loop3A_386 = tpu.vector_load_idx %arg7[%parallel_loop3A_385] : memref<35937xf32, #tpu.memory_space<vmem>>[vector<16xi32>], vector<16xf32>,
        %parallel_loop3A_387 = arith.mulf %parallel_loop3A_370, %parallel_loop3A_386 : vector<16xf32>
        %parallel_loop3A_388 = arith.addf %parallel_loop3A_378, %parallel_loop3A_387 : vector<16xf32>
        %parallel_loop3A_389 = tpu.vector_load_idx %arg8[%parallel_loop3A_385] : memref<35937xf32, #tpu.memory_space<vmem>>[vector<16xi32>], vector<16xf32>,
        %parallel_loop3A_390 = arith.mulf %parallel_loop3A_370, %parallel_loop3A_389 : vector<16xf32>
        %parallel_loop3A_391 = arith.addf %parallel_loop3A_380, %parallel_loop3A_390 : vector<16xf32>
        %parallel_loop3A_392 = tpu.vector_load_idx %arg9[%parallel_loop3A_385] : memref<35937xf32, #tpu.memory_space<vmem>>[vector<16xi32>], vector<16xf32>,
        %parallel_loop3A_393 = arith.mulf %parallel_loop3A_370, %parallel_loop3A_392 : vector<16xf32>
        %parallel_loop3A_394 = arith.addf %parallel_loop3A_382, %parallel_loop3A_393 : vector<16xf32>
        %parallel_loop3A_395 = arith.constant 33 : i32
        %parallel_loop3A_396 = vector.broadcast %parallel_loop3A_395 : i32 to vector<16xi32>
        %parallel_loop3A_397 = arith.addi %parallel_loop3A_355, %parallel_loop3A_396 : vector<16xi32>
        %parallel_loop3A_398 = tpu.vector_load_idx %arg7[%parallel_loop3A_397] : memref<35937xf32, #tpu.memory_space<vmem>>[vector<16xi32>], vector<16xf32>,
        %parallel_loop3A_399 = arith.mulf %parallel_loop3A_371, %parallel_loop3A_398 : vector<16xf32>
        %parallel_loop3A_400 = arith.addf %parallel_loop3A_388, %parallel_loop3A_399 : vector<16xf32>
        %parallel_loop3A_401 = tpu.vector_load_idx %arg8[%parallel_loop3A_397] : memref<35937xf32, #tpu.memory_space<vmem>>[vector<16xi32>], vector<16xf32>,
        %parallel_loop3A_402 = arith.mulf %parallel_loop3A_371, %parallel_loop3A_401 : vector<16xf32>
        %parallel_loop3A_403 = arith.addf %parallel_loop3A_391, %parallel_loop3A_402 : vector<16xf32>
        %parallel_loop3A_404 = tpu.vector_load_idx %arg9[%parallel_loop3A_397] : memref<35937xf32, #tpu.memory_space<vmem>>[vector<16xi32>], vector<16xf32>,
        %parallel_loop3A_405 = arith.mulf %parallel_loop3A_371, %parallel_loop3A_404 : vector<16xf32>
        %parallel_loop3A_406 = arith.addf %parallel_loop3A_394, %parallel_loop3A_405 : vector<16xf32>
        %parallel_loop3A_407 = arith.constant 34 : i32
        %parallel_loop3A_408 = vector.broadcast %parallel_loop3A_407 : i32 to vector<16xi32>
        %parallel_loop3A_409 = arith.addi %parallel_loop3A_355, %parallel_loop3A_408 : vector<16xi32>
        %parallel_loop3A_410 = tpu.vector_load_idx %arg7[%parallel_loop3A_409] : memref<35937xf32, #tpu.memory_space<vmem>>[vector<16xi32>], vector<16xf32>,
        %parallel_loop3A_411 = arith.mulf %parallel_loop3A_372, %parallel_loop3A_410 : vector<16xf32>
        %parallel_loop3A_412 = arith.addf %parallel_loop3A_400, %parallel_loop3A_411 : vector<16xf32>
        %parallel_loop3A_413 = tpu.vector_load_idx %arg8[%parallel_loop3A_409] : memref<35937xf32, #tpu.memory_space<vmem>>[vector<16xi32>], vector<16xf32>,
        %parallel_loop3A_414 = arith.mulf %parallel_loop3A_372, %parallel_loop3A_413 : vector<16xf32>
        %parallel_loop3A_415 = arith.addf %parallel_loop3A_403, %parallel_loop3A_414 : vector<16xf32>
        %parallel_loop3A_416 = tpu.vector_load_idx %arg9[%parallel_loop3A_409] : memref<35937xf32, #tpu.memory_space<vmem>>[vector<16xi32>], vector<16xf32>,
        %parallel_loop3A_417 = arith.mulf %parallel_loop3A_372, %parallel_loop3A_416 : vector<16xf32>
        %parallel_loop3A_418 = arith.addf %parallel_loop3A_406, %parallel_loop3A_417 : vector<16xf32>
        %parallel_loop3A_419 = arith.constant 1089 : i32
        %parallel_loop3A_420 = vector.broadcast %parallel_loop3A_419 : i32 to vector<16xi32>
        %parallel_loop3A_421 = arith.addi %parallel_loop3A_355, %parallel_loop3A_420 : vector<16xi32>
        %parallel_loop3A_422 = tpu.vector_load_idx %arg7[%parallel_loop3A_421] : memref<35937xf32, #tpu.memory_space<vmem>>[vector<16xi32>], vector<16xf32>,
        %parallel_loop3A_423 = arith.mulf %parallel_loop3A_373, %parallel_loop3A_422 : vector<16xf32>
        %parallel_loop3A_424 = arith.addf %parallel_loop3A_412, %parallel_loop3A_423 : vector<16xf32>
        %parallel_loop3A_425 = tpu.vector_load_idx %arg8[%parallel_loop3A_421] : memref<35937xf32, #tpu.memory_space<vmem>>[vector<16xi32>], vector<16xf32>,
        %parallel_loop3A_426 = arith.mulf %parallel_loop3A_373, %parallel_loop3A_425 : vector<16xf32>
        %parallel_loop3A_427 = arith.addf %parallel_loop3A_415, %parallel_loop3A_426 : vector<16xf32>
        %parallel_loop3A_428 = tpu.vector_load_idx %arg9[%parallel_loop3A_421] : memref<35937xf32, #tpu.memory_space<vmem>>[vector<16xi32>], vector<16xf32>,
        %parallel_loop3A_429 = arith.mulf %parallel_loop3A_373, %parallel_loop3A_428 : vector<16xf32>
        %parallel_loop3A_430 = arith.addf %parallel_loop3A_418, %parallel_loop3A_429 : vector<16xf32>
        %parallel_loop3A_431 = arith.constant 1090 : i32
        %parallel_loop3A_432 = vector.broadcast %parallel_loop3A_431 : i32 to vector<16xi32>
        %parallel_loop3A_433 = arith.addi %parallel_loop3A_355, %parallel_loop3A_432 : vector<16xi32>
        %parallel_loop3A_434 = tpu.vector_load_idx %arg7[%parallel_loop3A_433] : memref<35937xf32, #tpu.memory_space<vmem>>[vector<16xi32>], vector<16xf32>,
        %parallel_loop3A_435 = arith.mulf %parallel_loop3A_374, %parallel_loop3A_434 : vector<16xf32>
        %parallel_loop3A_436 = arith.addf %parallel_loop3A_424, %parallel_loop3A_435 : vector<16xf32>
        %parallel_loop3A_437 = tpu.vector_load_idx %arg8[%parallel_loop3A_433] : memref<35937xf32, #tpu.memory_space<vmem>>[vector<16xi32>], vector<16xf32>,
        %parallel_loop3A_438 = arith.mulf %parallel_loop3A_374, %parallel_loop3A_437 : vector<16xf32>
        %parallel_loop3A_439 = arith.addf %parallel_loop3A_427, %parallel_loop3A_438 : vector<16xf32>
        %parallel_loop3A_440 = tpu.vector_load_idx %arg9[%parallel_loop3A_433] : memref<35937xf32, #tpu.memory_space<vmem>>[vector<16xi32>], vector<16xf32>,
        %parallel_loop3A_441 = arith.mulf %parallel_loop3A_374, %parallel_loop3A_440 : vector<16xf32>
        %parallel_loop3A_442 = arith.addf %parallel_loop3A_430, %parallel_loop3A_441 : vector<16xf32>
        %parallel_loop3A_443 = arith.constant 1122 : i32
        %parallel_loop3A_444 = vector.broadcast %parallel_loop3A_443 : i32 to vector<16xi32>
        %parallel_loop3A_445 = arith.addi %parallel_loop3A_355, %parallel_loop3A_444 : vector<16xi32>
        %parallel_loop3A_446 = tpu.vector_load_idx %arg7[%parallel_loop3A_445] : memref<35937xf32, #tpu.memory_space<vmem>>[vector<16xi32>], vector<16xf32>,
        %parallel_loop3A_447 = arith.mulf %parallel_loop3A_375, %parallel_loop3A_446 : vector<16xf32>
        %parallel_loop3A_448 = arith.addf %parallel_loop3A_436, %parallel_loop3A_447 : vector<16xf32>
        %parallel_loop3A_449 = tpu.vector_load_idx %arg8[%parallel_loop3A_445] : memref<35937xf32, #tpu.memory_space<vmem>>[vector<16xi32>], vector<16xf32>,
        %parallel_loop3A_450 = arith.mulf %parallel_loop3A_375, %parallel_loop3A_449 : vector<16xf32>
        %parallel_loop3A_451 = arith.addf %parallel_loop3A_439, %parallel_loop3A_450 : vector<16xf32>
        %parallel_loop3A_452 = tpu.vector_load_idx %arg9[%parallel_loop3A_445] : memref<35937xf32, #tpu.memory_space<vmem>>[vector<16xi32>], vector<16xf32>,
        %parallel_loop3A_453 = arith.mulf %parallel_loop3A_375, %parallel_loop3A_452 : vector<16xf32>
        %parallel_loop3A_454 = arith.addf %parallel_loop3A_442, %parallel_loop3A_453 : vector<16xf32>
        %parallel_loop3A_455 = arith.constant 1123 : i32
        %parallel_loop3A_456 = vector.broadcast %parallel_loop3A_455 : i32 to vector<16xi32>
        %parallel_loop3A_457 = arith.addi %parallel_loop3A_355, %parallel_loop3A_456 : vector<16xi32>
        %parallel_loop3A_458 = tpu.vector_load_idx %arg7[%parallel_loop3A_457] : memref<35937xf32, #tpu.memory_space<vmem>>[vector<16xi32>], vector<16xf32>,
        %parallel_loop3A_459 = arith.mulf %parallel_loop3A_376, %parallel_loop3A_458 : vector<16xf32>
        %parallel_loop3A_460 = arith.addf %parallel_loop3A_448, %parallel_loop3A_459 : vector<16xf32>
        %parallel_loop3A_461 = tpu.vector_load_idx %arg8[%parallel_loop3A_457] : memref<35937xf32, #tpu.memory_space<vmem>>[vector<16xi32>], vector<16xf32>,
        %parallel_loop3A_462 = arith.mulf %parallel_loop3A_376, %parallel_loop3A_461 : vector<16xf32>
        %parallel_loop3A_463 = arith.addf %parallel_loop3A_451, %parallel_loop3A_462 : vector<16xf32>
        %parallel_loop3A_464 = tpu.vector_load_idx %arg9[%parallel_loop3A_457] : memref<35937xf32, #tpu.memory_space<vmem>>[vector<16xi32>], vector<16xf32>,
        %parallel_loop3A_465 = arith.mulf %parallel_loop3A_376, %parallel_loop3A_464 : vector<16xf32>
        %parallel_loop3A_466 = arith.addf %parallel_loop3A_454, %parallel_loop3A_465 : vector<16xf32>
        %parallel_loop3A_467 = arith.index_cast %parallel_loop3A_317 : i32 to index
        %parallel_loop3A_468 = arith.index_cast %parallel_loop3A_320 : i32 to index
        %parallel_loop3A_469 = tpu.vector_load %arg16[%parallel_loop3A_467, %parallel_loop3A_468] {strides = array<i32>} : memref<8x128xf32, #tpu.memory_space<vmem>>, vector<16xf32>,
        tpu.vector_store %arg16[%parallel_loop3A_467, %parallel_loop3A_468], %parallel_loop3A_460 {strides = array<i32>} : memref<8x128xf32, #tpu.memory_space<vmem>>, vector<16xf32>,
        %parallel_loop3A_470 = arith.index_cast %parallel_loop3A_317 : i32 to index
        %parallel_loop3A_471 = arith.index_cast %parallel_loop3A_320 : i32 to index
        %parallel_loop3A_472 = tpu.vector_load %arg17[%parallel_loop3A_470, %parallel_loop3A_471] {strides = array<i32>} : memref<8x128xf32, #tpu.memory_space<vmem>>, vector<16xf32>,
        tpu.vector_store %arg17[%parallel_loop3A_470, %parallel_loop3A_471], %parallel_loop3A_463 {strides = array<i32>} : memref<8x128xf32, #tpu.memory_space<vmem>>, vector<16xf32>,
        %parallel_loop3A_473 = arith.index_cast %parallel_loop3A_317 : i32 to index
        %parallel_loop3A_474 = arith.index_cast %parallel_loop3A_320 : i32 to index
        %parallel_loop3A_475 = tpu.vector_load %arg18[%parallel_loop3A_473, %parallel_loop3A_474] {strides = array<i32>} : memref<8x128xf32, #tpu.memory_space<vmem>>, vector<16xf32>,
        tpu.vector_store %arg18[%parallel_loop3A_473, %parallel_loop3A_474], %parallel_loop3A_466 {strides = array<i32>} : memref<8x128xf32, #tpu.memory_space<vmem>>, vector<16xf32>,
      } {sc.loop_unroll_factor = 3 : i64, sc.parallel_access}
      %shift_right_arithmetic3A = arith.constant 2 : i32
      %shift_right_arithmetic3A_181 = arith.shrsi %add3A_149, %shift_right_arithmetic3A : i32
      %and3A_182 = arith.constant 3 : i32
      %and3A_183 = arith.andi %add3A_149, %and3A_182 : i32
      %mul3A_184 = arith.constant 8 : i32
      %mul3A_185 = arith.muli %shift_right_arithmetic3A_181, %mul3A_184 : i32
      %add3A_186 = arith.addi %mul3A_32, %mul3A_185 : i32
      %mul3A_187 = arith.constant 128 : i32
      %mul3A_188 = arith.muli %and3A_183, %mul3A_187 : i32
      %dma_start3A_189 = arith.constant 0 : i32
      %dma_start3A_190 = tpu.memref_slice %arg6[%select_n3A, %dma_start3A_189, %add3A_186, %mul3A_188] : memref<8x3x512x512xf32, #tpu.memory_space<hbm>> -> memref<1x1x8x128xf32, #tpu.memory_space<hbm>>
      %dma_start3A_191 = tpu.memref_squeeze %dma_start3A_190 : memref<1x1x8x128xf32, #tpu.memory_space<hbm>> -> memref<8x128xf32, #tpu.memory_space<hbm>>
      %dma_start3A_192 = tpu.memref_slice %arg6[%select_n3A, %dma_start3A_189, %add3A_186, %mul3A_188] : memref<8x3x512x512xf32, #tpu.memory_space<hbm>> -> memref<1x1x8x128xf32, #tpu.memory_space<hbm>>
      %dma_start3A_193 = tpu.memref_squeeze %dma_start3A_192 : memref<1x1x8x128xf32, #tpu.memory_space<hbm>> -> memref<8x128xf32, #tpu.memory_space<hbm>>
      tpu.enqueue_dma source(%arg16 : memref<8x128xf32, #tpu.memory_space<vmem>>) target(%dma_start3A_193 : memref<8x128xf32, #tpu.memory_space<hbm>>) target_semaphore(%arg24 : memref<!tpu.dma_semaphore, #tpu.memory_space<semaphore_mem>>)
      %shift_right_arithmetic3A_194 = arith.constant 2 : i32
      %shift_right_arithmetic3A_195 = arith.shrsi %add3A_149, %shift_right_arithmetic3A_194 : i32
      %and3A_196 = arith.constant 3 : i32
      %and3A_197 = arith.andi %add3A_149, %and3A_196 : i32
      %mul3A_198 = arith.constant 8 : i32
      %mul3A_199 = arith.muli %shift_right_arithmetic3A_195, %mul3A_198 : i32
      %add3A_200 = arith.addi %mul3A_32, %mul3A_199 : i32
      %mul3A_201 = arith.constant 128 : i32
      %mul3A_202 = arith.muli %and3A_197, %mul3A_201 : i32
      %dma_start3A_203 = arith.constant 1 : i32
      %dma_start3A_204 = tpu.memref_slice %arg6[%select_n3A, %dma_start3A_203, %add3A_200, %mul3A_202] : memref<8x3x512x512xf32, #tpu.memory_space<hbm>> -> memref<1x1x8x128xf32, #tpu.memory_space<hbm>>
      %dma_start3A_205 = tpu.memref_squeeze %dma_start3A_204 : memref<1x1x8x128xf32, #tpu.memory_space<hbm>> -> memref<8x128xf32, #tpu.memory_space<hbm>>
      %dma_start3A_206 = tpu.memref_slice %arg6[%select_n3A, %dma_start3A_203, %add3A_200, %mul3A_202] : memref<8x3x512x512xf32, #tpu.memory_space<hbm>> -> memref<1x1x8x128xf32, #tpu.memory_space<hbm>>
      %dma_start3A_207 = tpu.memref_squeeze %dma_start3A_206 : memref<1x1x8x128xf32, #tpu.memory_space<hbm>> -> memref<8x128xf32, #tpu.memory_space<hbm>>
      tpu.enqueue_dma source(%arg17 : memref<8x128xf32, #tpu.memory_space<vmem>>) target(%dma_start3A_207 : memref<8x128xf32, #tpu.memory_space<hbm>>) target_semaphore(%arg24 : memref<!tpu.dma_semaphore, #tpu.memory_space<semaphore_mem>>)
      %shift_right_arithmetic3A_208 = arith.constant 2 : i32
      %shift_right_arithmetic3A_209 = arith.shrsi %add3A_149, %shift_right_arithmetic3A_208 : i32
      %and3A_210 = arith.constant 3 : i32
      %and3A_211 = arith.andi %add3A_149, %and3A_210 : i32
      %mul3A_212 = arith.constant 8 : i32
      %mul3A_213 = arith.muli %shift_right_arithmetic3A_209, %mul3A_212 : i32
      %add3A_214 = arith.addi %mul3A_32, %mul3A_213 : i32
      %mul3A_215 = arith.constant 128 : i32
      %mul3A_216 = arith.muli %and3A_211, %mul3A_215 : i32
      %dma_start3A_217 = arith.constant 2 : i32
      %dma_start3A_218 = tpu.memref_slice %arg6[%select_n3A, %dma_start3A_217, %add3A_214, %mul3A_216] : memref<8x3x512x512xf32, #tpu.memory_space<hbm>> -> memref<1x1x8x128xf32, #tpu.memory_space<hbm>>
      %dma_start3A_219 = tpu.memref_squeeze %dma_start3A_218 : memref<1x1x8x128xf32, #tpu.memory_space<hbm>> -> memref<8x128xf32, #tpu.memory_space<hbm>>
      %dma_start3A_220 = tpu.memref_slice %arg6[%select_n3A, %dma_start3A_217, %add3A_214, %mul3A_216] : memref<8x3x512x512xf32, #tpu.memory_space<hbm>> -> memref<1x1x8x128xf32, #tpu.memory_space<hbm>>
      %dma_start3A_221 = tpu.memref_squeeze %dma_start3A_220 : memref<1x1x8x128xf32, #tpu.memory_space<hbm>> -> memref<8x128xf32, #tpu.memory_space<hbm>>
      tpu.enqueue_dma source(%arg18 : memref<8x128xf32, #tpu.memory_space<vmem>>) target(%dma_start3A_221 : memref<8x128xf32, #tpu.memory_space<hbm>>) target_semaphore(%arg24 : memref<!tpu.dma_semaphore, #tpu.memory_space<semaphore_mem>>)
      %add3A_222 = arith.constant 2 : i32
      %add3A_223 = arith.addi %add3A_149, %add3A_222 : i32
      %lt3A_224 = arith.constant 64 : i32
      %lt3A_225 = arith.cmpi slt, %add3A_223, %lt3A_224 : i32
      %convert_element_type3A_226 = arith.extui %lt3A_225 : i1 to i32
      %cond3A_227 = arith.constant 0 : i32
      %cond3A_228 = arith.cmpi ne, %convert_element_type3A_226, %cond3A_227 : i32
      scf.if %cond3A_228 {
        %add3A_315 = arith.constant 2 : i32
        %add3A_316 = arith.addi %add3A_149, %add3A_315 : i32
        %shift_right_arithmetic3A_317 = arith.constant 2 : i32
        %shift_right_arithmetic3A_318 = arith.shrsi %add3A_316, %shift_right_arithmetic3A_317 : i32
        %and3A_319 = arith.constant 3 : i32
        %and3A_320 = arith.andi %add3A_316, %and3A_319 : i32
        %mul3A_321 = arith.constant 8 : i32
        %mul3A_322 = arith.muli %shift_right_arithmetic3A_318, %mul3A_321 : i32
        %add3A_323 = arith.addi %mul3A_32, %mul3A_322 : i32
        %mul3A_324 = arith.constant 128 : i32
        %mul3A_325 = arith.muli %and3A_320, %mul3A_324 : i32
        %dma_start3A_326 = arith.constant 0 : i32
        %dma_start3A_327 = tpu.memref_slice %arg5[%select_n3A, %dma_start3A_326, %add3A_323, %mul3A_325] : memref<8x3x512x512xf32, #tpu.memory_space<hbm>> -> memref<1x1x8x128xf32, #tpu.memory_space<hbm>>
        %dma_start3A_328 = tpu.memref_squeeze %dma_start3A_327 : memref<1x1x8x128xf32, #tpu.memory_space<hbm>> -> memref<8x128xf32, #tpu.memory_space<hbm>>
        %dma_start3A_329 = tpu.memref_slice %arg5[%select_n3A, %dma_start3A_326, %add3A_323, %mul3A_325] : memref<8x3x512x512xf32, #tpu.memory_space<hbm>> -> memref<1x1x8x128xf32, #tpu.memory_space<hbm>>
        %dma_start3A_330 = tpu.memref_squeeze %dma_start3A_329 : memref<1x1x8x128xf32, #tpu.memory_space<hbm>> -> memref<8x128xf32, #tpu.memory_space<hbm>>
        tpu.enqueue_dma source(%dma_start3A_330 : memref<8x128xf32, #tpu.memory_space<hbm>>) target(%arg10 : memref<8x128xf32, #tpu.memory_space<vmem>>) target_semaphore(%arg22 : memref<!tpu.dma_semaphore, #tpu.memory_space<semaphore_mem>>)
        %shift_right_arithmetic3A_331 = arith.constant 2 : i32
        %shift_right_arithmetic3A_332 = arith.shrsi %add3A_316, %shift_right_arithmetic3A_331 : i32
        %and3A_333 = arith.constant 3 : i32
        %and3A_334 = arith.andi %add3A_316, %and3A_333 : i32
        %mul3A_335 = arith.constant 8 : i32
        %mul3A_336 = arith.muli %shift_right_arithmetic3A_332, %mul3A_335 : i32
        %add3A_337 = arith.addi %mul3A_32, %mul3A_336 : i32
        %mul3A_338 = arith.constant 128 : i32
        %mul3A_339 = arith.muli %and3A_334, %mul3A_338 : i32
        %dma_start3A_340 = arith.constant 1 : i32
        %dma_start3A_341 = tpu.memref_slice %arg5[%select_n3A, %dma_start3A_340, %add3A_337, %mul3A_339] : memref<8x3x512x512xf32, #tpu.memory_space<hbm>> -> memref<1x1x8x128xf32, #tpu.memory_space<hbm>>
        %dma_start3A_342 = tpu.memref_squeeze %dma_start3A_341 : memref<1x1x8x128xf32, #tpu.memory_space<hbm>> -> memref<8x128xf32, #tpu.memory_space<hbm>>
        %dma_start3A_343 = tpu.memref_slice %arg5[%select_n3A, %dma_start3A_340, %add3A_337, %mul3A_339] : memref<8x3x512x512xf32, #tpu.memory_space<hbm>> -> memref<1x1x8x128xf32, #tpu.memory_space<hbm>>
        %dma_start3A_344 = tpu.memref_squeeze %dma_start3A_343 : memref<1x1x8x128xf32, #tpu.memory_space<hbm>> -> memref<8x128xf32, #tpu.memory_space<hbm>>
        tpu.enqueue_dma source(%dma_start3A_344 : memref<8x128xf32, #tpu.memory_space<hbm>>) target(%arg12 : memref<8x128xf32, #tpu.memory_space<vmem>>) target_semaphore(%arg22 : memref<!tpu.dma_semaphore, #tpu.memory_space<semaphore_mem>>)
        %shift_right_arithmetic3A_345 = arith.constant 2 : i32
        %shift_right_arithmetic3A_346 = arith.shrsi %add3A_316, %shift_right_arithmetic3A_345 : i32
        %and3A_347 = arith.constant 3 : i32
        %and3A_348 = arith.andi %add3A_316, %and3A_347 : i32
        %mul3A_349 = arith.constant 8 : i32
        %mul3A_350 = arith.muli %shift_right_arithmetic3A_346, %mul3A_349 : i32
        %add3A_351 = arith.addi %mul3A_32, %mul3A_350 : i32
        %mul3A_352 = arith.constant 128 : i32
        %mul3A_353 = arith.muli %and3A_348, %mul3A_352 : i32
        %dma_start3A_354 = arith.constant 2 : i32
        %dma_start3A_355 = tpu.memref_slice %arg5[%select_n3A, %dma_start3A_354, %add3A_351, %mul3A_353] : memref<8x3x512x512xf32, #tpu.memory_space<hbm>> -> memref<1x1x8x128xf32, #tpu.memory_space<hbm>>
        %dma_start3A_356 = tpu.memref_squeeze %dma_start3A_355 : memref<1x1x8x128xf32, #tpu.memory_space<hbm>> -> memref<8x128xf32, #tpu.memory_space<hbm>>
        %dma_start3A_357 = tpu.memref_slice %arg5[%select_n3A, %dma_start3A_354, %add3A_351, %mul3A_353] : memref<8x3x512x512xf32, #tpu.memory_space<hbm>> -> memref<1x1x8x128xf32, #tpu.memory_space<hbm>>
        %dma_start3A_358 = tpu.memref_squeeze %dma_start3A_357 : memref<1x1x8x128xf32, #tpu.memory_space<hbm>> -> memref<8x128xf32, #tpu.memory_space<hbm>>
        tpu.enqueue_dma source(%dma_start3A_358 : memref<8x128xf32, #tpu.memory_space<hbm>>) target(%arg14 : memref<8x128xf32, #tpu.memory_space<vmem>>) target_semaphore(%arg22 : memref<!tpu.dma_semaphore, #tpu.memory_space<semaphore_mem>>)
      } else {
      }
      %add3A_229 = arith.constant 1 : i32
      %add3A_230 = arith.addi %add3A_147, %add3A_229 : i32
      %add3A_231 = arith.constant 0 : i32
      %add3A_232 = arith.addi %mul3A_32, %add3A_231 : i32
      %dma_wait3A_233 = arith.constant 0 : i32
      %dma_wait3A_234 = arith.constant 0 : i32
      %dma_wait3A_235 = tpu.memref_slice %arg5[%select_n3A, %dma_wait3A_233, %add3A_232, %dma_wait3A_234] : memref<8x3x512x512xf32, #tpu.memory_space<hbm>> -> memref<1x1x8x128xf32, #tpu.memory_space<hbm>>
      %dma_wait3A_236 = tpu.memref_squeeze %dma_wait3A_235 : memref<1x1x8x128xf32, #tpu.memory_space<hbm>> -> memref<8x128xf32, #tpu.memory_space<hbm>>
      %dma_wait3A_237 = arith.constant 0 : i32
      %dma_wait3A_238 = tpu.memref_slice %arg5[%select_n3A, %dma_wait3A_233, %add3A_232, %dma_wait3A_237] : memref<8x3x512x512xf32, #tpu.memory_space<hbm>> -> memref<1x1x8x128xf32, #tpu.memory_space<hbm>>
      %dma_wait3A_239 = tpu.memref_squeeze %dma_wait3A_238 : memref<1x1x8x128xf32, #tpu.memory_space<hbm>> -> memref<8x128xf32, #tpu.memory_space<hbm>>
      tpu.wait_dma2 semaphore(%arg23 : memref<!tpu.dma_semaphore, #tpu.memory_space<semaphore_mem>>) src(%dma_wait3A_239 : memref<8x128xf32, #tpu.memory_space<hbm>>) dst(%arg11 : memref<8x128xf32, #tpu.memory_space<vmem>>)
      %add3A_240 = arith.constant 0 : i32
      %add3A_241 = arith.addi %mul3A_32, %add3A_240 : i32
      %dma_wait3A_242 = arith.constant 0 : i32
      %dma_wait3A_243 = arith.constant 0 : i32
      %dma_wait3A_244 = tpu.memref_slice %arg5[%select_n3A, %dma_wait3A_242, %add3A_241, %dma_wait3A_243] : memref<8x3x512x512xf32, #tpu.memory_space<hbm>> -> memref<1x1x8x128xf32, #tpu.memory_space<hbm>>
      %dma_wait3A_245 = tpu.memref_squeeze %dma_wait3A_244 : memref<1x1x8x128xf32, #tpu.memory_space<hbm>> -> memref<8x128xf32, #tpu.memory_space<hbm>>
      %dma_wait3A_246 = arith.constant 0 : i32
      %dma_wait3A_247 = tpu.memref_slice %arg5[%select_n3A, %dma_wait3A_242, %add3A_241, %dma_wait3A_246] : memref<8x3x512x512xf32, #tpu.memory_space<hbm>> -> memref<1x1x8x128xf32, #tpu.memory_space<hbm>>
      %dma_wait3A_248 = tpu.memref_squeeze %dma_wait3A_247 : memref<1x1x8x128xf32, #tpu.memory_space<hbm>> -> memref<8x128xf32, #tpu.memory_space<hbm>>
      tpu.wait_dma2 semaphore(%arg23 : memref<!tpu.dma_semaphore, #tpu.memory_space<semaphore_mem>>) src(%dma_wait3A_248 : memref<8x128xf32, #tpu.memory_space<hbm>>) dst(%arg13 : memref<8x128xf32, #tpu.memory_space<vmem>>)
      %add3A_249 = arith.constant 0 : i32
      %add3A_250 = arith.addi %mul3A_32, %add3A_249 : i32
      %dma_wait3A_251 = arith.constant 0 : i32
      %dma_wait3A_252 = arith.constant 0 : i32
      %dma_wait3A_253 = tpu.memref_slice %arg5[%select_n3A, %dma_wait3A_251, %add3A_250, %dma_wait3A_252] : memref<8x3x512x512xf32, #tpu.memory_space<hbm>> -> memref<1x1x8x128xf32, #tpu.memory_space<hbm>>
      %dma_wait3A_254 = tpu.memref_squeeze %dma_wait3A_253 : memref<1x1x8x128xf32, #tpu.memory_space<hbm>> -> memref<8x128xf32, #tpu.memory_space<hbm>>
      %dma_wait3A_255 = arith.constant 0 : i32
      %dma_wait3A_256 = tpu.memref_slice %arg5[%select_n3A, %dma_wait3A_251, %add3A_250, %dma_wait3A_255] : memref<8x3x512x512xf32, #tpu.memory_space<hbm>> -> memref<1x1x8x128xf32, #tpu.memory_space<hbm>>
      %dma_wait3A_257 = tpu.memref_squeeze %dma_wait3A_256 : memref<1x1x8x128xf32, #tpu.memory_space<hbm>> -> memref<8x128xf32, #tpu.memory_space<hbm>>
      tpu.wait_dma2 semaphore(%arg23 : memref<!tpu.dma_semaphore, #tpu.memory_space<semaphore_mem>>) src(%dma_wait3A_257 : memref<8x128xf32, #tpu.memory_space<hbm>>) dst(%arg15 : memref<8x128xf32, #tpu.memory_space<vmem>>)
      %ge3A_258 = arith.constant 2 : i32
      %ge3A_259 = arith.cmpi sge, %add3A_230, %ge3A_258 : i32
      %convert_element_type3A_260 = arith.extui %ge3A_259 : i1 to i32
      %cond3A_261 = arith.constant 0 : i32
      %cond3A_262 = arith.cmpi ne, %convert_element_type3A_260, %cond3A_261 : i32
      scf.if %cond3A_262 {
        %add3A_315 = arith.constant 0 : i32
        %add3A_316 = arith.addi %mul3A_32, %add3A_315 : i32
        %dma_wait3A_317 = arith.constant 0 : i32
        %dma_wait3A_318 = arith.constant 0 : i32
        %dma_wait3A_319 = tpu.memref_slice %arg6[%select_n3A, %dma_wait3A_317, %add3A_316, %dma_wait3A_318] : memref<8x3x512x512xf32, #tpu.memory_space<hbm>> -> memref<1x1x8x128xf32, #tpu.memory_space<hbm>>
        %dma_wait3A_320 = tpu.memref_squeeze %dma_wait3A_319 : memref<1x1x8x128xf32, #tpu.memory_space<hbm>> -> memref<8x128xf32, #tpu.memory_space<hbm>>
        %dma_wait3A_321 = arith.constant 0 : i32
        %dma_wait3A_322 = tpu.memref_slice %arg6[%select_n3A, %dma_wait3A_317, %add3A_316, %dma_wait3A_321] : memref<8x3x512x512xf32, #tpu.memory_space<hbm>> -> memref<1x1x8x128xf32, #tpu.memory_space<hbm>>
        %dma_wait3A_323 = tpu.memref_squeeze %dma_wait3A_322 : memref<1x1x8x128xf32, #tpu.memory_space<hbm>> -> memref<8x128xf32, #tpu.memory_space<hbm>>
        tpu.wait_dma2 semaphore(%arg25 : memref<!tpu.dma_semaphore, #tpu.memory_space<semaphore_mem>>) src(%arg19 : memref<8x128xf32, #tpu.memory_space<vmem>>) dst(%dma_wait3A_323 : memref<8x128xf32, #tpu.memory_space<hbm>>)
        %add3A_324 = arith.constant 0 : i32
        %add3A_325 = arith.addi %mul3A_32, %add3A_324 : i32
        %dma_wait3A_326 = arith.constant 0 : i32
        %dma_wait3A_327 = arith.constant 0 : i32
        %dma_wait3A_328 = tpu.memref_slice %arg6[%select_n3A, %dma_wait3A_326, %add3A_325, %dma_wait3A_327] : memref<8x3x512x512xf32, #tpu.memory_space<hbm>> -> memref<1x1x8x128xf32, #tpu.memory_space<hbm>>
        %dma_wait3A_329 = tpu.memref_squeeze %dma_wait3A_328 : memref<1x1x8x128xf32, #tpu.memory_space<hbm>> -> memref<8x128xf32, #tpu.memory_space<hbm>>
        %dma_wait3A_330 = arith.constant 0 : i32
        %dma_wait3A_331 = tpu.memref_slice %arg6[%select_n3A, %dma_wait3A_326, %add3A_325, %dma_wait3A_330] : memref<8x3x512x512xf32, #tpu.memory_space<hbm>> -> memref<1x1x8x128xf32, #tpu.memory_space<hbm>>
        %dma_wait3A_332 = tpu.memref_squeeze %dma_wait3A_331 : memref<1x1x8x128xf32, #tpu.memory_space<hbm>> -> memref<8x128xf32, #tpu.memory_space<hbm>>
        tpu.wait_dma2 semaphore(%arg25 : memref<!tpu.dma_semaphore, #tpu.memory_space<semaphore_mem>>) src(%arg20 : memref<8x128xf32, #tpu.memory_space<vmem>>) dst(%dma_wait3A_332 : memref<8x128xf32, #tpu.memory_space<hbm>>)
        %add3A_333 = arith.constant 0 : i32
        %add3A_334 = arith.addi %mul3A_32, %add3A_333 : i32
        %dma_wait3A_335 = arith.constant 0 : i32
        %dma_wait3A_336 = arith.constant 0 : i32
        %dma_wait3A_337 = tpu.memref_slice %arg6[%select_n3A, %dma_wait3A_335, %add3A_334, %dma_wait3A_336] : memref<8x3x512x512xf32, #tpu.memory_space<hbm>> -> memref<1x1x8x128xf32, #tpu.memory_space<hbm>>
        %dma_wait3A_338 = tpu.memref_squeeze %dma_wait3A_337 : memref<1x1x8x128xf32, #tpu.memory_space<hbm>> -> memref<8x128xf32, #tpu.memory_space<hbm>>
        %dma_wait3A_339 = arith.constant 0 : i32
        %dma_wait3A_340 = tpu.memref_slice %arg6[%select_n3A, %dma_wait3A_335, %add3A_334, %dma_wait3A_339] : memref<8x3x512x512xf32, #tpu.memory_space<hbm>> -> memref<1x1x8x128xf32, #tpu.memory_space<hbm>>
        %dma_wait3A_341 = tpu.memref_squeeze %dma_wait3A_340 : memref<1x1x8x128xf32, #tpu.memory_space<hbm>> -> memref<8x128xf32, #tpu.memory_space<hbm>>
        tpu.wait_dma2 semaphore(%arg25 : memref<!tpu.dma_semaphore, #tpu.memory_space<semaphore_mem>>) src(%arg21 : memref<8x128xf32, #tpu.memory_space<vmem>>) dst(%dma_wait3A_341 : memref<8x128xf32, #tpu.memory_space<hbm>>)
      } else {
      }
      %parallel_loop3A_263 = arith.constant 0 : i32
      %parallel_loop3A_264 = arith.constant 1024 : i32
      %parallel_loop3A_265 = arith.constant 16 : i32
      scf.for %parallel_loop3A_315 = %parallel_loop3A_263 to %parallel_loop3A_264 step %parallel_loop3A_265  : i32 {
        %parallel_loop3A_316 = arith.constant 7 : i32
        %parallel_loop3A_317 = arith.shrsi %parallel_loop3A_315, %parallel_loop3A_316 : i32
        %parallel_loop3A_318 = arith.constant 127 : i32
        %parallel_loop3A_319 = arith.andi %parallel_loop3A_315, %parallel_loop3A_318 : i32
        %parallel_loop3A_320 = tpu.assume_multiple %parallel_loop3A_319, 16 : i32
        %parallel_loop3A_321 = arith.index_cast %parallel_loop3A_317 : i32 to index
        %parallel_loop3A_322 = arith.index_cast %parallel_loop3A_320 : i32 to index
        %parallel_loop3A_323 = tpu.vector_load %arg11[%parallel_loop3A_321, %parallel_loop3A_322] {strides = array<i32>} : memref<8x128xf32, #tpu.memory_space<vmem>>, vector<16xf32>,
        %parallel_loop3A_324 = arith.index_cast %parallel_loop3A_317 : i32 to index
        %parallel_loop3A_325 = arith.index_cast %parallel_loop3A_320 : i32 to index
        %parallel_loop3A_326 = tpu.vector_load %arg13[%parallel_loop3A_324, %parallel_loop3A_325] {strides = array<i32>} : memref<8x128xf32, #tpu.memory_space<vmem>>, vector<16xf32>,
        %parallel_loop3A_327 = arith.index_cast %parallel_loop3A_317 : i32 to index
        %parallel_loop3A_328 = arith.index_cast %parallel_loop3A_320 : i32 to index
        %parallel_loop3A_329 = tpu.vector_load %arg15[%parallel_loop3A_327, %parallel_loop3A_328] {strides = array<i32>} : memref<8x128xf32, #tpu.memory_space<vmem>>, vector<16xf32>,
        %parallel_loop3A_330 = arith.constant 3.199680e+01 : f32
        %parallel_loop3A_331 = vector.broadcast %parallel_loop3A_330 : f32 to vector<16xf32>
        %parallel_loop3A_332 = arith.mulf %parallel_loop3A_323, %parallel_loop3A_331 : vector<16xf32>
        %parallel_loop3A_333 = arith.constant 3.199680e+01 : f32
        %parallel_loop3A_334 = vector.broadcast %parallel_loop3A_333 : f32 to vector<16xf32>
        %parallel_loop3A_335 = arith.mulf %parallel_loop3A_326, %parallel_loop3A_334 : vector<16xf32>
        %parallel_loop3A_336 = arith.constant 3.199680e+01 : f32
        %parallel_loop3A_337 = vector.broadcast %parallel_loop3A_336 : f32 to vector<16xf32>
        %parallel_loop3A_338 = arith.mulf %parallel_loop3A_329, %parallel_loop3A_337 : vector<16xf32>
        %parallel_loop3A_339 = arith.fptosi %parallel_loop3A_332 : vector<16xf32> to vector<16xi32>
        %parallel_loop3A_340 = arith.fptosi %parallel_loop3A_335 : vector<16xf32> to vector<16xi32>
        %parallel_loop3A_341 = arith.fptosi %parallel_loop3A_338 : vector<16xf32> to vector<16xi32>
        %parallel_loop3A_342 = arith.sitofp %parallel_loop3A_339 : vector<16xi32> to vector<16xf32>
        %parallel_loop3A_343 = arith.subf %parallel_loop3A_332, %parallel_loop3A_342 : vector<16xf32>
        %parallel_loop3A_344 = arith.sitofp %parallel_loop3A_340 : vector<16xi32> to vector<16xf32>
        %parallel_loop3A_345 = arith.subf %parallel_loop3A_335, %parallel_loop3A_344 : vector<16xf32>
        %parallel_loop3A_346 = arith.sitofp %parallel_loop3A_341 : vector<16xi32> to vector<16xf32>
        %parallel_loop3A_347 = arith.subf %parallel_loop3A_338, %parallel_loop3A_346 : vector<16xf32>
        %parallel_loop3A_348 = arith.constant 33 : i32
        %parallel_loop3A_349 = vector.broadcast %parallel_loop3A_348 : i32 to vector<16xi32>
        %parallel_loop3A_350 = arith.muli %parallel_loop3A_340, %parallel_loop3A_349 : vector<16xi32>
        %parallel_loop3A_351 = arith.addi %parallel_loop3A_339, %parallel_loop3A_350 : vector<16xi32>
        %parallel_loop3A_352 = arith.constant 1089 : i32
        %parallel_loop3A_353 = vector.broadcast %parallel_loop3A_352 : i32 to vector<16xi32>
        %parallel_loop3A_354 = arith.muli %parallel_loop3A_341, %parallel_loop3A_353 : vector<16xi32>
        %parallel_loop3A_355 = arith.addi %parallel_loop3A_351, %parallel_loop3A_354 : vector<16xi32>
        %parallel_loop3A_356 = arith.constant 1.000000e+00 : f32
        %parallel_loop3A_357 = vector.broadcast %parallel_loop3A_356 : f32 to vector<16xf32>
        %parallel_loop3A_358 = arith.subf %parallel_loop3A_357, %parallel_loop3A_343 : vector<16xf32>
        %parallel_loop3A_359 = arith.constant 1.000000e+00 : f32
        %parallel_loop3A_360 = vector.broadcast %parallel_loop3A_359 : f32 to vector<16xf32>
        %parallel_loop3A_361 = arith.subf %parallel_loop3A_360, %parallel_loop3A_345 : vector<16xf32>
        %parallel_loop3A_362 = arith.constant 1.000000e+00 : f32
        %parallel_loop3A_363 = vector.broadcast %parallel_loop3A_362 : f32 to vector<16xf32>
        %parallel_loop3A_364 = arith.subf %parallel_loop3A_363, %parallel_loop3A_347 : vector<16xf32>
        %parallel_loop3A_365 = arith.mulf %parallel_loop3A_361, %parallel_loop3A_364 : vector<16xf32>
        %parallel_loop3A_366 = arith.mulf %parallel_loop3A_345, %parallel_loop3A_364 : vector<16xf32>
        %parallel_loop3A_367 = arith.mulf %parallel_loop3A_361, %parallel_loop3A_347 : vector<16xf32>
        %parallel_loop3A_368 = arith.mulf %parallel_loop3A_345, %parallel_loop3A_347 : vector<16xf32>
        %parallel_loop3A_369 = arith.mulf %parallel_loop3A_358, %parallel_loop3A_365 : vector<16xf32>
        %parallel_loop3A_370 = arith.mulf %parallel_loop3A_343, %parallel_loop3A_365 : vector<16xf32>
        %parallel_loop3A_371 = arith.mulf %parallel_loop3A_358, %parallel_loop3A_366 : vector<16xf32>
        %parallel_loop3A_372 = arith.mulf %parallel_loop3A_343, %parallel_loop3A_366 : vector<16xf32>
        %parallel_loop3A_373 = arith.mulf %parallel_loop3A_358, %parallel_loop3A_367 : vector<16xf32>
        %parallel_loop3A_374 = arith.mulf %parallel_loop3A_343, %parallel_loop3A_367 : vector<16xf32>
        %parallel_loop3A_375 = arith.mulf %parallel_loop3A_358, %parallel_loop3A_368 : vector<16xf32>
        %parallel_loop3A_376 = arith.mulf %parallel_loop3A_343, %parallel_loop3A_368 : vector<16xf32>
        %parallel_loop3A_377 = tpu.vector_load_idx %arg7[%parallel_loop3A_355] : memref<35937xf32, #tpu.memory_space<vmem>>[vector<16xi32>], vector<16xf32>,
        %parallel_loop3A_378 = arith.mulf %parallel_loop3A_369, %parallel_loop3A_377 : vector<16xf32>
        %parallel_loop3A_379 = tpu.vector_load_idx %arg8[%parallel_loop3A_355] : memref<35937xf32, #tpu.memory_space<vmem>>[vector<16xi32>], vector<16xf32>,
        %parallel_loop3A_380 = arith.mulf %parallel_loop3A_369, %parallel_loop3A_379 : vector<16xf32>
        %parallel_loop3A_381 = tpu.vector_load_idx %arg9[%parallel_loop3A_355] : memref<35937xf32, #tpu.memory_space<vmem>>[vector<16xi32>], vector<16xf32>,
        %parallel_loop3A_382 = arith.mulf %parallel_loop3A_369, %parallel_loop3A_381 : vector<16xf32>
        %parallel_loop3A_383 = arith.constant 1 : i32
        %parallel_loop3A_384 = vector.broadcast %parallel_loop3A_383 : i32 to vector<16xi32>
        %parallel_loop3A_385 = arith.addi %parallel_loop3A_355, %parallel_loop3A_384 : vector<16xi32>
        %parallel_loop3A_386 = tpu.vector_load_idx %arg7[%parallel_loop3A_385] : memref<35937xf32, #tpu.memory_space<vmem>>[vector<16xi32>], vector<16xf32>,
        %parallel_loop3A_387 = arith.mulf %parallel_loop3A_370, %parallel_loop3A_386 : vector<16xf32>
        %parallel_loop3A_388 = arith.addf %parallel_loop3A_378, %parallel_loop3A_387 : vector<16xf32>
        %parallel_loop3A_389 = tpu.vector_load_idx %arg8[%parallel_loop3A_385] : memref<35937xf32, #tpu.memory_space<vmem>>[vector<16xi32>], vector<16xf32>,
        %parallel_loop3A_390 = arith.mulf %parallel_loop3A_370, %parallel_loop3A_389 : vector<16xf32>
        %parallel_loop3A_391 = arith.addf %parallel_loop3A_380, %parallel_loop3A_390 : vector<16xf32>
        %parallel_loop3A_392 = tpu.vector_load_idx %arg9[%parallel_loop3A_385] : memref<35937xf32, #tpu.memory_space<vmem>>[vector<16xi32>], vector<16xf32>,
        %parallel_loop3A_393 = arith.mulf %parallel_loop3A_370, %parallel_loop3A_392 : vector<16xf32>
        %parallel_loop3A_394 = arith.addf %parallel_loop3A_382, %parallel_loop3A_393 : vector<16xf32>
        %parallel_loop3A_395 = arith.constant 33 : i32
        %parallel_loop3A_396 = vector.broadcast %parallel_loop3A_395 : i32 to vector<16xi32>
        %parallel_loop3A_397 = arith.addi %parallel_loop3A_355, %parallel_loop3A_396 : vector<16xi32>
        %parallel_loop3A_398 = tpu.vector_load_idx %arg7[%parallel_loop3A_397] : memref<35937xf32, #tpu.memory_space<vmem>>[vector<16xi32>], vector<16xf32>,
        %parallel_loop3A_399 = arith.mulf %parallel_loop3A_371, %parallel_loop3A_398 : vector<16xf32>
        %parallel_loop3A_400 = arith.addf %parallel_loop3A_388, %parallel_loop3A_399 : vector<16xf32>
        %parallel_loop3A_401 = tpu.vector_load_idx %arg8[%parallel_loop3A_397] : memref<35937xf32, #tpu.memory_space<vmem>>[vector<16xi32>], vector<16xf32>,
        %parallel_loop3A_402 = arith.mulf %parallel_loop3A_371, %parallel_loop3A_401 : vector<16xf32>
        %parallel_loop3A_403 = arith.addf %parallel_loop3A_391, %parallel_loop3A_402 : vector<16xf32>
        %parallel_loop3A_404 = tpu.vector_load_idx %arg9[%parallel_loop3A_397] : memref<35937xf32, #tpu.memory_space<vmem>>[vector<16xi32>], vector<16xf32>,
        %parallel_loop3A_405 = arith.mulf %parallel_loop3A_371, %parallel_loop3A_404 : vector<16xf32>
        %parallel_loop3A_406 = arith.addf %parallel_loop3A_394, %parallel_loop3A_405 : vector<16xf32>
        %parallel_loop3A_407 = arith.constant 34 : i32
        %parallel_loop3A_408 = vector.broadcast %parallel_loop3A_407 : i32 to vector<16xi32>
        %parallel_loop3A_409 = arith.addi %parallel_loop3A_355, %parallel_loop3A_408 : vector<16xi32>
        %parallel_loop3A_410 = tpu.vector_load_idx %arg7[%parallel_loop3A_409] : memref<35937xf32, #tpu.memory_space<vmem>>[vector<16xi32>], vector<16xf32>,
        %parallel_loop3A_411 = arith.mulf %parallel_loop3A_372, %parallel_loop3A_410 : vector<16xf32>
        %parallel_loop3A_412 = arith.addf %parallel_loop3A_400, %parallel_loop3A_411 : vector<16xf32>
        %parallel_loop3A_413 = tpu.vector_load_idx %arg8[%parallel_loop3A_409] : memref<35937xf32, #tpu.memory_space<vmem>>[vector<16xi32>], vector<16xf32>,
        %parallel_loop3A_414 = arith.mulf %parallel_loop3A_372, %parallel_loop3A_413 : vector<16xf32>
        %parallel_loop3A_415 = arith.addf %parallel_loop3A_403, %parallel_loop3A_414 : vector<16xf32>
        %parallel_loop3A_416 = tpu.vector_load_idx %arg9[%parallel_loop3A_409] : memref<35937xf32, #tpu.memory_space<vmem>>[vector<16xi32>], vector<16xf32>,
        %parallel_loop3A_417 = arith.mulf %parallel_loop3A_372, %parallel_loop3A_416 : vector<16xf32>
        %parallel_loop3A_418 = arith.addf %parallel_loop3A_406, %parallel_loop3A_417 : vector<16xf32>
        %parallel_loop3A_419 = arith.constant 1089 : i32
        %parallel_loop3A_420 = vector.broadcast %parallel_loop3A_419 : i32 to vector<16xi32>
        %parallel_loop3A_421 = arith.addi %parallel_loop3A_355, %parallel_loop3A_420 : vector<16xi32>
        %parallel_loop3A_422 = tpu.vector_load_idx %arg7[%parallel_loop3A_421] : memref<35937xf32, #tpu.memory_space<vmem>>[vector<16xi32>], vector<16xf32>,
        %parallel_loop3A_423 = arith.mulf %parallel_loop3A_373, %parallel_loop3A_422 : vector<16xf32>
        %parallel_loop3A_424 = arith.addf %parallel_loop3A_412, %parallel_loop3A_423 : vector<16xf32>
        %parallel_loop3A_425 = tpu.vector_load_idx %arg8[%parallel_loop3A_421] : memref<35937xf32, #tpu.memory_space<vmem>>[vector<16xi32>], vector<16xf32>,
        %parallel_loop3A_426 = arith.mulf %parallel_loop3A_373, %parallel_loop3A_425 : vector<16xf32>
        %parallel_loop3A_427 = arith.addf %parallel_loop3A_415, %parallel_loop3A_426 : vector<16xf32>
        %parallel_loop3A_428 = tpu.vector_load_idx %arg9[%parallel_loop3A_421] : memref<35937xf32, #tpu.memory_space<vmem>>[vector<16xi32>], vector<16xf32>,
        %parallel_loop3A_429 = arith.mulf %parallel_loop3A_373, %parallel_loop3A_428 : vector<16xf32>
        %parallel_loop3A_430 = arith.addf %parallel_loop3A_418, %parallel_loop3A_429 : vector<16xf32>
        %parallel_loop3A_431 = arith.constant 1090 : i32
        %parallel_loop3A_432 = vector.broadcast %parallel_loop3A_431 : i32 to vector<16xi32>
        %parallel_loop3A_433 = arith.addi %parallel_loop3A_355, %parallel_loop3A_432 : vector<16xi32>
        %parallel_loop3A_434 = tpu.vector_load_idx %arg7[%parallel_loop3A_433] : memref<35937xf32, #tpu.memory_space<vmem>>[vector<16xi32>], vector<16xf32>,
        %parallel_loop3A_435 = arith.mulf %parallel_loop3A_374, %parallel_loop3A_434 : vector<16xf32>
        %parallel_loop3A_436 = arith.addf %parallel_loop3A_424, %parallel_loop3A_435 : vector<16xf32>
        %parallel_loop3A_437 = tpu.vector_load_idx %arg8[%parallel_loop3A_433] : memref<35937xf32, #tpu.memory_space<vmem>>[vector<16xi32>], vector<16xf32>,
        %parallel_loop3A_438 = arith.mulf %parallel_loop3A_374, %parallel_loop3A_437 : vector<16xf32>
        %parallel_loop3A_439 = arith.addf %parallel_loop3A_427, %parallel_loop3A_438 : vector<16xf32>
        %parallel_loop3A_440 = tpu.vector_load_idx %arg9[%parallel_loop3A_433] : memref<35937xf32, #tpu.memory_space<vmem>>[vector<16xi32>], vector<16xf32>,
        %parallel_loop3A_441 = arith.mulf %parallel_loop3A_374, %parallel_loop3A_440 : vector<16xf32>
        %parallel_loop3A_442 = arith.addf %parallel_loop3A_430, %parallel_loop3A_441 : vector<16xf32>
        %parallel_loop3A_443 = arith.constant 1122 : i32
        %parallel_loop3A_444 = vector.broadcast %parallel_loop3A_443 : i32 to vector<16xi32>
        %parallel_loop3A_445 = arith.addi %parallel_loop3A_355, %parallel_loop3A_444 : vector<16xi32>
        %parallel_loop3A_446 = tpu.vector_load_idx %arg7[%parallel_loop3A_445] : memref<35937xf32, #tpu.memory_space<vmem>>[vector<16xi32>], vector<16xf32>,
        %parallel_loop3A_447 = arith.mulf %parallel_loop3A_375, %parallel_loop3A_446 : vector<16xf32>
        %parallel_loop3A_448 = arith.addf %parallel_loop3A_436, %parallel_loop3A_447 : vector<16xf32>
        %parallel_loop3A_449 = tpu.vector_load_idx %arg8[%parallel_loop3A_445] : memref<35937xf32, #tpu.memory_space<vmem>>[vector<16xi32>], vector<16xf32>,
        %parallel_loop3A_450 = arith.mulf %parallel_loop3A_375, %parallel_loop3A_449 : vector<16xf32>
        %parallel_loop3A_451 = arith.addf %parallel_loop3A_439, %parallel_loop3A_450 : vector<16xf32>
        %parallel_loop3A_452 = tpu.vector_load_idx %arg9[%parallel_loop3A_445] : memref<35937xf32, #tpu.memory_space<vmem>>[vector<16xi32>], vector<16xf32>,
        %parallel_loop3A_453 = arith.mulf %parallel_loop3A_375, %parallel_loop3A_452 : vector<16xf32>
        %parallel_loop3A_454 = arith.addf %parallel_loop3A_442, %parallel_loop3A_453 : vector<16xf32>
        %parallel_loop3A_455 = arith.constant 1123 : i32
        %parallel_loop3A_456 = vector.broadcast %parallel_loop3A_455 : i32 to vector<16xi32>
        %parallel_loop3A_457 = arith.addi %parallel_loop3A_355, %parallel_loop3A_456 : vector<16xi32>
        %parallel_loop3A_458 = tpu.vector_load_idx %arg7[%parallel_loop3A_457] : memref<35937xf32, #tpu.memory_space<vmem>>[vector<16xi32>], vector<16xf32>,
        %parallel_loop3A_459 = arith.mulf %parallel_loop3A_376, %parallel_loop3A_458 : vector<16xf32>
        %parallel_loop3A_460 = arith.addf %parallel_loop3A_448, %parallel_loop3A_459 : vector<16xf32>
        %parallel_loop3A_461 = tpu.vector_load_idx %arg8[%parallel_loop3A_457] : memref<35937xf32, #tpu.memory_space<vmem>>[vector<16xi32>], vector<16xf32>,
        %parallel_loop3A_462 = arith.mulf %parallel_loop3A_376, %parallel_loop3A_461 : vector<16xf32>
        %parallel_loop3A_463 = arith.addf %parallel_loop3A_451, %parallel_loop3A_462 : vector<16xf32>
        %parallel_loop3A_464 = tpu.vector_load_idx %arg9[%parallel_loop3A_457] : memref<35937xf32, #tpu.memory_space<vmem>>[vector<16xi32>], vector<16xf32>,
        %parallel_loop3A_465 = arith.mulf %parallel_loop3A_376, %parallel_loop3A_464 : vector<16xf32>
        %parallel_loop3A_466 = arith.addf %parallel_loop3A_454, %parallel_loop3A_465 : vector<16xf32>
        %parallel_loop3A_467 = arith.index_cast %parallel_loop3A_317 : i32 to index
        %parallel_loop3A_468 = arith.index_cast %parallel_loop3A_320 : i32 to index
        %parallel_loop3A_469 = tpu.vector_load %arg19[%parallel_loop3A_467, %parallel_loop3A_468] {strides = array<i32>} : memref<8x128xf32, #tpu.memory_space<vmem>>, vector<16xf32>,
        tpu.vector_store %arg19[%parallel_loop3A_467, %parallel_loop3A_468], %parallel_loop3A_460 {strides = array<i32>} : memref<8x128xf32, #tpu.memory_space<vmem>>, vector<16xf32>,
        %parallel_loop3A_470 = arith.index_cast %parallel_loop3A_317 : i32 to index
        %parallel_loop3A_471 = arith.index_cast %parallel_loop3A_320 : i32 to index
        %parallel_loop3A_472 = tpu.vector_load %arg20[%parallel_loop3A_470, %parallel_loop3A_471] {strides = array<i32>} : memref<8x128xf32, #tpu.memory_space<vmem>>, vector<16xf32>,
        tpu.vector_store %arg20[%parallel_loop3A_470, %parallel_loop3A_471], %parallel_loop3A_463 {strides = array<i32>} : memref<8x128xf32, #tpu.memory_space<vmem>>, vector<16xf32>,
        %parallel_loop3A_473 = arith.index_cast %parallel_loop3A_317 : i32 to index
        %parallel_loop3A_474 = arith.index_cast %parallel_loop3A_320 : i32 to index
        %parallel_loop3A_475 = tpu.vector_load %arg21[%parallel_loop3A_473, %parallel_loop3A_474] {strides = array<i32>} : memref<8x128xf32, #tpu.memory_space<vmem>>, vector<16xf32>,
        tpu.vector_store %arg21[%parallel_loop3A_473, %parallel_loop3A_474], %parallel_loop3A_466 {strides = array<i32>} : memref<8x128xf32, #tpu.memory_space<vmem>>, vector<16xf32>,
      } {sc.loop_unroll_factor = 3 : i64, sc.parallel_access}
      %shift_right_arithmetic3A_266 = arith.constant 2 : i32
      %shift_right_arithmetic3A_267 = arith.shrsi %add3A_230, %shift_right_arithmetic3A_266 : i32
      %and3A_268 = arith.constant 3 : i32
      %and3A_269 = arith.andi %add3A_230, %and3A_268 : i32
      %mul3A_270 = arith.constant 8 : i32
      %mul3A_271 = arith.muli %shift_right_arithmetic3A_267, %mul3A_270 : i32
      %add3A_272 = arith.addi %mul3A_32, %mul3A_271 : i32
      %mul3A_273 = arith.constant 128 : i32
      %mul3A_274 = arith.muli %and3A_269, %mul3A_273 : i32
      %dma_start3A_275 = arith.constant 0 : i32
      %dma_start3A_276 = tpu.memref_slice %arg6[%select_n3A, %dma_start3A_275, %add3A_272, %mul3A_274] : memref<8x3x512x512xf32, #tpu.memory_space<hbm>> -> memref<1x1x8x128xf32, #tpu.memory_space<hbm>>
      %dma_start3A_277 = tpu.memref_squeeze %dma_start3A_276 : memref<1x1x8x128xf32, #tpu.memory_space<hbm>> -> memref<8x128xf32, #tpu.memory_space<hbm>>
      %dma_start3A_278 = tpu.memref_slice %arg6[%select_n3A, %dma_start3A_275, %add3A_272, %mul3A_274] : memref<8x3x512x512xf32, #tpu.memory_space<hbm>> -> memref<1x1x8x128xf32, #tpu.memory_space<hbm>>
      %dma_start3A_279 = tpu.memref_squeeze %dma_start3A_278 : memref<1x1x8x128xf32, #tpu.memory_space<hbm>> -> memref<8x128xf32, #tpu.memory_space<hbm>>
      tpu.enqueue_dma source(%arg19 : memref<8x128xf32, #tpu.memory_space<vmem>>) target(%dma_start3A_279 : memref<8x128xf32, #tpu.memory_space<hbm>>) target_semaphore(%arg25 : memref<!tpu.dma_semaphore, #tpu.memory_space<semaphore_mem>>)
      %shift_right_arithmetic3A_280 = arith.constant 2 : i32
      %shift_right_arithmetic3A_281 = arith.shrsi %add3A_230, %shift_right_arithmetic3A_280 : i32
      %and3A_282 = arith.constant 3 : i32
      %and3A_283 = arith.andi %add3A_230, %and3A_282 : i32
      %mul3A_284 = arith.constant 8 : i32
      %mul3A_285 = arith.muli %shift_right_arithmetic3A_281, %mul3A_284 : i32
      %add3A_286 = arith.addi %mul3A_32, %mul3A_285 : i32
      %mul3A_287 = arith.constant 128 : i32
      %mul3A_288 = arith.muli %and3A_283, %mul3A_287 : i32
      %dma_start3A_289 = arith.constant 1 : i32
      %dma_start3A_290 = tpu.memref_slice %arg6[%select_n3A, %dma_start3A_289, %add3A_286, %mul3A_288] : memref<8x3x512x512xf32, #tpu.memory_space<hbm>> -> memref<1x1x8x128xf32, #tpu.memory_space<hbm>>
      %dma_start3A_291 = tpu.memref_squeeze %dma_start3A_290 : memref<1x1x8x128xf32, #tpu.memory_space<hbm>> -> memref<8x128xf32, #tpu.memory_space<hbm>>
      %dma_start3A_292 = tpu.memref_slice %arg6[%select_n3A, %dma_start3A_289, %add3A_286, %mul3A_288] : memref<8x3x512x512xf32, #tpu.memory_space<hbm>> -> memref<1x1x8x128xf32, #tpu.memory_space<hbm>>
      %dma_start3A_293 = tpu.memref_squeeze %dma_start3A_292 : memref<1x1x8x128xf32, #tpu.memory_space<hbm>> -> memref<8x128xf32, #tpu.memory_space<hbm>>
      tpu.enqueue_dma source(%arg20 : memref<8x128xf32, #tpu.memory_space<vmem>>) target(%dma_start3A_293 : memref<8x128xf32, #tpu.memory_space<hbm>>) target_semaphore(%arg25 : memref<!tpu.dma_semaphore, #tpu.memory_space<semaphore_mem>>)
      %shift_right_arithmetic3A_294 = arith.constant 2 : i32
      %shift_right_arithmetic3A_295 = arith.shrsi %add3A_230, %shift_right_arithmetic3A_294 : i32
      %and3A_296 = arith.constant 3 : i32
      %and3A_297 = arith.andi %add3A_230, %and3A_296 : i32
      %mul3A_298 = arith.constant 8 : i32
      %mul3A_299 = arith.muli %shift_right_arithmetic3A_295, %mul3A_298 : i32
      %add3A_300 = arith.addi %mul3A_32, %mul3A_299 : i32
      %mul3A_301 = arith.constant 128 : i32
      %mul3A_302 = arith.muli %and3A_297, %mul3A_301 : i32
      %dma_start3A_303 = arith.constant 2 : i32
      %dma_start3A_304 = tpu.memref_slice %arg6[%select_n3A, %dma_start3A_303, %add3A_300, %mul3A_302] : memref<8x3x512x512xf32, #tpu.memory_space<hbm>> -> memref<1x1x8x128xf32, #tpu.memory_space<hbm>>
      %dma_start3A_305 = tpu.memref_squeeze %dma_start3A_304 : memref<1x1x8x128xf32, #tpu.memory_space<hbm>> -> memref<8x128xf32, #tpu.memory_space<hbm>>
      %dma_start3A_306 = tpu.memref_slice %arg6[%select_n3A, %dma_start3A_303, %add3A_300, %mul3A_302] : memref<8x3x512x512xf32, #tpu.memory_space<hbm>> -> memref<1x1x8x128xf32, #tpu.memory_space<hbm>>
      %dma_start3A_307 = tpu.memref_squeeze %dma_start3A_306 : memref<1x1x8x128xf32, #tpu.memory_space<hbm>> -> memref<8x128xf32, #tpu.memory_space<hbm>>
      tpu.enqueue_dma source(%arg21 : memref<8x128xf32, #tpu.memory_space<vmem>>) target(%dma_start3A_307 : memref<8x128xf32, #tpu.memory_space<hbm>>) target_semaphore(%arg25 : memref<!tpu.dma_semaphore, #tpu.memory_space<semaphore_mem>>)
      %add3A_308 = arith.constant 2 : i32
      %add3A_309 = arith.addi %add3A_230, %add3A_308 : i32
      %lt3A_310 = arith.constant 64 : i32
      %lt3A_311 = arith.cmpi slt, %add3A_309, %lt3A_310 : i32
      %convert_element_type3A_312 = arith.extui %lt3A_311 : i1 to i32
      %cond3A_313 = arith.constant 0 : i32
      %cond3A_314 = arith.cmpi ne, %convert_element_type3A_312, %cond3A_313 : i32
      scf.if %cond3A_314 {
        %add3A_315 = arith.constant 2 : i32
        %add3A_316 = arith.addi %add3A_230, %add3A_315 : i32
        %shift_right_arithmetic3A_317 = arith.constant 2 : i32
        %shift_right_arithmetic3A_318 = arith.shrsi %add3A_316, %shift_right_arithmetic3A_317 : i32
        %and3A_319 = arith.constant 3 : i32
        %and3A_320 = arith.andi %add3A_316, %and3A_319 : i32
        %mul3A_321 = arith.constant 8 : i32
        %mul3A_322 = arith.muli %shift_right_arithmetic3A_318, %mul3A_321 : i32
        %add3A_323 = arith.addi %mul3A_32, %mul3A_322 : i32
        %mul3A_324 = arith.constant 128 : i32
        %mul3A_325 = arith.muli %and3A_320, %mul3A_324 : i32
        %dma_start3A_326 = arith.constant 0 : i32
        %dma_start3A_327 = tpu.memref_slice %arg5[%select_n3A, %dma_start3A_326, %add3A_323, %mul3A_325] : memref<8x3x512x512xf32, #tpu.memory_space<hbm>> -> memref<1x1x8x128xf32, #tpu.memory_space<hbm>>
        %dma_start3A_328 = tpu.memref_squeeze %dma_start3A_327 : memref<1x1x8x128xf32, #tpu.memory_space<hbm>> -> memref<8x128xf32, #tpu.memory_space<hbm>>
        %dma_start3A_329 = tpu.memref_slice %arg5[%select_n3A, %dma_start3A_326, %add3A_323, %mul3A_325] : memref<8x3x512x512xf32, #tpu.memory_space<hbm>> -> memref<1x1x8x128xf32, #tpu.memory_space<hbm>>
        %dma_start3A_330 = tpu.memref_squeeze %dma_start3A_329 : memref<1x1x8x128xf32, #tpu.memory_space<hbm>> -> memref<8x128xf32, #tpu.memory_space<hbm>>
        tpu.enqueue_dma source(%dma_start3A_330 : memref<8x128xf32, #tpu.memory_space<hbm>>) target(%arg11 : memref<8x128xf32, #tpu.memory_space<vmem>>) target_semaphore(%arg23 : memref<!tpu.dma_semaphore, #tpu.memory_space<semaphore_mem>>)
        %shift_right_arithmetic3A_331 = arith.constant 2 : i32
        %shift_right_arithmetic3A_332 = arith.shrsi %add3A_316, %shift_right_arithmetic3A_331 : i32
        %and3A_333 = arith.constant 3 : i32
        %and3A_334 = arith.andi %add3A_316, %and3A_333 : i32
        %mul3A_335 = arith.constant 8 : i32
        %mul3A_336 = arith.muli %shift_right_arithmetic3A_332, %mul3A_335 : i32
        %add3A_337 = arith.addi %mul3A_32, %mul3A_336 : i32
        %mul3A_338 = arith.constant 128 : i32
        %mul3A_339 = arith.muli %and3A_334, %mul3A_338 : i32
        %dma_start3A_340 = arith.constant 1 : i32
        %dma_start3A_341 = tpu.memref_slice %arg5[%select_n3A, %dma_start3A_340, %add3A_337, %mul3A_339] : memref<8x3x512x512xf32, #tpu.memory_space<hbm>> -> memref<1x1x8x128xf32, #tpu.memory_space<hbm>>
        %dma_start3A_342 = tpu.memref_squeeze %dma_start3A_341 : memref<1x1x8x128xf32, #tpu.memory_space<hbm>> -> memref<8x128xf32, #tpu.memory_space<hbm>>
        %dma_start3A_343 = tpu.memref_slice %arg5[%select_n3A, %dma_start3A_340, %add3A_337, %mul3A_339] : memref<8x3x512x512xf32, #tpu.memory_space<hbm>> -> memref<1x1x8x128xf32, #tpu.memory_space<hbm>>
        %dma_start3A_344 = tpu.memref_squeeze %dma_start3A_343 : memref<1x1x8x128xf32, #tpu.memory_space<hbm>> -> memref<8x128xf32, #tpu.memory_space<hbm>>
        tpu.enqueue_dma source(%dma_start3A_344 : memref<8x128xf32, #tpu.memory_space<hbm>>) target(%arg13 : memref<8x128xf32, #tpu.memory_space<vmem>>) target_semaphore(%arg23 : memref<!tpu.dma_semaphore, #tpu.memory_space<semaphore_mem>>)
        %shift_right_arithmetic3A_345 = arith.constant 2 : i32
        %shift_right_arithmetic3A_346 = arith.shrsi %add3A_316, %shift_right_arithmetic3A_345 : i32
        %and3A_347 = arith.constant 3 : i32
        %and3A_348 = arith.andi %add3A_316, %and3A_347 : i32
        %mul3A_349 = arith.constant 8 : i32
        %mul3A_350 = arith.muli %shift_right_arithmetic3A_346, %mul3A_349 : i32
        %add3A_351 = arith.addi %mul3A_32, %mul3A_350 : i32
        %mul3A_352 = arith.constant 128 : i32
        %mul3A_353 = arith.muli %and3A_348, %mul3A_352 : i32
        %dma_start3A_354 = arith.constant 2 : i32
        %dma_start3A_355 = tpu.memref_slice %arg5[%select_n3A, %dma_start3A_354, %add3A_351, %mul3A_353] : memref<8x3x512x512xf32, #tpu.memory_space<hbm>> -> memref<1x1x8x128xf32, #tpu.memory_space<hbm>>
        %dma_start3A_356 = tpu.memref_squeeze %dma_start3A_355 : memref<1x1x8x128xf32, #tpu.memory_space<hbm>> -> memref<8x128xf32, #tpu.memory_space<hbm>>
        %dma_start3A_357 = tpu.memref_slice %arg5[%select_n3A, %dma_start3A_354, %add3A_351, %mul3A_353] : memref<8x3x512x512xf32, #tpu.memory_space<hbm>> -> memref<1x1x8x128xf32, #tpu.memory_space<hbm>>
        %dma_start3A_358 = tpu.memref_squeeze %dma_start3A_357 : memref<1x1x8x128xf32, #tpu.memory_space<hbm>> -> memref<8x128xf32, #tpu.memory_space<hbm>>
        tpu.enqueue_dma source(%dma_start3A_358 : memref<8x128xf32, #tpu.memory_space<hbm>>) target(%arg15 : memref<8x128xf32, #tpu.memory_space<vmem>>) target_semaphore(%arg23 : memref<!tpu.dma_semaphore, #tpu.memory_space<semaphore_mem>>)
      } else {
      }
    }
    %scan3A_89 = arith.constant 32 : i32
    %add3A_90 = arith.constant 0 : i32
    %add3A_91 = arith.addi %mul3A_32, %add3A_90 : i32
    %dma_wait3A = arith.constant 0 : i32
    %dma_wait3A_92 = arith.constant 0 : i32
    %dma_wait3A_93 = tpu.memref_slice %arg6[%select_n3A, %dma_wait3A, %add3A_91, %dma_wait3A_92] : memref<8x3x512x512xf32, #tpu.memory_space<hbm>> -> memref<1x1x8x128xf32, #tpu.memory_space<hbm>>
    %dma_wait3A_94 = tpu.memref_squeeze %dma_wait3A_93 : memref<1x1x8x128xf32, #tpu.memory_space<hbm>> -> memref<8x128xf32, #tpu.memory_space<hbm>>
    %dma_wait3A_95 = arith.constant 0 : i32
    %dma_wait3A_96 = tpu.memref_slice %arg6[%select_n3A, %dma_wait3A, %add3A_91, %dma_wait3A_95] : memref<8x3x512x512xf32, #tpu.memory_space<hbm>> -> memref<1x1x8x128xf32, #tpu.memory_space<hbm>>
    %dma_wait3A_97 = tpu.memref_squeeze %dma_wait3A_96 : memref<1x1x8x128xf32, #tpu.memory_space<hbm>> -> memref<8x128xf32, #tpu.memory_space<hbm>>
    tpu.wait_dma2 semaphore(%arg24 : memref<!tpu.dma_semaphore, #tpu.memory_space<semaphore_mem>>) src(%arg16 : memref<8x128xf32, #tpu.memory_space<vmem>>) dst(%dma_wait3A_97 : memref<8x128xf32, #tpu.memory_space<hbm>>)
    %add3A_98 = arith.constant 0 : i32
    %add3A_99 = arith.addi %mul3A_32, %add3A_98 : i32
    %dma_wait3A_100 = arith.constant 0 : i32
    %dma_wait3A_101 = arith.constant 0 : i32
    %dma_wait3A_102 = tpu.memref_slice %arg6[%select_n3A, %dma_wait3A_100, %add3A_99, %dma_wait3A_101] : memref<8x3x512x512xf32, #tpu.memory_space<hbm>> -> memref<1x1x8x128xf32, #tpu.memory_space<hbm>>
    %dma_wait3A_103 = tpu.memref_squeeze %dma_wait3A_102 : memref<1x1x8x128xf32, #tpu.memory_space<hbm>> -> memref<8x128xf32, #tpu.memory_space<hbm>>
    %dma_wait3A_104 = arith.constant 0 : i32
    %dma_wait3A_105 = tpu.memref_slice %arg6[%select_n3A, %dma_wait3A_100, %add3A_99, %dma_wait3A_104] : memref<8x3x512x512xf32, #tpu.memory_space<hbm>> -> memref<1x1x8x128xf32, #tpu.memory_space<hbm>>
    %dma_wait3A_106 = tpu.memref_squeeze %dma_wait3A_105 : memref<1x1x8x128xf32, #tpu.memory_space<hbm>> -> memref<8x128xf32, #tpu.memory_space<hbm>>
    tpu.wait_dma2 semaphore(%arg24 : memref<!tpu.dma_semaphore, #tpu.memory_space<semaphore_mem>>) src(%arg17 : memref<8x128xf32, #tpu.memory_space<vmem>>) dst(%dma_wait3A_106 : memref<8x128xf32, #tpu.memory_space<hbm>>)
    %add3A_107 = arith.constant 0 : i32
    %add3A_108 = arith.addi %mul3A_32, %add3A_107 : i32
    %dma_wait3A_109 = arith.constant 0 : i32
    %dma_wait3A_110 = arith.constant 0 : i32
    %dma_wait3A_111 = tpu.memref_slice %arg6[%select_n3A, %dma_wait3A_109, %add3A_108, %dma_wait3A_110] : memref<8x3x512x512xf32, #tpu.memory_space<hbm>> -> memref<1x1x8x128xf32, #tpu.memory_space<hbm>>
    %dma_wait3A_112 = tpu.memref_squeeze %dma_wait3A_111 : memref<1x1x8x128xf32, #tpu.memory_space<hbm>> -> memref<8x128xf32, #tpu.memory_space<hbm>>
    %dma_wait3A_113 = arith.constant 0 : i32
    %dma_wait3A_114 = tpu.memref_slice %arg6[%select_n3A, %dma_wait3A_109, %add3A_108, %dma_wait3A_113] : memref<8x3x512x512xf32, #tpu.memory_space<hbm>> -> memref<1x1x8x128xf32, #tpu.memory_space<hbm>>
    %dma_wait3A_115 = tpu.memref_squeeze %dma_wait3A_114 : memref<1x1x8x128xf32, #tpu.memory_space<hbm>> -> memref<8x128xf32, #tpu.memory_space<hbm>>
    tpu.wait_dma2 semaphore(%arg24 : memref<!tpu.dma_semaphore, #tpu.memory_space<semaphore_mem>>) src(%arg18 : memref<8x128xf32, #tpu.memory_space<vmem>>) dst(%dma_wait3A_115 : memref<8x128xf32, #tpu.memory_space<hbm>>)
    %add3A_116 = arith.constant 0 : i32
    %add3A_117 = arith.addi %mul3A_32, %add3A_116 : i32
    %dma_wait3A_118 = arith.constant 0 : i32
    %dma_wait3A_119 = arith.constant 0 : i32
    %dma_wait3A_120 = tpu.memref_slice %arg6[%select_n3A, %dma_wait3A_118, %add3A_117, %dma_wait3A_119] : memref<8x3x512x512xf32, #tpu.memory_space<hbm>> -> memref<1x1x8x128xf32, #tpu.memory_space<hbm>>
    %dma_wait3A_121 = tpu.memref_squeeze %dma_wait3A_120 : memref<1x1x8x128xf32, #tpu.memory_space<hbm>> -> memref<8x128xf32, #tpu.memory_space<hbm>>
    %dma_wait3A_122 = arith.constant 0 : i32
    %dma_wait3A_123 = tpu.memref_slice %arg6[%select_n3A, %dma_wait3A_118, %add3A_117, %dma_wait3A_122] : memref<8x3x512x512xf32, #tpu.memory_space<hbm>> -> memref<1x1x8x128xf32, #tpu.memory_space<hbm>>
    %dma_wait3A_124 = tpu.memref_squeeze %dma_wait3A_123 : memref<1x1x8x128xf32, #tpu.memory_space<hbm>> -> memref<8x128xf32, #tpu.memory_space<hbm>>
    tpu.wait_dma2 semaphore(%arg25 : memref<!tpu.dma_semaphore, #tpu.memory_space<semaphore_mem>>) src(%arg19 : memref<8x128xf32, #tpu.memory_space<vmem>>) dst(%dma_wait3A_124 : memref<8x128xf32, #tpu.memory_space<hbm>>)
    %add3A_125 = arith.constant 0 : i32
    %add3A_126 = arith.addi %mul3A_32, %add3A_125 : i32
    %dma_wait3A_127 = arith.constant 0 : i32
    %dma_wait3A_128 = arith.constant 0 : i32
    %dma_wait3A_129 = tpu.memref_slice %arg6[%select_n3A, %dma_wait3A_127, %add3A_126, %dma_wait3A_128] : memref<8x3x512x512xf32, #tpu.memory_space<hbm>> -> memref<1x1x8x128xf32, #tpu.memory_space<hbm>>
    %dma_wait3A_130 = tpu.memref_squeeze %dma_wait3A_129 : memref<1x1x8x128xf32, #tpu.memory_space<hbm>> -> memref<8x128xf32, #tpu.memory_space<hbm>>
    %dma_wait3A_131 = arith.constant 0 : i32
    %dma_wait3A_132 = tpu.memref_slice %arg6[%select_n3A, %dma_wait3A_127, %add3A_126, %dma_wait3A_131] : memref<8x3x512x512xf32, #tpu.memory_space<hbm>> -> memref<1x1x8x128xf32, #tpu.memory_space<hbm>>
    %dma_wait3A_133 = tpu.memref_squeeze %dma_wait3A_132 : memref<1x1x8x128xf32, #tpu.memory_space<hbm>> -> memref<8x128xf32, #tpu.memory_space<hbm>>
    tpu.wait_dma2 semaphore(%arg25 : memref<!tpu.dma_semaphore, #tpu.memory_space<semaphore_mem>>) src(%arg20 : memref<8x128xf32, #tpu.memory_space<vmem>>) dst(%dma_wait3A_133 : memref<8x128xf32, #tpu.memory_space<hbm>>)
    %add3A_134 = arith.constant 0 : i32
    %add3A_135 = arith.addi %mul3A_32, %add3A_134 : i32
    %dma_wait3A_136 = arith.constant 0 : i32
    %dma_wait3A_137 = arith.constant 0 : i32
    %dma_wait3A_138 = tpu.memref_slice %arg6[%select_n3A, %dma_wait3A_136, %add3A_135, %dma_wait3A_137] : memref<8x3x512x512xf32, #tpu.memory_space<hbm>> -> memref<1x1x8x128xf32, #tpu.memory_space<hbm>>
    %dma_wait3A_139 = tpu.memref_squeeze %dma_wait3A_138 : memref<1x1x8x128xf32, #tpu.memory_space<hbm>> -> memref<8x128xf32, #tpu.memory_space<hbm>>
    %dma_wait3A_140 = arith.constant 0 : i32
    %dma_wait3A_141 = tpu.memref_slice %arg6[%select_n3A, %dma_wait3A_136, %add3A_135, %dma_wait3A_140] : memref<8x3x512x512xf32, #tpu.memory_space<hbm>> -> memref<1x1x8x128xf32, #tpu.memory_space<hbm>>
    %dma_wait3A_142 = tpu.memref_squeeze %dma_wait3A_141 : memref<1x1x8x128xf32, #tpu.memory_space<hbm>> -> memref<8x128xf32, #tpu.memory_space<hbm>>
    tpu.wait_dma2 semaphore(%arg25 : memref<!tpu.dma_semaphore, #tpu.memory_space<semaphore_mem>>) src(%arg21 : memref<8x128xf32, #tpu.memory_space<vmem>>) dst(%dma_wait3A_142 : memref<8x128xf32, #tpu.memory_space<hbm>>)
    return
  }
}

</mosaic_0001>

<sc_bundles>
// kernel: kernel.3.cloned.1.call-start
scs
__scs_entry_jumppad:
0x0: {  	(pc) =	sbr.rel $0x88, $3  }
0x1: {  	(tag) =	ssettag $0x0;
	lr =	simm.s32 $0x1  }
0x2: {  	[smem:$0x3F9F] =	sst lr;
	_ =	strace $0xD0000000  }
0x3: {  	_ = 	snop  }
0x4: {  	_ = 	snop  }
0x5: {  	_ = 	snop  }
0x6: {  	_ = 	snop  }
0x7: {  	_ = 	snop  }
__scs_overlays_trampoline_lowered:
0x8: {  	[smem:$0x3FAE] =	sst s0  }
0x9: {  	[smem:$0x3FAF] =	sst s1  }
0xa: {  	[smem:$0x3FB0] =	sst s2  }
0xb: {  	[smem:$0x3FB1] =	sst s3  }
0xc: {  	[smem:$0x3FB2] =	sst s4  }
0xd: {  	[smem:$0x3FB3] =	sst s5  }
0xe: {  	[smem:$0x3FB4] =	sst s6  }
0xf: {  	[smem:$0x3FB5] =	sst s7  }
0x10: {  	[smem:$0x3FB6] =	sst s8  }
0x11: {  	[smem:$0x3FB7] =	sst s9;
	s0 =	simm.s32 @!p0 $0x0  }
0x12: {  	s1 =	sld [smem:$0x3F9D];
	s0 =	simm.s32 @p0 $0x1  }
0x13: {  	[smem:$0x3FB8] =	sst s0;
	s0 =	simm.s32 @!p1 $0x0  }
0x14: {  	s2 =	sld [smem:$0x3F9C];
	s0 =	simm.s32 @p1 $0x1  }
0x15: {  	[smem:$0x3FB9] =	sst s0;
	s0 =	simm.s32 @!p2 $0x0  }
0x16: {  	s3 =	sld [smem:$0x3FDB];
	s0 =	simm.s32 @p2 $0x1  }
0x17: {  	s4 =	simm.s32 $0x1BF5;
	[smem:$0x3FBB] =	sst s0  }
0x18: {  	s0 =	sld [smem:$0x3F9E];
	_ =	swait.ge [sflag:s4], $0x0  }
0x19: {  	s7 =	sld [smem:$0x3F9F]  }
0x1a: {  	s8 =	sadd.s32 $0xFFFFE003, lr  }
0x1b: {  	s9 =	sadd.s32 $0xFFFFFEF7, lr;
	s5 =	simm.s32 $0xFFFFFFFF;
	p2 =	slt.u32 s8, $0xFFFFF086  }
0x1c: {  	p1 =	slt.u32 s9, $0xF7A;
	s5 =	simm.s32 @!p2 $0x0  }
0x1d: {  	s5 =	simm.s32 @p1 $0x1;
	p0 =	seq.s32 s7, s2  }
0x1e: {  	s7 =	smul.u32 @!p0 $0xF7A, s2;
	p2 =	seq.s32 @!p0 s5, $0x0  }
0x1f: {  	s9 =	smul.u32 $0xF7A, s1;
	s8 =	simm.s32 @!p0 $0x1BF5;
	p2 =	por !p2, p0  }
0x20: {  	[sflag:s8] =	ssyncset.s32 @!p0 $0xFFFFF086;
	s6 =	sadd.s32 @!p0 s3, s7;
	s7 =	simm.s32 @!p0 $0x108  }
0x21: {  	s3 =	sadd.s32 s3, s9;
	s6 =	sadd.s32 @!p0 $0x88, s6;
	s7 =	simm.s32 @p2 $0x1082  }
0x22: {  	[simem:s7], [sflag:s8] =	dma.local @!p0 [hbm:s6], $0xF7A  }
0x23: {  	s9 =	sor.u32 $0xD0000000, s2;
	s6 =	simm.s32 $0x108;
	_ =	swait.ge @!p0 [sflag:s8], $0x0  }
0x24: {  	s3 =	sadd.s32 $0x88, s3;
	s6 =	simm.s32 @!p1 $0x1082;
	[sflag:s4] =	ssyncset.s32 $0xFFFFF086  }
0x25: {  	[simem:s6], [sflag:s4] =	dma.local [hbm:s3], $0xF7A  }
0x26: {  	[smem:$0x3F9F] =	sst s1;
	(tag) =	ssettag s2;
	_ =	strace s9  }
0x27: {  	s1 =	sld [smem:$0x3FAF]  }
0x28: {  	s2 =	sld [smem:$0x3FB0]  }
0x29: {  	s4 =	sld [smem:$0x3FB2]  }
0x2a: {  	p0 =	seq.s32 s5, $0x0;
	s5 =	sld [smem:$0x3FB3]  }
0x2b: {  	s6 =	sld [smem:$0x3FB4]  }
0x2c: {  	s7 =	sld [smem:$0x3FB5]  }
0x2d: {  	s3 =	simm.s32 $0x108;
	s8 =	sld [smem:$0x3FB6]  }
0x2e: {  	s3 =	simm.s32 @!p0 $0x1082;
	s9 =	sld [smem:$0x3FB7]  }
0x2f: {  	lr =	sadd.s32 s0, s3;
	s0 =	sld [smem:$0x3FAE]  }
0x30: {  	s3 =	sld [smem:$0x3FB1]  }
0x31: {  	[smem:$0x3FBA] =	sst s10  }
0x32: {  	s10 =	sld [smem:$0x3FB8];
	_ =	sdelay $0x3  }
0x33: {  	p0 =	seq.s32 s10, $0x1;
	s10 =	sld [smem:$0x3FBA];
	_ =	sdelay $0x3  }
0x34: {  	[smem:$0x3FBA] =	sst s10  }
0x35: {  	s10 =	sld [smem:$0x3FB9];
	_ =	sdelay $0x3  }
0x36: {  	p1 =	seq.s32 s10, $0x1;
	s10 =	sld [smem:$0x3FBA];
	_ =	sdelay $0x3  }
0x37: {  	[smem:$0x3FBA] =	sst s10  }
0x38: {  	s10 =	sld [smem:$0x3FBB]  }
0x39: {  	_ = 	snop;
	(pc) =	sbr.ind lr, $3  }
0x3a: {  	_ = 	snop  }
0x3b: {  	_ = 	snop  }
0x3c: {  	p2 =	seq.s32 s10, $0x1;
	s10 =	sld [smem:$0x3FBA]  }
0x3d: {  	_ =	shalt  }
0x3e: {  	_ =	shalt  }
0x3f: {  	_ =	shalt  }
0x40: {  	_ =	shalt  }
0x41: {  	_ =	shalt  }
0x42: {  	_ =	shalt  }
0x43: {  	_ =	shalt  }
0x44: {  	_ =	shalt  }
0x45: {  	_ =	shalt  }
0x46: {  	_ =	shalt  }
0x47: {  	_ =	shalt  }
0x48: {  	_ =	shalt  }
0x49: {  	_ =	shalt  }
0x4a: {  	_ =	shalt  }
0x4b: {  	_ =	shalt  }
0x4c: {  	_ =	shalt  }
0x4d: {  	_ =	shalt  }
0x4e: {  	_ =	shalt  }
0x4f: {  	_ =	shalt  }
0x50: {  	_ =	shalt  }
0x51: {  	_ =	shalt  }
0x52: {  	_ =	shalt  }
0x53: {  	_ =	shalt  }
0x54: {  	_ =	shalt  }
0x55: {  	_ =	shalt  }
0x56: {  	_ =	shalt  }
0x57: {  	_ =	shalt  }
0x58: {  	_ =	shalt  }
0x59: {  	_ =	shalt  }
0x5a: {  	_ =	shalt  }
0x5b: {  	_ =	shalt  }
0x5c: {  	_ =	shalt  }
0x5d: {  	_ =	shalt  }
0x5e: {  	_ =	shalt  }
0x5f: {  	_ =	shalt  }
0x60: {  	_ =	shalt  }
0x61: {  	_ =	shalt  }
0x62: {  	_ =	shalt  }
0x63: {  	_ =	shalt  }
0x64: {  	_ =	shalt  }
0x65: {  	_ =	shalt  }
0x66: {  	_ =	shalt  }
0x67: {  	_ =	shalt  }
0x68: {  	_ =	shalt  }
0x69: {  	_ =	shalt  }
0x6a: {  	_ =	shalt  }
0x6b: {  	_ =	shalt  }
0x6c: {  	_ =	shalt  }
0x6d: {  	_ =	shalt  }
0x6e: {  	_ =	shalt  }
0x6f: {  	_ =	shalt  }
0x70: {  	_ =	shalt  }
0x71: {  	_ =	shalt  }
0x72: {  	_ =	shalt  }
0x73: {  	_ =	shalt  }
0x74: {  	_ =	shalt  }
0x75: {  	_ =	shalt  }
0x76: {  	_ =	shalt  }
0x77: {  	_ =	shalt  }
0x78: {  	_ =	shalt  }
0x79: {  	_ =	shalt  }
0x7a: {  	_ =	shalt  }
0x7b: {  	_ =	shalt  }
0x7c: {  	_ =	shalt  }
0x7d: {  	_ =	shalt  }
0x7e: {  	_ =	shalt  }
0x7f: {  	_ =	shalt  }
0x80: {  	_ =	shalt  }
0x81: {  	_ =	shalt  }
0x82: {  	_ =	shalt  }
0x83: {  	_ =	shalt  }
0x84: {  	_ =	shalt  }
0x85: {  	_ =	shalt  }
0x86: {  	_ =	shalt  }
0x87: {  	_ =	shalt  }
.Lfunc_end0:
.L_simem_size_0:
called_computation_lowered:
.L_overlay_start_0:
0x88: {  	s2 =	sld [smem:$0x3FD9]  }
0x89: {  	s3 =	sld [smem:$0x3FFE];
	_ =	sdelay $0x1  }
0x8a: {  	s1 =	srdreg.scid  }
0x8b: {  	s0 =	sand.u32 $0x1, s1  }
0x8c: {  	s17 =	sshll.u32 s0, $0xA;
	s2 =	sadd.s32 s3, s2  }
0x8d: {  	s2 =	sadd.s32 s2, s17  }
0x8e: {  	[smem:$0x3FC6] =	sst s2  }
0x8f: {  	_ = 	snop  }
0x90: {  	s2 =	sld [smem:$0x3FC8]  }
0x91: {  	s18 =	sld [smem:$0x3FD0];
	(tm) =	ssettm $0x1  }
0x92: {  	s4 =	sld [smem:$0x3FFB];
	_ =	sdelay $0x3  }
0x93: {  	_ =	strace s4  }
0x94: {  	s4 =	sld [smem:$0x3FFC];
	_ =	sdelay $0x3  }
0x95: {  	_ =	strace s4  }
0x96: {  	s4 =	sld [smem:$0x3FFD];
	_ =	sdelay $0x3  }
0x97: {  	_ =	strace s4  }
0x98: {  	_ =	strace $0x8FFFFFFF  }
0x99: {  	s19 =	sld [smem:$0x3FDB];
	_ =	sdelay $0x1  }
0x9a: {  	s5 =	simm.s32 $_scs_section_size  }
0x9b: {  	s6 =	simm.s32 $_size__tile_overlayer_lowered;
	s7 =	simm.s32 $_tile_overlayer_lowered  }
0x9c: {  	s22 =	simm.s32 $0x1BFF;
	s21 =	sshll.u32 s7, $0x1;
	s4 =	sadd.s32 s5, s19  }
0x9d: {  	s8 =	simm.s32 $0x0;
	s20 =	sshll.u32 s6, $0x1;
	s6 =	sadd.s32 s21, s4  }
0x9e: {  	[timem:s8], [sflag:s22] =	dma.local [hbm:s6], s20  }
0x9f: {  	_ =	swait.ge [sflag:s22], s20  }
0xa0: {  	s5 =	ssub.s32 $0x0, s20;
	[sflag:s22] =	ssyncset.done $0x0  }
0xa1: {  	[sflag:s22] =	ssyncadd.s32 s5;
	_ =	sdelay $0x1  }
0xa2: {  	s23 =	simm.s32 $0x1B8B  }
0xa3: {  	_ =	swait.ge [sflag:s23], $0x1  }
0xa4: {  	[sflag:s23] =	ssyncset.done $0x0  }
0xa5: {  	s25 =	simm.s32 $0x1B8E;
	s24 =	sld [smem:$0x3FFE];
	[sflag:s23] =	ssyncadd.s32 $0xFFFFFFFF  }
0xa6: {  	s26 =	simm.s32 $execute0_lowered;
	[smem:$0x3FD2] =	sst s25  }
0xa7: {  	s6 =	sshll.u32 s26, $0x1;
	_ =	strace $0x80000046;
	[dreg:$0x1] =	wrdreg $0xFFFFFFFF  }
0xa8: {  	s28 =	simm.s32 $_size_execute0_lowered;
	s4 =	sadd.s32 s4, s6;
	[dreg:$0x0] =	wrdreg $0x0  }
0xa9: {  	s6 =	sshll.u32 s28, $0x1;
	[dreg:$0x2] =	wrdreg s4  }
0xaa: {  	[dreg:$0x3] =	wrdreg s6  }
0xab: {  	[dreg:$0x4] =	wrdreg $0xC0  }
0xac: {  	_ =	task [dreg:s8], $0x5FFFF  }
0xad: {  	[dreg:$0x1] =	wrdreg $0xFFFFFFFF  }
0xae: {  	[dreg:$0x0] =	wrdreg $0x60  }
0xaf: {  	[dreg:$0x2] =	wrdreg s24  }
0xb0: {  	[dreg:$0x3] =	wrdreg s2  }
0xb1: {  	[dreg:$0x4] =	wrdreg s18  }
0xb2: {  	[dreg:$0x5] =	wrdreg $0x9  }
0xb3: {  	_ =	task.clear_ibuf [dreg:s8], $0x6FFFF;
	_ =	strace $0x90000046  }
0xb4: {  	s29 =	simm.s32 $0x9;
	_ =	strace $0x80000048  }
0xb5: {  	_ =	swait.ge [sflag:s29], $0x1  }
0xb6: {  	[sflag:s29] =	ssyncadd.s32 $0xFFFFFFFF  }
0xb7: {  	_ =	strace $0x90000048  }
0xb8: {  	_ =	sfence  }
0xb9: {  	s30 =	sld [smem:$0x0];
	_ =	sdelay $0x2  }
0xba: {  	s31 =	sshll.u32 s1, $0xD;
	s1 =	sshrl.u32 s1, $0x2  }
0xbb: {  	s3 =	sand.u32 $0x4000, s31;
	s1 =	sadd.s32 s1, s30  }
0xbc: {  	s0 =	sor.u32 s3, s0;
	s1 =	sshll.u32 s1, $0x11  }
0xbd: {  	s0 =	sor.u32 s1, s0  }
0xbe: {  	s0 =	sadd.s32 $0x8F2B, s0  }
0xbf: {  	[sflag:s0] =	ssyncadd.remote.s32 $0x1  }
0xc0: {  	_ =	sfence.sel $0xFFFF  }
0xc1: {  	[dreg:$0x0] =	wrdreg $0xFFFFFFFF;
	(pc) =	sbr.abs _section_cstart, $3  }
0xc2: {  	[dreg:$0x1] =	wrdreg $0xFFFFFFFF  }
0xc3: {  	_ =	task.clear_ibuf [dreg:s8], $0x2FFFF;
	_ =	strace $0x9FFFFFFF  }
0xc4: {  	(tm) =	ssettm $0x7FFFFFFF  }
0xc5: {  	_ =	shalt  }
tec
execute0_lowered:
.L_overlay_start_1:
0x0: {  	(tag) =	ssettag $0x1  }
0x1: {  	s0 =	rddreg [dreg:$0x0]  }
0x2: {  	s2 =	rddreg [dreg:$0x1]  }
0x3: {  	s3 =	rddreg [dreg:$0x2];
	s6 =	stileid.u32  }
0x4: {  	s4 =	simm.s32 $0x0;
	s1 =	srdreg.scid;
	s18 =	simm.s32 $0x8C80  }
0x5: {  	s28 =	simm.s32 $0x1BD80;
	s29 =	simm.s32 $0x1C180;
	s30 =	simm.s32 $0x1C580  }
0x6: {  	s5 =	sshll.u32 s6, $0x1;
	s1 =	sand.u32 $0x1, s1;
	s6 =	sshrl.u32 s6, $0x1  }
0x7: {  	[smem:$0x7FF] =	sst s4;
	s8 =	sadd.s32 $0x2A00, s0;
	s20 =	sadd.s32 $0x1800, s0  }
0x8: {  	s0 =	sadd.s32 $0x600, s0;
	s5 =	sand.u32 $0x2, s5;
	_ =	strace $0x80000047  }
0x9: {  	s7 =	sor.u32 s1, s5;
	s5 =	smul.u32 $0xC0000, s6;
	s1 =	ssub.s32 $0x2, s1  }
0xa: {  	[dreg:$0x4] =	wrdreg s8;
	s19 =	sshll.u32 s7, $0x10;
	s21 =	sshrl.u32 s1, $0x1  }
0xb: {  	[dreg:$0x5] =	wrdreg s20;
	s6 =	sor.u32 s5, s19;
	s22 =	ssub.s32 s1, s21  }
0xc: {  	[dreg:$0x6] =	wrdreg s0;
	s6 =	sshrl.u32 s6, $0x3;
	s0 =	smax.u32 s22, $0x1  }
0xd: {  	s31 =	simm.s32 $0x2;
	s23 =	sadd.s32 s2, s6;
	[dreg:$0xd] =	wrdreg s0  }
0xe: {  	s20 =	simm.s32 $0x1D180;
	s6 =	sadd.s32 $0x8000, s23;
	[dreg:$0x7] =	wrdreg s23  }
0xf: {  	s8 =	simm.s32 $0x0;
	s24 =	sadd.s32 $0x10000, s23;
	[dreg:$0x8] =	wrdreg s6  }
.Ltmp0:
0x10: {  	s25 =	sadd.s32 $0x80, s23;
	[dreg:$0x9] =	wrdreg s24;
	(pc) =	sbr.rel .LBB2_1-.Ltmp0, $4  }
0x11: {  	s10 =	sshll.u32 s7, $0x7;
	s26 =	sadd.s32 $0x8080, s23;
	[dreg:$0xa] =	wrdreg s25  }
0x12: {  	s19 =	simm.s32 $0x11900;
	s1 =	sadd.s32 $0x10080, s23;
	[dreg:$0xb] =	wrdreg s26  }
0x13: {  	s0 =	simm.s32 $0x1C980;
	[dreg:$0xc] =	wrdreg s1;
	s24 =	simm.s32 $0x1B180  }
0x14: {  	s25 =	simm.s32 $0x1B980;
	s26 =	simm.s32 $0x1;
	s1 =	simm.s32 $0x1CD80  }
.LBB2_8:
0x15: {  	s6 =	simm.s32 $0x3  }
0x16: {  	_ =	swait.ge [sflag:s6], $0x400  }
0x17: {  	[sflag:s6] =	ssyncset.done $0x0  }
0x18: {  	[sflag:s6] =	ssyncadd.s32 $0xFFFFFC00  }
0x19: {  	_ =	swait.ge [sflag:s6], $0x400  }
0x1a: {  	[sflag:s6] =	ssyncset.done $0x0  }
0x1b: {  	[sflag:s6] =	ssyncadd.s32 $0xFFFFFC00  }
0x1c: {  	_ =	swait.ge [sflag:s6], $0x400  }
0x1d: {  	[sflag:s6] =	ssyncset.done $0x0  }
0x1e: {  	s7 =	simm.s32 $0x4;
	[sflag:s6] =	ssyncadd.s32 $0xFFFFFC00  }
0x1f: {  	_ =	swait.ge [sflag:s7], $0x400  }
0x20: {  	[sflag:s7] =	ssyncset.done $0x0  }
0x21: {  	[sflag:s7] =	ssyncadd.s32 $0xFFFFFC00  }
0x22: {  	_ =	swait.ge [sflag:s7], $0x400  }
0x23: {  	[sflag:s7] =	ssyncset.done $0x0  }
0x24: {  	[sflag:s7] =	ssyncadd.s32 $0xFFFFFC00  }
0x25: {  	_ =	swait.ge [sflag:s7], $0x400  }
0x26: {  	s8 =	rddreg [dreg:$0xe]  }
0x27: {  	s23 =	rddreg [dreg:$0xd];
	s8 =	sadd.s32 $0x1, s8  }
0x28: {  	p0 =	sne.s32 s8, s23  }
.Ltmp1:
0x29: {  	_ = 	snop;
	(pc) =	sbr.rel @!p0 .LBB2_9-.Ltmp1, $3  }
0x2a: {  	_ =	sdelay $0x1  }
0x2b: {  	[sflag:s7] =	ssyncset.done $0x0  }
0x2c: {  	[sflag:s7] =	ssyncadd.s32 $0xFFFFFC00  }
.LBB2_1:
0x2d: {  	[dreg:$0xe] =	wrdreg s8  }
0x2e: {  	s6 =	rddreg [dreg:$0x4];
	s7 =	simm.s32 $0x5  }
0x2f: {  	[tilespmem:s4], [sflag:$0x5] =	stream.linear.gather [hbm4b:s6+s4], $0x8C80, $0x38;
	[tilespmem:$0x1D580] =	vst v63  }
0x30: {  	_ =	swait.ge [sflag:s7], $0x8C80  }
0x31: {  	[sflag:s7] =	ssyncset.done $0x0  }
0x32: {  	s8 =	rddreg [dreg:$0x5];
	[sflag:s7] =	ssyncadd.s32 $0xFFFF7380  }
0x33: {  	[tilespmem:s18], [sflag:$0x5] =	stream.linear.gather [hbm4b:s8+s4], $0x8C80, $0x38;
	[tilespmem:$0x1D580] =	vst v63  }
0x34: {  	_ =	swait.ge [sflag:s7], $0x8C80  }
0x35: {  	[sflag:s7] =	ssyncset.done $0x0  }
0x36: {  	s9 =	rddreg [dreg:$0x6];
	[sflag:s7] =	ssyncadd.s32 $0xFFFF7380  }
0x37: {  	[tilespmem:s19], [sflag:$0x5] =	stream.linear.gather [hbm4b:s9+s4], $0x8C80, $0x38;
	[tilespmem:$0x1D580] =	vst v63  }
0x38: {  	_ =	swait.ge [sflag:s7], $0x8C80  }
0x39: {  	[sflag:s7] =	ssyncset.done $0x0  }
0x3a: {  	s12 =	simm.s32 $0x1A580;
	s11 =	rddreg [dreg:$0x7];
	[sflag:s7] =	ssyncadd.s32 $0xFFFF7380  }
0x3b: {  	[tilespmem:s12], [sflag:$0x1] =	stream.linear.gather [hbm4b:s11+s4], $0x400, $0x38;
	[tilespmem:$0x1D580] =	vst v63  }
0x3c: {  	s14 =	simm.s32 $0x1AD80;
	s13 =	rddreg [dreg:$0x8]  }
0x3d: {  	[tilespmem:s14], [sflag:$0x1] =	stream.linear.gather [hbm4b:s13+s4], $0x400, $0x38;
	[tilespmem:$0x1D580] =	vst v63  }
0x3e: {  	s16 =	simm.s32 $0x1B580;
	s15 =	rddreg [dreg:$0x9]  }
0x3f: {  	[tilespmem:s16], [sflag:$0x1] =	stream.linear.gather [hbm4b:s15+s4], $0x400, $0x38;
	[tilespmem:$0x1D580] =	vst v63  }
0x40: {  	s21 =	simm.s32 $0x1A980;
	s17 =	rddreg [dreg:$0xa]  }
0x41: {  	[tilespmem:s21], [sflag:$0x2] =	stream.linear.gather [hbm4b:s17+s4], $0x400, $0x38;
	[tilespmem:$0x1D580] =	vst v63  }
0x42: {  	s22 =	rddreg [dreg:$0xb]  }
0x43: {  	[tilespmem:s24], [sflag:$0x2] =	stream.linear.gather [hbm4b:s22+s4], $0x400, $0x38;
	[tilespmem:$0x1D580] =	vst v63  }
0x44: {  	s23 =	rddreg [dreg:$0xc];
	s7 =	simm.s32 $0x0  }
0x45: {  	[tilespmem:s25], [sflag:$0x2] =	stream.linear.gather [hbm4b:s23+s4], $0x400, $0x38;
	[tilespmem:$0x1D580] =	vst v63  }
.LBB2_2:
0x46: {  	_ =	swait.ge [sflag:s26], $0x400  }
0x47: {  	[sflag:s26] =	ssyncset.done $0x0  }
0x48: {  	[sflag:s26] =	ssyncadd.s32 $0xFFFFFC00  }
0x49: {  	_ =	swait.ge [sflag:s26], $0x400  }
0x4a: {  	[sflag:s26] =	ssyncset.done $0x0  }
0x4b: {  	[sflag:s26] =	ssyncadd.s32 $0xFFFFFC00  }
0x4c: {  	_ =	swait.ge [sflag:s26], $0x400  }
0x4d: {  	p0 =	seq.s32 s7, $0x0;
	[sflag:s26] =	ssyncset.done $0x0  }
0x4e: {  	s6 =	simm.s32 @!p0 $0x3;
	[sflag:s26] =	ssyncadd.s32 $0xFFFFFC00  }
0x4f: {  	_ =	swait.ge @!p0 [sflag:s6], $0x400  }
0x50: {  	[sflag:s6] =	ssyncset.done @!p0 $0x0  }
0x51: {  	[sflag:s6] =	ssyncadd.s32 @!p0 $0xFFFFFC00  }
0x52: {  	_ =	swait.ge @!p0 [sflag:s6], $0x400  }
0x53: {  	[sflag:s6] =	ssyncset.done @!p0 $0x0  }
0x54: {  	[sflag:s6] =	ssyncadd.s32 @!p0 $0xFFFFFC00  }
0x55: {  	_ =	swait.ge @!p0 [sflag:s6], $0x400  }
0x56: {  	[sflag:s6] =	ssyncset.done @!p0 $0x0  }
0x57: {  	s22 =	simm.s32 $0x1ADA0;
	[sflag:s6] =	ssyncadd.s32 @!p0 $0xFFFFFC00  }
0x58: {  	s8 =	simm.s32 $0x1B5A0;
	v0 =	vld [tilespmem:s22+$0x0]  }
0x59: {  	s9 =	simm.s32 $0x1A590;
	v1 =	vld [tilespmem:s8+$0x0]  }
0x5a: {  	v2 =	vld [tilespmem:s9+$0x10]  }
0x5b: {  	v3 =	vld [tilespmem:s22+$0xFFFFFFE0];
	_ =	sdelay $0x2  }
0x5c: {  	v0 =	vmul.f32 $3.199679950e+01, v0  }
0x5d: {  	v5 =	vld [tilespmem:s22+$0xFFFFFFF0];
	v1 =	vmul.f32 $3.199679950e+01, v1;
	v2 =	vmul.f32 $3.199679950e+01, v2  }
0x5e: {  	v3 =	vmul.f32 $3.199679950e+01, v3;
	v4 =	vtrunc.f32 v0  }
0x5f: {  	v6 =	vtrunc.f32 v1;
	v4 =	vcvt.f32.s32 v4  }
0x60: {  	v8 =	vtrunc.f32 v2;
	v9 =	vcvt.f32.s32 v6  }
0x61: {  	v8 =	vcvt.f32.s32 v8;
	v10 =	vmul.u32 $0x21, v4  }
0x62: {  	v5 =	vmul.f32 $3.199679950e+01, v5;
	v14 =	vtrunc.f32 v3;
	v11 =	vmul.u32 $0x441, v9  }
0x63: {  	v13 =	vld [tilespmem:s9+$0x0];
	v14 =	vcvt.f32.s32 v14;
	v10 =	vadd.s32 v8, v10  }
0x64: {  	v17 =	vtrunc.f32 v5;
	v6 =	vld [tilespmem:s8+$0xFFFFFFF0];
	v10 =	vadd.s32 v11, v10  }
0x65: {  	v7 =	vld [tilespmem:s8+$0xFFFFFFE0];
	v17 =	vcvt.f32.s32 v17;
	v29 =	vcvt.s32.f32 v14  }
0x66: {  	v12 =	vld [tilespmem:s9+$0xFFFFFFF0];
	v14 =	vmul.u32 $0x21, v14;
	v4 =	vcvt.s32.f32 v4;
	v9 =	vcvt.s32.f32 v9  }
0x67: {  	v32 =	vmul.u32 $0x21, v17;
	v17 =	vcvt.s32.f32 v17;
	v18 =	vadd.s32 $0x463, v10  }
0x68: {  	v8 =	vcvt.s32.f32 v8;
	v4 =	vsub.f32 v0, v4;
	v19 =	vadd.s32 $0x462, v10  }
0x69: {  	v15 =	vmul.f32 $3.199679950e+01, v6;
	v6 =	vmul.f32 $3.199679950e+01, v13;
	v20 =	vadd.s32 $0x442, v10;
	v13 =	vld.idx.msk [tilespmem:v10+s4+$0x0], $0xffff  }
0x6a: {  	v0 =	vsub.f32 v1, v9;
	v11 =	vmul.f32 $3.199679950e+01, v7;
	v22 =	vadd.s32 $0x441, v10;
	v21 =	vld.idx.msk [tilespmem:v10+s18+$0x0], $0xffff  }
0x6b: {  	v7 =	vmul.f32 $3.199679950e+01, v12;
	v25 =	vadd.s32 $0x22, v10;
	v27 =	vadd.s32 $0x21, v10;
	v24 =	vld.idx.msk [tilespmem:v10+s19+$0x0], $0xffff  }
0x6c: {  	v8 =	vsub.f32 v2, v8;
	v2 =	vmul.f32 v0, v4;
	v16 =	vtrunc.f32 v11;
	v28 =	vld.idx.msk [tilespmem:v18+s4+$0x0], $0xffff  }
0x6d: {  	v1 =	vsub.f32 $1.000000000e+00, v4;
	v12 =	vtrunc.f32 v15;
	v23 =	vtrunc.f32 v7;
	v30 =	vld.idx.msk [tilespmem:v19+s4+$0x0], $0xffff  }
0x6e: {  	v39 =	vsub.f32 $1.000000000e+00, v0;
	v26 =	vtrunc.f32 v6;
	v16 =	vcvt.f32.s32 v16;
	v31 =	vld.idx.msk [tilespmem:v20+s4+$0x0], $0xffff  }
0x6f: {  	v12 =	vcvt.f32.s32 v12;
	v23 =	vcvt.f32.s32 v23;
	v10 =	vadd.s32 $0x1, v10;
	v34 =	vld.idx.msk [tilespmem:v22+s4+$0x0], $0xffff  }
0x70: {  	v26 =	vcvt.f32.s32 v26;
	v38 =	vsub.f32 $1.000000000e+00, v8;
	v41 =	vmul.f32 v0, v1;
	v9 =	vld.idx.msk [tilespmem:v25+s4+$0x0], $0xffff  }
0x71: {  	v42 =	vmul.f32 v2, v8;
	v0 =	vsub.f32 v3, v29;
	v29 =	vmul.f32 v39, v1;
	v36 =	vld.idx.msk [tilespmem:v27+s4+$0x0], $0xffff  }
0x72: {  	v4 =	vmul.f32 v39, v4;
	v33 =	vcvt.s32.f32 v16;
	v16 =	vmul.u32 $0x441, v16;
	v44 =	vld.idx.msk [tilespmem:v27+s18+$0x0], $0xffff  }
0x73: {  	v35 =	vcvt.s32.f32 v12;
	v12 =	vmul.u32 $0x441, v12;
	v14 =	vadd.s32 v23, v14;
	v27 =	vld.idx.msk [tilespmem:v27+s19+$0x0], $0xffff  }
0x74: {  	v43 =	vmul.f32 v2, v38;
	v2 =	vsub.f32 v5, v17;
	v17 =	vmul.f32 v29, v38;
	v37 =	vld.idx.msk [tilespmem:v10+s4+$0x0], $0xffff  }
0x75: {  	v32 =	vadd.s32 v26, v32;
	v49 =	vmul.f32 v41, v38;
	v23 =	vcvt.s32.f32 v23;
	v40 =	vld.idx.msk [tilespmem:v10+s18+$0x0], $0xffff  }
0x76: {  	v1 =	vsub.f32 v11, v33;
	v11 =	vmul.f32 v41, v8;
	v3 =	vsub.f32 v15, v35;
	v10 =	vld.idx.msk [tilespmem:v10+s19+$0x0], $0xffff  }
0x77: {  	v50 =	vld.idx.msk [tilespmem:v25+s18+$0x0], $0xffff;
	v15 =	vmul.f32 v29, v8;
	v8 =	vmul.f32 v4, v8;
	v5 =	vadd.s32 v16, v14  }
0x78: {  	v25 =	vld.idx.msk [tilespmem:v25+s19+$0x0], $0xffff;
	v14 =	vmul.f32 v4, v38;
	v7 =	vsub.f32 v7, v23;
	v23 =	vadd.s32 $0x22, v5  }
0x79: {  	v51 =	vld.idx.msk [tilespmem:v20+s18+$0x0], $0xffff;
	v4 =	vadd.s32 v12, v32;
	v13 =	vmul.f32 v17, v13;
	v12 =	vmul.f32 v17, v21  }
0x7a: {  	v20 =	vld.idx.msk [tilespmem:v20+s19+$0x0], $0xffff;
	v29 =	vadd.s32 $0x1, v5;
	v17 =	vmul.f32 v17, v24;
	v21 =	vmul.f32 v15, v37  }
0x7b: {  	v16 =	vld.idx.msk [tilespmem:v22+s18+$0x0], $0xffff;
	v33 =	vsub.f32 $1.000000000e+00, v7;
	v24 =	vmul.f32 v15, v40;
	v10 =	vmul.f32 v15, v10  }
0x7c: {  	v22 =	vld.idx.msk [tilespmem:v22+s19+$0x0], $0xffff;
	v9 =	vmul.f32 v9, v8;
	v15 =	vmul.f32 v36, v14;
	v13 =	vadd.f32 v21, v13  }
0x7d: {  	v48 =	vld.idx.msk [tilespmem:v23+s4+$0x0], $0xffff;
	v12 =	vadd.f32 v24, v12;
	v21 =	vmul.f32 v44, v14;
	v10 =	vadd.f32 v10, v17  }
0x7e: {  	v45 =	vld.idx.msk [tilespmem:v23+s18+$0x0], $0xffff;
	v14 =	vmul.f32 v27, v14;
	v17 =	vmul.f32 v50, v8;
	v13 =	vadd.f32 v13, v15  }
0x7f: {  	v24 =	vld.idx.msk [tilespmem:v19+s18+$0x0], $0xffff;
	v8 =	vmul.f32 v25, v8;
	v25 =	vadd.s32 $0x21, v5;
	v12 =	vadd.f32 v21, v12  }
0x80: {  	v15 =	vld.idx.msk [tilespmem:v19+s19+$0x0], $0xffff;
	v19 =	vmul.f32 v34, v49;
	v10 =	vadd.f32 v14, v10;
	v9 =	vadd.f32 v9, v13  }
0x81: {  	v23 =	vld.idx.msk [tilespmem:v23+s19+$0x0], $0xffff;
	v14 =	vmul.f32 v16, v49;
	v16 =	vmul.f32 v31, v11;
	v12 =	vadd.f32 v17, v12  }
0x82: {  	v21 =	vld.idx.msk [tilespmem:v18+s18+$0x0], $0xffff;
	v8 =	vadd.f32 v8, v10;
	v10 =	vmul.f32 v22, v49;
	v9 =	vadd.f32 v19, v9  }
0x83: {  	v13 =	vld.idx.msk [tilespmem:v18+s19+$0x0], $0xffff;
	v12 =	vadd.f32 v14, v12;
	v14 =	vmul.f32 v51, v11;
	v19 =	vmul.f32 v30, v43  }
0x84: {  	v27 =	vld.idx.msk [tilespmem:v4+s18+$0x0], $0xffff;
	v8 =	vadd.f32 v10, v8;
	v10 =	vmul.f32 v20, v11;
	v9 =	vadd.f32 v16, v9  }
0x85: {  	v17 =	vld.idx.msk [tilespmem:v29+s4+$0x0], $0xffff;
	v12 =	vadd.f32 v14, v12;
	v14 =	vmul.f32 v24, v43;
	v24 =	vmul.f32 v28, v42  }
0x86: {  	v18 =	vld.idx.msk [tilespmem:v29+s18+$0x0], $0xffff;
	v8 =	vadd.f32 v10, v8;
	v10 =	vmul.f32 v15, v43;
	v9 =	vadd.f32 v19, v9  }
0x87: {  	v22 =	vld.idx.msk [tilespmem:v29+s19+$0x0], $0xffff;
	v20 =	vadd.s32 $0x1, v4;
	v12 =	vadd.f32 v14, v12;
	v19 =	vmul.f32 v21, v42  }
0x88: {  	v52 =	vld.idx.msk [tilespmem:v25+s4+$0x0], $0xffff;
	v8 =	vadd.f32 v10, v8;
	v10 =	vmul.f32 v13, v42;
	v14 =	vadd.f32 v24, v9  }
0x89: {  	v11 =	vld.idx.msk [tilespmem:v5+s4+$0x0], $0xffff;
	v13 =	vadd.f32 v19, v12;
	v24 =	vsub.f32 $1.000000000e+00, v0  }
0x8a: {  	v16 =	vld.idx.msk [tilespmem:v5+s18+$0x0], $0xffff;
	v12 =	vadd.f32 v10, v8;
	v10 =	vsub.f32 $1.000000000e+00, v1  }
0x8b: {  	v30 =	vsub.f32 $1.000000000e+00, v3;
	v15 =	vld.idx.msk [tilespmem:v5+s19+$0x0], $0xffff;
	v19 =	vcvt.s32.f32 v26;
	v26 =	vsub.f32 $1.000000000e+00, v2  }
0x8c: {  	v28 =	vadd.s32 $0x21, v4;
	v21 =	vld.idx.msk [tilespmem:v4+s4+$0x0], $0xffff;
	v31 =	vmul.f32 v10, v24;
	v10 =	vmul.f32 v10, v0  }
0x8d: {  	v29 =	vld.idx.msk [tilespmem:v20+s18+$0x0], $0xffff;
	v6 =	vsub.f32 v6, v19;
	v53 =	vmul.f32 v30, v26;
	v30 =	vmul.f32 v30, v2  }
0x8e: {  	v8 =	vld.idx.msk [tilespmem:v20+s4+$0x0], $0xffff;
	v24 =	vmul.f32 v1, v24;
	v55 =	vmul.f32 v31, v7  }
0x8f: {  	v20 =	vld.idx.msk [tilespmem:v20+s19+$0x0], $0xffff;
	v0 =	vmul.f32 v1, v0;
	v56 =	vsub.f32 $1.000000000e+00, v6;
	v31 =	vmul.f32 v31, v33  }
0x90: {  	v57 =	vadd.s32 $0x441, v5;
	v9 =	vld.idx.msk [tilespmem:v4+s19+$0x0], $0xffff;
	v58 =	vmul.f32 v53, v6;
	v17 =	vmul.f32 v55, v17  }
0x91: {  	v60 =	vadd.s32 $0x441, v4;
	v59 =	vld.idx.msk [tilespmem:v28+s4+$0x0], $0xffff;
	v34 =	vmul.f32 v53, v56;
	v18 =	vmul.f32 v55, v18  }
0x92: {  	v61 =	vld.idx.msk [tilespmem:v28+s18+$0x0], $0xffff;
	v19 =	vadd.s32 $0x22, v4;
	v22 =	vmul.f32 v55, v22;
	v11 =	vmul.f32 v31, v11  }
0x93: {  	v62 =	vadd.s32 $0x442, v5;
	v28 =	vld.idx.msk [tilespmem:v28+s19+$0x0], $0xffff;
	v16 =	vmul.f32 v31, v16;
	v15 =	vmul.f32 v31, v15  }
0x94: {  	v63 =	vadd.s32 $0x442, v4;
	v54 =	vld.idx.msk [tilespmem:v25+s18+$0x0], $0xffff;
	v8 =	vmul.f32 v58, v8;
	v20 =	vmul.f32 v58, v20  }
0x95: {  	v25 =	vld.idx.msk [tilespmem:v25+s19+$0x0], $0xffff;
	v49 =	vmul.f32 v30, v56;
	v11 =	vadd.f32 v17, v11;
	v17 =	vmul.f32 v34, v21  }
0x96: {  	v38 =	vld.idx.msk [tilespmem:v57+s19+$0x0], $0xffff;
	v21 =	vmul.f32 v58, v29;
	v16 =	vadd.f32 v18, v16;
	v18 =	vmul.f32 v34, v27  }
0x97: {  	v50 =	vadd.s32 $0x462, v4;
	v27 =	vld.idx.msk [tilespmem:v19+s4+$0x0], $0xffff;
	v29 =	vmul.f32 v10, v33;
	v9 =	vmul.f32 v34, v9  }
0x98: {  	v15 =	vadd.f32 v22, v15;
	v22 =	vld.idx.msk [tilespmem:v19+s18+$0x0], $0xffff;
	v10 =	vmul.f32 v10, v7;
	v28 =	vmul.f32 v28, v49  }
0x99: {  	v8 =	vadd.f32 v8, v17;
	v17 =	vadd.f32 v21, v18;
	v18 =	vld.idx.msk [tilespmem:v19+s19+$0x0], $0xffff;
	v19 =	vmul.f32 v52, v29  }
0x9a: {  	v36 =	vld.idx.msk [tilespmem:v62+s19+$0x0], $0xffff;
	v31 =	vadd.s32 $0x462, v5;
	v21 =	vmul.f32 v54, v29;
	v25 =	vmul.f32 v25, v29  }
0x9b: {  	v51 =	vld.idx.msk [tilespmem:v57+s18+$0x0], $0xffff;
	v9 =	vadd.f32 v20, v9;
	v29 =	vmul.f32 v59, v49;
	v52 =	vmul.f32 v48, v10  }
0x9c: {  	v20 =	vld.idx.msk [tilespmem:v57+s4+$0x0], $0xffff;
	v11 =	vadd.f32 v11, v19;
	v19 =	vmul.f32 v61, v49;
	v16 =	vadd.f32 v21, v16  }
0x9d: {  	v21 =	vmul.f32 v30, v6;
	v30 =	vld.idx.msk [tilespmem:v60+s4+$0x0], $0xffff;
	v15 =	vadd.f32 v25, v15;
	v25 =	vmul.f32 v3, v26  }
0x9e: {  	v26 =	vld.idx.msk [tilespmem:v60+s18+$0x0], $0xffff;
	v8 =	vadd.f32 v8, v29;
	v29 =	vmul.f32 v45, v10;
	v10 =	vmul.f32 v23, v10  }
0x9f: {  	v9 =	vadd.f32 v28, v9;
	v23 =	vld.idx.msk [tilespmem:v62+s4+$0x0], $0xffff;
	v28 =	vmul.f32 v24, v33;
	v17 =	vadd.f32 v19, v17  }
0xa0: {  	v19 =	vld.idx.msk [tilespmem:v60+s19+$0x0], $0xffff;
	v34 =	vadd.f32 v52, v11;
	v11 =	vmul.f32 v27, v21;
	v16 =	vadd.f32 v29, v16  }
0xa1: {  	v27 =	vld.idx.msk [tilespmem:v62+s18+$0x0], $0xffff;
	v29 =	vmul.f32 v25, v56;
	v22 =	vmul.f32 v22, v21;
	v10 =	vadd.f32 v10, v15  }
0xa2: {  	v15 =	vld.idx.msk [tilespmem:v63+s4+$0x0], $0xffff;
	v8 =	vadd.f32 v11, v8;
	v11 =	vmul.f32 v18, v21;
	v18 =	vmul.f32 v20, v28  }
0xa3: {  	v20 =	vadd.s32 $0x463, v5;
	v5 =	vadd.f32 v22, v17;
	v17 =	vld.idx.msk [tilespmem:v63+s18+$0x0], $0xffff;
	v21 =	vmul.f32 v51, v28  }
0xa4: {  	v22 =	vmul.f32 v24, v7;
	v24 =	vmul.f32 v38, v28;
	v28 =	vld.idx.msk [tilespmem:v31+s4+$0x0], $0xffff  }
0xa5: {  	v2 =	vmul.f32 v3, v2;
	v1 =	vmul.f32 v26, v29;
	v26 =	vld.idx.msk [tilespmem:v50+s18+$0x0], $0xffff  }
0xa6: {  	v9 =	vadd.f32 v11, v9;
	v11 =	vadd.s32 $0x463, v4;
	v4 =	vld.idx.msk [tilespmem:v63+s19+$0x0], $0xffff;
	v18 =	vadd.f32 v18, v34  }
0xa7: {  	v16 =	vadd.f32 v21, v16;
	v21 =	vmul.f32 v25, v6;
	v25 =	vmul.f32 v30, v29;
	v30 =	vld.idx.msk [tilespmem:v31+s18+$0x0], $0xffff  }
0xa8: {  	v10 =	vadd.f32 v24, v10;
	v24 =	vld.idx.msk [tilespmem:v31+s19+$0x0], $0xffff;
	v23 =	vmul.f32 v23, v22;
	v5 =	vadd.f32 v1, v5  }
0xa9: {  	s23 =	simm.s32 $0x1ADD0;
	v27 =	vmul.f32 v27, v22;
	v3 =	vadd.f32 v25, v8;
	v8 =	vmul.f32 v19, v29;
	v19 =	vld.idx.msk [tilespmem:v50+s4+$0x0], $0xffff  }
0xaa: {  	s11 =	simm.s32 $0x1B5D0;
	v1 =	vmul.f32 v0, v7;
	v7 =	vadd.f32 v23, v18;
	v18 =	vmul.f32 v36, v22;
	v22 =	vld [tilespmem:s23+$0x0]  }
0xab: {  	v25 =	vmul.f32 v0, v33;
	v0 =	vmul.f32 v2, v6;
	v6 =	vld [tilespmem:s11+$0x0]  }
0xac: {  	s12 =	simm.s32 $0x1A5C0;
	v29 =	vmul.f32 v2, v56;
	v2 =	vmul.f32 v15, v21;
	v23 =	vld [tilespmem:s23+$0xFFFFFFE0]  }
0xad: {  	v16 =	vadd.f32 v27, v16;
	v15 =	vmul.f32 v17, v21;
	v17 =	vld [tilespmem:s12+$0x10];
	v8 =	vadd.f32 v8, v9  }
0xae: {  	v9 =	vld.idx.msk [tilespmem:v50+s19+$0x0], $0xffff;
	v2 =	vadd.f32 v2, v3;
	v3 =	vmul.f32 v28, v25;
	v4 =	vmul.f32 v4, v21  }
0xaf: {  	v10 =	vadd.f32 v18, v10;
	v18 =	vmul.f32 v30, v25;
	v21 =	vmul.f32 v24, v25  }
0xb0: {  	v15 =	vadd.f32 v15, v5;
	v24 =	vld [tilespmem:s23+$0xFFFFFFF0];
	v25 =	vmul.f32 v26, v29;
	v19 =	vmul.f32 v19, v29  }
0xb1: {  	v8 =	vadd.f32 v4, v8;
	v26 =	vmul.f32 $3.199679950e+01, v22;
	v27 =	vmul.f32 $3.199679950e+01, v6  }
0xb2: {  	v4 =	vadd.f32 v3, v7;
	v7 =	vld [tilespmem:s11+$0xFFFFFFE0];
	v23 =	vmul.f32 $3.199679950e+01, v23;
	v17 =	vmul.f32 $3.199679950e+01, v17  }
0xb3: {  	v5 =	vadd.f32 v18, v16;
	v16 =	vld [tilespmem:s11+$0xFFFFFFF0];
	v9 =	vmul.f32 v9, v29;
	v3 =	vtrunc.f32 v26  }
0xb4: {  	v6 =	vadd.f32 v21, v10;
	v10 =	vld [tilespmem:s12+$0xFFFFFFF0];
	v18 =	vcvt.f32.s32 v3;
	v3 =	vtrunc.f32 v27  }
0xb5: {  	v2 =	vadd.f32 v19, v2;
	v19 =	vtrunc.f32 v17;
	v29 =	vmul.f32 $3.199679950e+01, v24  }
0xb6: {  	v24 =	vtrunc.f32 v23;
	v21 =	vcvt.f32.s32 v3  }
0xb7: {  	v19 =	vcvt.f32.s32 v19;
	v55 =	vcvt.f32.s32 v24  }
0xb8: {  	v3 =	vadd.f32 v25, v15;
	v28 =	vmul.f32 $3.199679950e+01, v7;
	v30 =	vmul.f32 $3.199679950e+01, v16  }
0xb9: {  	v15 =	vmul.u32 $0x21, v18;
	v53 =	vtrunc.f32 v29;
	v22 =	vmul.f32 $3.199679950e+01, v10  }
0xba: {  	v25 =	vld [tilespmem:s12+$0x0];
	v18 =	vcvt.s32.f32 v18;
	v7 =	vmul.u32 $0x441, v21;
	v58 =	vmul.u32 $0x21, v55  }
0xbb: {  	v16 =	vld.idx.msk [tilespmem:v20+s4+$0x0], $0xffff;
	v34 =	vcvt.s32.f32 v55;
	v21 =	vcvt.s32.f32 v21;
	v15 =	vadd.s32 v19, v15  }
0xbc: {  	v31 =	vtrunc.f32 v28;
	v10 =	vtrunc.f32 v30;
	v54 =	vadd.s32 v7, v15;
	v15 =	vld.idx.msk [tilespmem:v20+s18+$0x0], $0xffff  }
0xbd: {  	v56 =	vtrunc.f32 v22;
	v19 =	vcvt.s32.f32 v19;
	v7 =	vadd.f32 v9, v8;
	v8 =	vld.idx.msk [tilespmem:v20+s19+$0x0], $0xffff  }
0xbe: {  	v18 =	vsub.f32 v26, v18;
	v20 =	vcvt.f32.s32 v31;
	v9 =	vld.idx.msk [tilespmem:v11+s4+$0x0], $0xffff;
	v57 =	vcvt.f32.s32 v10  }
0xbf: {  	v10 =	vld.idx.msk [tilespmem:v11+s18+$0x0], $0xffff;
	v32 =	vcvt.f32.s32 v56;
	v21 =	vsub.f32 v27, v21;
	v31 =	vadd.s32 $0x463, v54  }
0xc0: {  	v11 =	vld.idx.msk [tilespmem:v11+s19+$0x0], $0xffff;
	v24 =	vmul.f32 $3.199679950e+01, v25;
	v25 =	vcvt.f32.s32 v53;
	v36 =	vadd.s32 $0x462, v54  }
0xc1: {  	v39 =	vadd.s32 $0x442, v54;
	v42 =	vadd.s32 $0x441, v54;
	v44 =	vadd.s32 $0x22, v54;
	v40 =	vld.idx.msk [tilespmem:v54+s4+$0x0], $0xffff  }
0xc2: {  	v46 =	vadd.s32 $0x21, v54;
	v33 =	vadd.s32 $0x1, v54;
	v51 =	vsub.f32 v17, v19;
	v43 =	vld.idx.msk [tilespmem:v54+s18+$0x0], $0xffff  }
0xc3: {  	v17 =	vsub.f32 v23, v34;
	v48 =	vcvt.s32.f32 v20;
	v27 =	vmul.u32 $0x441, v20;
	v60 =	vld.idx.msk [tilespmem:v54+s19+$0x0], $0xffff  }
0xc4: {  	v50 =	vcvt.s32.f32 v57;
	v35 =	vmul.u32 $0x441, v57;
	v20 =	vsub.f32 $1.000000000e+00, v18;
	v47 =	vld.idx.msk [tilespmem:v31+s4+$0x0], $0xffff  }
0xc5: {  	v53 =	vmul.f32 v21, v18;
	v37 =	vadd.s32 v32, v58;
	v56 =	vsub.f32 $1.000000000e+00, v21;
	v49 =	vld.idx.msk [tilespmem:v36+s4+$0x0], $0xffff  }
0xc6: {  	v32 =	vcvt.s32.f32 v32;
	v59 =	vtrunc.f32 v24;
	v41 =	vmul.u32 $0x21, v25;
	v26 =	vld.idx.msk [tilespmem:v39+s4+$0x0], $0xffff  }
0xc7: {  	v25 =	vcvt.s32.f32 v25;
	v55 =	vsub.f32 $1.000000000e+00, v51;
	v38 =	vcvt.f32.s32 v59;
	v54 =	vld.idx.msk [tilespmem:v44+s4+$0x0], $0xffff  }
0xc8: {  	v58 =	vmul.f32 v21, v20;
	v34 =	vmul.f32 v53, v51;
	v19 =	vsub.f32 v28, v48;
	v57 =	vld.idx.msk [tilespmem:v46+s4+$0x0], $0xffff  }
0xc9: {  	v23 =	vmul.f32 v56, v20;
	v61 =	vmul.f32 v56, v18;
	v21 =	vsub.f32 v30, v50;
	v28 =	vld.idx.msk [tilespmem:v33+s4+$0x0], $0xffff  }
0xca: {  	v48 =	vmul.f32 v53, v55;
	v20 =	vsub.f32 v29, v25;
	v62 =	vld.idx.msk [tilespmem:v33+s18+$0x0], $0xffff;
	v25 =	vmul.f32 v58, v51  }
0xcb: {  	v18 =	vadd.s32 v27, v37;
	v29 =	vld.idx.msk [tilespmem:v33+s19+$0x0], $0xffff;
	v30 =	vmul.f32 v23, v55;
	v33 =	vmul.f32 v58, v55  }
0xcc: {  	v45 =	vadd.s32 $0x1, v18;
	v27 =	vld.idx.msk [tilespmem:v46+s18+$0x0], $0xffff;
	v63 =	vmul.f32 v23, v51;
	v50 =	vmul.f32 v61, v51  }
0xcd: {  	v51 =	vmul.f32 v61, v55;
	v23 =	vadd.s32 v38, v41;
	v58 =	vld.idx.msk [tilespmem:v44+s18+$0x0], $0xffff;
	v38 =	vcvt.s32.f32 v38  }
0xce: {  	v41 =	vld.idx.msk [tilespmem:v46+s19+$0x0], $0xffff;
	v23 =	vadd.s32 v35, v23;
	v40 =	vmul.f32 v30, v40;
	v43 =	vmul.f32 v30, v43  }
0xcf: {  	v52 =	vld.idx.msk [tilespmem:v42+s4+$0x0], $0xffff;
	v24 =	vsub.f32 v24, v38;
	v30 =	vmul.f32 v30, v60;
	v28 =	vmul.f32 v63, v28  }
0xd0: {  	v44 =	vld.idx.msk [tilespmem:v44+s19+$0x0], $0xffff;
	v46 =	vadd.s32 $0x21, v23;
	v59 =	vmul.f32 v63, v62;
	v29 =	vmul.f32 v63, v29  }
0xd1: {  	v60 =	vld.idx.msk [tilespmem:v42+s18+$0x0], $0xffff;
	v53 =	vsub.f32 $1.000000000e+00, v24;
	v61 =	vmul.f32 v57, v51;
	v27 =	vmul.f32 v27, v51  }
0xd2: {  	v42 =	vld.idx.msk [tilespmem:v42+s19+$0x0], $0xffff;
	v62 =	vmul.f32 v54, v50;
	v35 =	vmul.f32 v58, v50;
	v28 =	vadd.f32 v28, v40  }
0xd3: {  	v63 =	vld.idx.msk [tilespmem:v39+s18+$0x0], $0xffff;
	v43 =	vadd.f32 v59, v43;
	v29 =	vadd.f32 v29, v30;
	v30 =	vmul.f32 v41, v51  }
0xd4: {  	v55 =	vld.idx.msk [tilespmem:v39+s19+$0x0], $0xffff;
	v56 =	vmul.f32 v52, v33;
	v26 =	vmul.f32 v26, v25;
	v28 =	vadd.f32 v28, v61  }
0xd5: {  	v57 =	vld.idx.msk [tilespmem:v36+s18+$0x0], $0xffff;
	v27 =	vadd.f32 v27, v43;
	v29 =	vadd.f32 v30, v29;
	v30 =	vmul.f32 v44, v50  }
0xd6: {  	v36 =	vld.idx.msk [tilespmem:v36+s19+$0x0], $0xffff;
	v52 =	vadd.s32 $0x22, v23;
	v58 =	vmul.f32 v60, v33;
	v28 =	vadd.f32 v62, v28  }
0xd7: {  	v37 =	vld.idx.msk [tilespmem:v45+s18+$0x0], $0xffff;
	v27 =	vadd.f32 v35, v27;
	v29 =	vadd.f32 v30, v29;
	v30 =	vmul.f32 v42, v33  }
0xd8: {  	v38 =	vld.idx.msk [tilespmem:v23+s19+$0x0], $0xffff;
	v41 =	vsub.f32 $1.000000000e+00, v20;
	v60 =	vmul.f32 v63, v25;
	v28 =	vadd.f32 v56, v28  }
0xd9: {  	v59 =	vld.idx.msk [tilespmem:v31+s18+$0x0], $0xffff;
	v25 =	vmul.f32 v55, v25;
	v27 =	vadd.f32 v58, v27;
	v29 =	vadd.f32 v30, v29  }
0xda: {  	v31 =	vld.idx.msk [tilespmem:v31+s19+$0x0], $0xffff;
	v61 =	vmul.f32 v49, v48;
	v30 =	vmul.f32 v57, v48;
	v26 =	vadd.f32 v26, v28  }
0xdb: {  	v63 =	vld.idx.msk [tilespmem:v18+s19+$0x0], $0xffff;
	v27 =	vadd.f32 v60, v27;
	v25 =	vadd.f32 v25, v29;
	v29 =	vmul.f32 v36, v48  }
0xdc: {  	v55 =	vld.idx.msk [tilespmem:v52+s4+$0x0], $0xffff;
	v62 =	vmul.f32 v47, v34;
	v56 =	vsub.f32 $1.000000000e+00, v19;
	v26 =	vadd.f32 v61, v26  }
0xdd: {  	v35 =	vld.idx.msk [tilespmem:v45+s19+$0x0], $0xffff;
	v57 =	vadd.s32 $0x21, v18;
	v27 =	vadd.f32 v30, v27;
	v29 =	vadd.f32 v29, v25  }
0xde: {  	v33 =	vld.idx.msk [tilespmem:v18+s18+$0x0], $0xffff;
	v30 =	vmul.f32 v59, v34;
	v25 =	vsub.f32 v22, v32;
	v22 =	vsub.f32 $1.000000000e+00, v21  }
0xdf: {  	v42 =	vld.idx.msk [tilespmem:v23+s4+$0x0], $0xffff;
	v31 =	vmul.f32 v31, v34;
	v40 =	vmul.f32 v56, v17;
	v34 =	vadd.s32 $0x1, v23  }
0xe0: {  	v28 =	vld.idx.msk [tilespmem:v45+s4+$0x0], $0xffff;
	v26 =	vadd.f32 v62, v26;
	v27 =	vadd.f32 v30, v27;
	v58 =	vmul.f32 v22, v41  }
0xe1: {  	v36 =	vld.idx.msk [tilespmem:v18+s4+$0x0], $0xffff;
	v30 =	vsub.f32 $1.000000000e+00, v17;
	v22 =	vmul.f32 v22, v20;
	v41 =	vmul.f32 v21, v41  }
0xe2: {  	v32 =	vld.idx.msk [tilespmem:v23+s18+$0x0], $0xffff;
	v29 =	vadd.f32 v31, v29;
	v17 =	vmul.f32 v19, v17;
	v21 =	vmul.f32 v21, v20  }
0xe3: {  	v54 =	vld.idx.msk [tilespmem:v57+s4+$0x0], $0xffff;
	v44 =	vsub.f32 $1.000000000e+00, v25;
	v31 =	vmul.f32 v56, v30;
	v62 =	vmul.f32 v58, v24  }
0xe4: {  	v43 =	vld.idx.msk [tilespmem:v57+s19+$0x0], $0xffff;
	v45 =	vmul.f32 v58, v53;
	v30 =	vmul.f32 v19, v30  }
0xe5: {  	s13 =	simm.s32 $0x1BDA0;
	v19 =	vmul.f32 v17, v44;
	v59 =	vld.idx.msk [tilespmem:v34+s4+$0x0], $0xffff;
	v60 =	vmul.f32 v31, v25  }
0xe6: {  	s14 =	simm.s32 $0x1C1A0;
	[tilespmem:s13+$0x0] =	vst v14;
	v14 =	vadd.s32 $0x442, v18;
	v61 =	vld.idx.msk [tilespmem:v34+s18+$0x0], $0xffff;
	v31 =	vmul.f32 v31, v44;
	v42 =	vmul.f32 v45, v42  }
0xe7: {  	s15 =	simm.s32 $0x1C5A0;
	[tilespmem:s14+$0x0] =	vst v13;
	v49 =	vadd.s32 $0x22, v18;
	v34 =	vld.idx.msk [tilespmem:v34+s19+$0x0], $0xffff;
	v32 =	vmul.f32 v45, v32;
	v38 =	vmul.f32 v45, v38  }
0xe8: {  	[tilespmem:s15+$0x0] =	vst v12;
	v12 =	vadd.s32 $0x462, v18;
	v58 =	vld.idx.msk [tilespmem:v46+s18+$0x0], $0xffff;
	v28 =	vmul.f32 v60, v28;
	v36 =	vmul.f32 v31, v36  }
0xe9: {  	v13 =	vadd.s32 $0x442, v23;
	v33 =	vmul.f32 v31, v33;
	v31 =	vmul.f32 v31, v63;
	v63 =	vld.idx.msk [tilespmem:v57+s18+$0x0], $0xffff  }
0xea: {  	s9 =	simm.s32 $0x1BDD0;
	v48 =	vadd.s32 $0x441, v18;
	v37 =	vmul.f32 v60, v37;
	v35 =	vmul.f32 v60, v35;
	v57 =	vld.idx.msk [tilespmem:v46+s4+$0x0], $0xffff  }
0xeb: {  	[tilespmem:s9+$0x0] =	vst v26;
	v46 =	vld.idx.msk [tilespmem:v46+s19+$0x0], $0xffff;
	v28 =	vadd.f32 v28, v36;
	v36 =	vadd.s32 $0x441, v23;
	v47 =	vmul.f32 v62, v59  }
0xec: {  	v60 =	vld.idx.msk [tilespmem:v49+s4+$0x0], $0xffff;
	v33 =	vadd.f32 v37, v33;
	v50 =	vmul.f32 v62, v61;
	v34 =	vmul.f32 v62, v34  }
0xed: {  	v31 =	vadd.f32 v35, v31;
	v59 =	vmul.f32 v40, v44;
	v61 =	vld.idx.msk [tilespmem:v49+s18+$0x0], $0xffff;
	v62 =	vmul.f32 v22, v53  }
0xee: {  	v49 =	vld.idx.msk [tilespmem:v49+s19+$0x0], $0xffff;
	v40 =	vmul.f32 v40, v25;
	v22 =	vmul.f32 v22, v24;
	v42 =	vadd.f32 v47, v42  }
0xef: {  	v32 =	vadd.f32 v50, v32;
	v39 =	vmul.f32 v63, v59;
	v63 =	vmul.f32 v57, v62;
	v57 =	vld.idx.msk [tilespmem:v52+s18+$0x0], $0xffff  }
0xf0: {  	v54 =	vmul.f32 v54, v59;
	v34 =	vadd.f32 v34, v38;
	v26 =	vmul.f32 v43, v59;
	v59 =	vld.idx.msk [tilespmem:v52+s19+$0x0], $0xffff  }
0xf1: {  	v38 =	vadd.s32 $0x462, v23;
	v56 =	vmul.f32 v58, v62;
	v45 =	vmul.f32 v60, v40;
	v60 =	vld.idx.msk [tilespmem:v48+s18+$0x0], $0xffff  }
0xf2: {  	v37 =	vmul.f32 v55, v22;
	v28 =	vadd.f32 v28, v54;
	v26 =	vadd.f32 v26, v31;
	v31 =	vld.idx.msk [tilespmem:v48+s4+$0x0], $0xffff  }
0xf3: {  	v58 =	vmul.f32 v46, v62;
	v32 =	vadd.f32 v56, v32;
	v33 =	vadd.f32 v39, v33;
	v52 =	vld.idx.msk [tilespmem:v36+s4+$0x0], $0xffff  }
0xf4: {  	v35 =	vadd.f32 v42, v63;
	v61 =	vmul.f32 v61, v40;
	v40 =	vmul.f32 v49, v40;
	v56 =	vld.idx.msk [tilespmem:v36+s18+$0x0], $0xffff  }
0xf5: {  	v54 =	vmul.f32 v41, v53;
	v34 =	vadd.f32 v58, v34;
	v36 =	vld.idx.msk [tilespmem:v36+s19+$0x0], $0xffff;
	v28 =	vadd.f32 v45, v28  }
0xf6: {  	s16 =	simm.s32 $0x1C1D0;
	v62 =	vld.idx.msk [tilespmem:v48+s19+$0x0], $0xffff;
	v63 =	vmul.f32 v30, v44;
	v33 =	vadd.f32 v61, v33;
	v26 =	vadd.f32 v40, v26  }
0xf7: {  	s17 =	simm.s32 $0x1C5D0;
	[tilespmem:s16+$0x0] =	vst v27;
	v58 =	vld.idx.msk [tilespmem:v14+s18+$0x0], $0xffff;
	v55 =	vmul.f32 v57, v22;
	v57 =	vmul.f32 v59, v22;
	v22 =	vadd.s32 $0x463, v18  }
0xf8: {  	[tilespmem:s17+$0x0] =	vst v29;
	v61 =	vld.idx.msk [tilespmem:v13+s4+$0x0], $0xffff;
	v29 =	vmul.f32 v60, v63;
	v18 =	vadd.s32 $0x463, v23;
	v23 =	vmul.f32 v30, v25  }
0xf9: {  	v35 =	vadd.f32 v37, v35;
	v60 =	vmul.f32 v41, v24;
	v27 =	vmul.f32 v31, v63;
	v31 =	vld.idx.msk [tilespmem:v14+s4+$0x0], $0xffff  }
0xfa: {  	v59 =	vld.idx.msk [tilespmem:v14+s19+$0x0], $0xffff;
	v32 =	vadd.f32 v55, v32;
	v34 =	vadd.f32 v57, v34;
	v20 =	vmul.f32 v36, v54  }
0xfb: {  	v30 =	vld.idx.msk [tilespmem:v12+s4+$0x0], $0xffff;
	v33 =	vadd.f32 v29, v33;
	v27 =	vadd.f32 v27, v28;
	v28 =	vmul.f32 v62, v63  }
0xfc: {  	v14 =	vmul.f32 v52, v54;
	v62 =	vld.idx.msk [tilespmem:v13+s18+$0x0], $0xffff;
	v63 =	vmul.f32 v58, v23;
	v29 =	vadd.f32 v20, v34  }
0xfd: {  	v13 =	vld.idx.msk [tilespmem:v13+s19+$0x0], $0xffff;
	v20 =	vmul.f32 v17, v25;
	v43 =	vadd.f32 v28, v26;
	v26 =	vmul.f32 v56, v54  }
0xfe: {  	v35 =	vadd.f32 v14, v35;
	v17 =	vmul.f32 v21, v24;
	v24 =	vld.idx.msk [tilespmem:v38+s4+$0x0], $0xffff;
	v28 =	vmul.f32 v31, v23  }
0xff: {  	v14 =	vmul.f32 v21, v53;
	v23 =	vmul.f32 v59, v23;
	v31 =	vadd.f32 v26, v32;
	v26 =	vld.idx.msk [tilespmem:v12+s18+$0x0], $0xffff  }
0x100: {  	v25 =	vadd.f32 v63, v33;
	v27 =	vadd.f32 v28, v27;
	v28 =	vld.idx.msk [tilespmem:v12+s19+$0x0], $0xffff;
	v12 =	vmul.f32 v61, v60  }
0x101: {  	v21 =	vld.idx.msk [tilespmem:v38+s18+$0x0], $0xffff;
	v32 =	vmul.f32 v16, v1;
	v23 =	vadd.f32 v23, v43;
	v33 =	vmul.f32 v62, v60  }
0x102: {  	s21 =	simm.s32 $0x30;
	s6 =	simm.s32 $0x1AE00;
	s8 =	sshll.u32 s7, $0x1;
	v34 =	vmul.f32 v13, v60;
	v13 =	vmul.f32 v15, v1;
	v16 =	vadd.f32 v12, v35;
	v12 =	vld.idx.msk [tilespmem:v38+s19+$0x0], $0xffff  }
.LBB2_3:
0x103: {  	v15 =	vld [tilespmem:s6+$0x0];
	v30 =	vmul.f32 v30, v19;
	v31 =	vadd.f32 v33, v31;
	s11 =	sadd.s32 $0x30, s11;
	v8 =	vmul.f32 v8, v1;
	v1 =	vmovc v20  }
0x104: {  	v26 =	vmul.f32 v26, v19;
	s12 =	sadd.s32 $0x30, s12;
	v9 =	vmul.f32 v9, v0;
	v20 =	vld [tilespmem:s11+$0x0];
	v29 =	vadd.f32 v34, v29  }
0x105: {  	v19 =	vmul.f32 v28, v19;
	v28 =	vmul.f32 v10, v0;
	v33 =	vld [tilespmem:s12+$0x10];
	v27 =	vadd.f32 v30, v27  }
0x106: {  	v25 =	vadd.f32 v26, v25;
	v24 =	vmul.f32 v24, v14;
	v26 =	vmul.f32 v11, v0;
	v0 =	vmovc v17;
	v10 =	vld [tilespmem:s6+$0xFFFFFFE0]  }
0x107: {  	v17 =	vadd.f32 v19, v23;
	v19 =	vmul.f32 v21, v14;
	v21 =	vadd.f32 v32, v4;
	v11 =	vld [tilespmem:s6+$0xFFFFFFF0];
	v4 =	vmovc v27  }
0x108: {  	v16 =	vadd.f32 v24, v16;
	v12 =	vmul.f32 v12, v14;
	v23 =	vld [tilespmem:s11+$0xFFFFFFE0];
	v15 =	vmul.f32 $3.199679950e+01, v15  }
0x109: {  	v13 =	vadd.f32 v13, v5;
	v5 =	vmovc v25;
	v19 =	vadd.f32 v19, v31;
	v14 =	vld [tilespmem:s11+$0xFFFFFFF0];
	v24 =	vmul.f32 $3.199679950e+01, v20;
	[tilespmem:s13+$0xFFFFFFE0] =	vst v21  }
0x10a: {  	v27 =	vadd.f32 v12, v29;
	v21 =	vld [tilespmem:s12+$0x0];
	v25 =	vmul.f32 $3.199679950e+01, v33;
	v20 =	vtrunc.f32 v15  }
0x10b: {  	v8 =	vadd.f32 v8, v6;
	v6 =	vmovc v17;
	v29 =	vld [tilespmem:s12+$0xFFFFFFF0];
	v30 =	vcvt.f32.s32 v20;
	v12 =	vtrunc.f32 v24;
	[tilespmem:s14+$0xFFFFFFE0] =	vst v13  }
0x10c: {  	v9 =	vadd.f32 v9, v2;
	v2 =	vmovc v16;
	v13 =	vtrunc.f32 v25;
	v17 =	vcvt.f32.s32 v12;
	v12 =	vld.idx.msk [tilespmem:v22+s4+$0x0], $0xffff  }
0x10d: {  	s21 =	sadd.s32 $0x30, s21;
	v16 =	vmul.f32 $3.199679950e+01, v10;
	v31 =	vcvt.f32.s32 v13;
	v10 =	vmul.u32 $0x21, v30;
	v13 =	vld.idx.msk [tilespmem:v22+s18+$0x0], $0xffff;
	[tilespmem:s15+$0xFFFFFFE0] =	vst v8  }
0x10e: {  	p1 =	slt.u32 s21, $0x3C0;
	v33 =	vmul.f32 $3.199679950e+01, v11;
	v32 =	vmul.f32 $3.199679950e+01, v23;
	v11 =	vmul.u32 $0x441, v17;
	v8 =	vld.idx.msk [tilespmem:v22+s19+$0x0], $0xffff;
	[tilespmem:s13+$0xFFFFFFF0] =	vst v9;
	s13 =	smov.u32 s9  }
0x10f: {  	v22 =	vtrunc.f32 v16;
	v34 =	vmul.f32 $3.199679950e+01, v14;
	v10 =	vadd.s32 v31, v10;
	v9 =	vld.idx.msk [tilespmem:v18+s4+$0x0], $0xffff  }
0x110: {  	v23 =	vtrunc.f32 v33;
	v14 =	vtrunc.f32 v32;
	v35 =	vadd.s32 v11, v10;
	v10 =	vld.idx.msk [tilespmem:v18+s18+$0x0], $0xffff  }
0x111: {  	v20 =	vmul.f32 $3.199679950e+01, v29;
	v29 =	vtrunc.f32 v34;
	v11 =	vld.idx.msk [tilespmem:v18+s19+$0x0], $0xffff;
	v18 =	vadd.f32 v28, v3;
	v3 =	vmovc v19  }
0x112: {  	v21 =	vmul.f32 $3.199679950e+01, v21;
	v19 =	vcvt.f32.s32 v22;
	v22 =	vadd.f32 v26, v7;
	v7 =	vmovc v27  }
0x113: {  	v14 =	vcvt.f32.s32 v14;
	v26 =	vcvt.f32.s32 v23;
	v27 =	vadd.s32 $0x463, v35;
	[tilespmem:s14+$0xFFFFFFF0] =	vst v18;
	s14 =	smov.u32 s16  }
0x114: {  	v28 =	vcvt.f32.s32 v29;
	v29 =	vadd.s32 $0x462, v35;
	v18 =	vtrunc.f32 v20;
	[tilespmem:s15+$0xFFFFFFF0] =	vst v22;
	s15 =	smov.u32 s17  }
0x115: {  	v38 =	vadd.s32 $0x442, v35;
	v36 =	vmul.u32 $0x21, v19;
	v22 =	vtrunc.f32 v21;
	v37 =	vld.idx.msk [tilespmem:v35+s4+$0x0], $0xffff  }
0x116: {  	v40 =	vadd.s32 $0x441, v35;
	v23 =	vcvt.f32.s32 v18;
	v18 =	vmul.u32 $0x21, v26;
	v39 =	vld.idx.msk [tilespmem:v35+s18+$0x0], $0xffff  }
0x117: {  	v42 =	vadd.s32 $0x22, v35;
	v19 =	vcvt.s32.f32 v19;
	v22 =	vcvt.f32.s32 v22;
	v41 =	vld.idx.msk [tilespmem:v35+s19+$0x0], $0xffff  }
0x118: {  	v30 =	vcvt.s32.f32 v30;
	v17 =	vcvt.s32.f32 v17;
	v43 =	vadd.s32 $0x21, v35;
	v44 =	vld.idx.msk [tilespmem:v27+s4+$0x0], $0xffff  }
0x119: {  	v31 =	vcvt.s32.f32 v31;
	v45 =	vcvt.s32.f32 v14;
	v35 =	vadd.s32 $0x1, v35;
	v46 =	vld.idx.msk [tilespmem:v29+s4+$0x0], $0xffff  }
0x11a: {  	v30 =	vsub.f32 v15, v30;
	v15 =	vsub.f32 v24, v17;
	v26 =	vcvt.s32.f32 v26;
	v24 =	vld.idx.msk [tilespmem:v38+s4+$0x0], $0xffff  }
0x11b: {  	v25 =	vsub.f32 v25, v31;
	v47 =	vmul.u32 $0x441, v14;
	v17 =	vcvt.s32.f32 v28;
	v31 =	vld.idx.msk [tilespmem:v40+s4+$0x0], $0xffff  }
0x11c: {  	v48 =	vsub.f32 $1.000000000e+00, v30;
	v49 =	vmul.f32 v15, v30;
	v28 =	vmul.u32 $0x441, v28;
	v50 =	vld.idx.msk [tilespmem:v42+s4+$0x0], $0xffff  }
0x11d: {  	v52 =	vsub.f32 $1.000000000e+00, v15;
	v51 =	vsub.f32 $1.000000000e+00, v25;
	v36 =	vadd.s32 v23, v36;
	v53 =	vld.idx.msk [tilespmem:v43+s4+$0x0], $0xffff  }
0x11e: {  	v54 =	vmul.f32 v15, v48;
	v55 =	vmul.f32 v49, v25;
	v18 =	vadd.s32 v22, v18;
	v56 =	vld.idx.msk [tilespmem:v35+s4+$0x0], $0xffff  }
0x11f: {  	v14 =	vsub.f32 v16, v19;
	v19 =	vmul.f32 v52, v48;
	v48 =	vmul.f32 v49, v51;
	v49 =	vld.idx.msk [tilespmem:v35+s18+$0x0], $0xffff  }
0x120: {  	v15 =	vsub.f32 v32, v45;
	v30 =	vmul.f32 v52, v30;
	v32 =	vmul.f32 v54, v25;
	v35 =	vld.idx.msk [tilespmem:v35+s19+$0x0], $0xffff  }
0x121: {  	v16 =	vsub.f32 v33, v26;
	v33 =	vmul.f32 v54, v51;
	v26 =	vmul.f32 v19, v51;
	v45 =	vld.idx.msk [tilespmem:v43+s18+$0x0], $0xffff  }
0x122: {  	v17 =	vsub.f32 v34, v17;
	v34 =	vmul.f32 v19, v25;
	v25 =	vmul.f32 v30, v25;
	v43 =	vld.idx.msk [tilespmem:v43+s19+$0x0], $0xffff  }
0x123: {  	v19 =	vadd.s32 v47, v36;
	v30 =	vmul.f32 v30, v51;
	v36 =	vmul.f32 v26, v37;
	v37 =	vld.idx.msk [tilespmem:v42+s18+$0x0], $0xffff  }
0x124: {  	v18 =	vadd.s32 v28, v18;
	v28 =	vmul.f32 v26, v39;
	v39 =	vmul.f32 v34, v56;
	v42 =	vld.idx.msk [tilespmem:v42+s19+$0x0], $0xffff  }
0x125: {  	v47 =	vadd.s32 $0x1, v19;
	v26 =	vmul.f32 v26, v41;
	v41 =	vmul.f32 v34, v49;
	v49 =	vld.idx.msk [tilespmem:v40+s18+$0x0], $0xffff  }
0x126: {  	v36 =	vadd.f32 v39, v36;
	v34 =	vmul.f32 v34, v35;
	v35 =	vmul.f32 v53, v30;
	v39 =	vld.idx.msk [tilespmem:v40+s19+$0x0], $0xffff  }
0x127: {  	v28 =	vadd.f32 v41, v28;
	v40 =	vmul.f32 v45, v30;
	v41 =	vmul.f32 v50, v25;
	v45 =	vld.idx.msk [tilespmem:v38+s18+$0x0], $0xffff  }
0x128: {  	v26 =	vadd.f32 v34, v26;
	v34 =	vadd.f32 v36, v35;
	v30 =	vmul.f32 v43, v30;
	v35 =	vld.idx.msk [tilespmem:v38+s19+$0x0], $0xffff  }
0x129: {  	v31 =	vmul.f32 v31, v33;
	v28 =	vadd.f32 v40, v28;
	v36 =	vmul.f32 v37, v25;
	v37 =	vld.idx.msk [tilespmem:v29+s18+$0x0], $0xffff  }
0x12a: {  	v26 =	vadd.f32 v30, v26;
	v30 =	vadd.f32 v41, v34;
	v25 =	vmul.f32 v42, v25;
	v29 =	vld.idx.msk [tilespmem:v29+s19+$0x0], $0xffff  }
0x12b: {  	v24 =	vmul.f32 v24, v32;
	v28 =	vadd.f32 v36, v28;
	v34 =	vmul.f32 v49, v33;
	v36 =	vld.idx.msk [tilespmem:v27+s18+$0x0], $0xffff  }
0x12c: {  	v25 =	vadd.f32 v25, v26;
	v26 =	vadd.f32 v31, v30;
	v30 =	vmul.f32 v39, v33;
	v27 =	vld.idx.msk [tilespmem:v27+s19+$0x0], $0xffff  }
0x12d: {  	v28 =	vadd.f32 v34, v28;
	v33 =	vmul.f32 v45, v32;
	v34 =	vmul.f32 v46, v48;
	v31 =	vld.idx.msk [tilespmem:v47+s4+$0x0], $0xffff  }
0x12e: {  	v25 =	vadd.f32 v30, v25;
	v24 =	vadd.f32 v24, v26;
	v26 =	vmul.f32 v35, v32;
	v38 =	vld.idx.msk [tilespmem:v47+s18+$0x0], $0xffff  }
0x12f: {  	v28 =	vadd.f32 v33, v28;
	v32 =	vmul.f32 v37, v48;
	v33 =	vmul.f32 v44, v55;
	v30 =	vld.idx.msk [tilespmem:v47+s19+$0x0], $0xffff  }
0x130: {  	v25 =	vadd.f32 v26, v25;
	v24 =	vadd.f32 v34, v24;
	v26 =	vmul.f32 v29, v48;
	v35 =	vld.idx.msk [tilespmem:v19+s4+$0x0], $0xffff  }
0x131: {  	v23 =	vcvt.s32.f32 v23;
	v28 =	vadd.f32 v32, v28;
	v32 =	vmul.f32 v36, v55;
	v29 =	vld.idx.msk [tilespmem:v19+s18+$0x0], $0xffff  }
0x132: {  	v25 =	vadd.f32 v26, v25;
	v24 =	vadd.f32 v33, v24;
	v26 =	vmul.f32 v27, v55;
	v34 =	vld.idx.msk [tilespmem:v19+s19+$0x0], $0xffff  }
0x133: {  	s9 =	sadd.s32 $0x30, s9;
	v22 =	vcvt.s32.f32 v22;
	v33 =	vadd.s32 $0x1, v18;
	v28 =	vadd.f32 v32, v28;
	v27 =	vld.idx.msk [tilespmem:v18+s4+$0x0], $0xffff  }
0x134: {  	s16 =	sadd.s32 $0x30, s16;
	v36 =	vadd.s32 $0x21, v19;
	v32 =	vsub.f32 $1.000000000e+00, v14;
	v25 =	vadd.f32 v26, v25;
	v37 =	vld.idx.msk [tilespmem:v18+s18+$0x0], $0xffff;
	[tilespmem:s9+$0x0] =	vst v24  }
0x135: {  	s17 =	sadd.s32 $0x30, s17;
	v41 =	vadd.s32 $0x21, v18;
	v39 =	vsub.f32 $1.000000000e+00, v16;
	v26 =	vsub.f32 $1.000000000e+00, v15;
	v40 =	vld.idx.msk [tilespmem:v18+s19+$0x0], $0xffff;
	[tilespmem:s16+$0x0] =	vst v28  }
0x136: {  	v20 =	vsub.f32 v20, v23;
	v42 =	vsub.f32 $1.000000000e+00, v17;
	v28 =	vadd.s32 $0x22, v19;
	[tilespmem:s17+$0x0] =	vst v25  }
0x137: {  	v21 =	vsub.f32 v21, v22;
	v22 =	vadd.s32 $0x22, v18;
	v25 =	vmul.f32 v26, v32  }
0x138: {  	v43 =	vmul.f32 v42, v39;
	v24 =	vsub.f32 $1.000000000e+00, v20;
	v26 =	vmul.f32 v26, v14;
	v44 =	vld.idx.msk [tilespmem:v33+s4+$0x0], $0xffff  }
0x139: {  	v23 =	vsub.f32 $1.000000000e+00, v21;
	v42 =	vmul.f32 v42, v16;
	v45 =	vmul.f32 v25, v20;
	v46 =	vld.idx.msk [tilespmem:v33+s18+$0x0], $0xffff  }
0x13a: {  	v47 =	vadd.s32 $0x441, v19;
	v48 =	vmul.f32 v43, v21;
	v25 =	vmul.f32 v25, v24;
	v33 =	vld.idx.msk [tilespmem:v33+s19+$0x0], $0xffff  }
0x13b: {  	v50 =	vadd.s32 $0x441, v18;
	v43 =	vmul.f32 v43, v23;
	v31 =	vmul.f32 v45, v31;
	v49 =	vld.idx.msk [tilespmem:v36+s4+$0x0], $0xffff  }
0x13c: {  	v51 =	vadd.s32 $0x442, v19;
	v38 =	vmul.f32 v45, v38;
	v30 =	vmul.f32 v45, v30;
	v45 =	vld.idx.msk [tilespmem:v36+s18+$0x0], $0xffff  }
0x13d: {  	v52 =	vadd.s32 $0x442, v18;
	v35 =	vmul.f32 v25, v35;
	v29 =	vmul.f32 v25, v29;
	v36 =	vld.idx.msk [tilespmem:v36+s19+$0x0], $0xffff  }
0x13e: {  	v25 =	vmul.f32 v25, v34;
	v34 =	vadd.s32 $0x462, v19;
	v44 =	vmul.f32 v48, v44;
	v53 =	vld.idx.msk [tilespmem:v41+s4+$0x0], $0xffff  }
0x13f: {  	v27 =	vmul.f32 v43, v27;
	v31 =	vadd.f32 v31, v35;
	v35 =	vmul.f32 v48, v46;
	v46 =	vld.idx.msk [tilespmem:v41+s18+$0x0], $0xffff  }
0x140: {  	v37 =	vmul.f32 v43, v37;
	v29 =	vadd.f32 v38, v29;
	v33 =	vmul.f32 v48, v33;
	v38 =	vld.idx.msk [tilespmem:v41+s19+$0x0], $0xffff  }
0x141: {  	v40 =	vmul.f32 v43, v40;
	v25 =	vadd.f32 v30, v25;
	v41 =	vmul.f32 v26, v24;
	v30 =	vld.idx.msk [tilespmem:v28+s4+$0x0], $0xffff  }
0x142: {  	v48 =	vmul.f32 v42, v23;
	v27 =	vadd.f32 v44, v27;
	v35 =	vadd.f32 v35, v37;
	v43 =	vld.idx.msk [tilespmem:v28+s18+$0x0], $0xffff  }
0x143: {  	v33 =	vadd.f32 v33, v40;
	v37 =	vmul.f32 v49, v41;
	v44 =	vmul.f32 v45, v41;
	v28 =	vld.idx.msk [tilespmem:v28+s19+$0x0], $0xffff  }
0x144: {  	v36 =	vmul.f32 v36, v41;
	v45 =	vadd.s32 $0x462, v18;
	v40 =	vmul.f32 v53, v48;
	v41 =	vld.idx.msk [tilespmem:v22+s4+$0x0], $0xffff  }
0x145: {  	v26 =	vmul.f32 v26, v20;
	v31 =	vadd.f32 v31, v37;
	v37 =	vmul.f32 v46, v48;
	v46 =	vld.idx.msk [tilespmem:v22+s18+$0x0], $0xffff  }
0x146: {  	v42 =	vmul.f32 v42, v21;
	v29 =	vadd.f32 v44, v29;
	v38 =	vmul.f32 v38, v48;
	v22 =	vld.idx.msk [tilespmem:v22+s19+$0x0], $0xffff  }
0x147: {  	v39 =	vmul.f32 v17, v39;
	v32 =	vmul.f32 v15, v32;
	v25 =	vadd.f32 v36, v25;
	v36 =	vld.idx.msk [tilespmem:v47+s4+$0x0], $0xffff  }
0x148: {  	v27 =	vadd.f32 v27, v40;
	v30 =	vmul.f32 v30, v26;
	v35 =	vadd.f32 v37, v35;
	v44 =	vld.idx.msk [tilespmem:v47+s18+$0x0], $0xffff  }
0x149: {  	v37 =	vmul.f32 v43, v26;
	v33 =	vadd.f32 v38, v33;
	v26 =	vmul.f32 v28, v26;
	v28 =	vld.idx.msk [tilespmem:v47+s19+$0x0], $0xffff  }
0x14a: {  	v38 =	vmul.f32 v32, v24;
	v30 =	vadd.f32 v30, v31;
	v31 =	vmul.f32 v41, v42;
	v40 =	vld.idx.msk [tilespmem:v50+s4+$0x0], $0xffff  }
0x14b: {  	v29 =	vadd.f32 v37, v29;
	v37 =	vmul.f32 v39, v23;
	v41 =	vmul.f32 v46, v42;
	v43 =	vld.idx.msk [tilespmem:v50+s18+$0x0], $0xffff  }
0x14c: {  	v25 =	vadd.f32 v26, v25;
	v26 =	vadd.f32 v31, v27;
	v27 =	vmul.f32 v22, v42;
	v31 =	vld.idx.msk [tilespmem:v50+s19+$0x0], $0xffff  }
0x14d: {  	v22 =	vadd.s32 $0x463, v19;
	v36 =	vmul.f32 v36, v38;
	v35 =	vadd.f32 v41, v35;
	v42 =	vld.idx.msk [tilespmem:v51+s4+$0x0], $0xffff  }
0x14e: {  	v18 =	vadd.s32 $0x463, v18;
	v19 =	vmul.f32 v44, v38;
	v27 =	vadd.f32 v27, v33;
	v41 =	vld.idx.msk [tilespmem:v51+s18+$0x0], $0xffff  }
0x14f: {  	v32 =	vmul.f32 v32, v20;
	v33 =	vadd.f32 v36, v30;
	v28 =	vmul.f32 v28, v38;
	v36 =	vld.idx.msk [tilespmem:v51+s19+$0x0], $0xffff  }
0x150: {  	v39 =	vmul.f32 v39, v21;
	v38 =	vadd.f32 v19, v29;
	v19 =	vmul.f32 v40, v37;
	v40 =	vld.idx.msk [tilespmem:v52+s4+$0x0], $0xffff  }
0x151: {  	v15 =	vmul.f32 v15, v14;
	v44 =	vadd.f32 v28, v25;
	v14 =	vmul.f32 v43, v37;
	v43 =	vld.idx.msk [tilespmem:v52+s18+$0x0], $0xffff  }
0x152: {  	v16 =	vmul.f32 v17, v16;
	v46 =	vadd.f32 v19, v26;
	v17 =	vmul.f32 v31, v37;
	v37 =	vld.idx.msk [tilespmem:v52+s19+$0x0], $0xffff  }
0x153: {  	v19 =	vmul.f32 v15, v24;
	v24 =	vmul.f32 v42, v32;
	v31 =	vadd.f32 v14, v35;
	v30 =	vld.idx.msk [tilespmem:v34+s4+$0x0], $0xffff  }
.Ltmp2:
0x154: {  	v14 =	vmul.f32 v16, v23;
	v25 =	vmul.f32 v41, v32;
	v29 =	vadd.f32 v17, v27;
	v26 =	vld.idx.msk [tilespmem:v34+s18+$0x0], $0xffff;
	(pc) =	sbr.rel @p1 .LBB2_3-.Ltmp2, $4  }
0x155: {  	v20 =	vmul.f32 v15, v20;
	v27 =	vadd.f32 v24, v33;
	v15 =	vmul.f32 v36, v32;
	v28 =	vld.idx.msk [tilespmem:v34+s19+$0x0], $0xffff  }
0x156: {  	v17 =	vmul.f32 v16, v21;
	v25 =	vadd.f32 v25, v38;
	v16 =	vmul.f32 v40, v39;
	v24 =	vld.idx.msk [tilespmem:v45+s4+$0x0], $0xffff  }
0x157: {  	v32 =	vmul.f32 v12, v1;
	v23 =	vadd.f32 v15, v44;
	v33 =	vmul.f32 v43, v39;
	v21 =	vld.idx.msk [tilespmem:v45+s18+$0x0], $0xffff  }
0x158: {  	s6 =	sadd.s32 $0x30, s6;
	v13 =	vmul.f32 v13, v1;
	v16 =	vadd.f32 v16, v46;
	v34 =	vmul.f32 v37, v39;
	v12 =	vld.idx.msk [tilespmem:v45+s19+$0x0], $0xffff  }
0x159: {  	_ =	sdelay $0x1  }
0x15a: {  	v15 =	vmul.f32 v30, v19;
	v30 =	vadd.f32 v33, v31;
	v1 =	vmul.f32 v8, v1  }
0x15b: {  	v8 =	vmul.f32 v26, v19;
	v9 =	vmul.f32 v9, v0;
	v4 =	vadd.f32 v32, v4  }
0x15c: {  	v10 =	vmul.f32 v10, v0;
	v5 =	vadd.f32 v13, v5;
	v15 =	vadd.f32 v15, v27;
	v27 =	vld.idx.msk [tilespmem:v22+s4+$0x0], $0xffff  }
0x15d: {  	v0 =	vmul.f32 v11, v0;
	[tilespmem:s13+$0xFFFFFFE0] =	vst v4;
	v1 =	vadd.f32 v1, v6;
	v4 =	vld.idx.msk [tilespmem:v18+s4+$0x0], $0xffff  }
0x15e: {  	v19 =	vmul.f32 v28, v19;
	v28 =	vld.idx.msk [tilespmem:v22+s18+$0x0], $0xffff;
	v2 =	vadd.f32 v9, v2;
	[tilespmem:s14+$0xFFFFFFE0] =	vst v5  }
0x15f: {  	v26 =	vadd.f32 v34, v29;
	v13 =	vld.idx.msk [tilespmem:v22+s19+$0x0], $0xffff;
	v3 =	vadd.f32 v10, v3;
	[tilespmem:s15+$0xFFFFFFE0] =	vst v1  }
0x160: {  	v24 =	vmul.f32 v24, v14;
	v0 =	vadd.f32 v0, v7;
	v5 =	vld.idx.msk [tilespmem:v18+s18+$0x0], $0xffff;
	[tilespmem:s13+$0xFFFFFFF0] =	vst v2  }
0x161: {  	v8 =	vadd.f32 v8, v25;
	v1 =	vld.idx.msk [tilespmem:v18+s19+$0x0], $0xffff;
	[tilespmem:s14+$0xFFFFFFF0] =	vst v3;
	v9 =	vmul.f32 v27, v20  }
0x162: {  	v6 =	vadd.f32 v19, v23;
	v7 =	vadd.f32 v24, v16;
	[tilespmem:s15+$0xFFFFFFF0] =	vst v0;
	v0 =	vmul.f32 v4, v17  }
0x163: {  	v10 =	vmul.f32 v21, v14;
	v2 =	vmul.f32 v28, v20;
	v9 =	vadd.f32 v9, v15  }
0x164: {  	v11 =	vmul.f32 v12, v14;
	v3 =	vmul.f32 v13, v20;
	v0 =	vadd.f32 v0, v7  }
0x165: {  	v4 =	vadd.f32 v10, v30;
	v2 =	vadd.f32 v2, v8;
	v5 =	vmul.f32 v5, v17;
	[tilespmem:s9+$0xFFFFFFE0] =	vst v9  }
0x166: {  	v3 =	vadd.f32 v3, v6;
	v6 =	vadd.f32 v11, v26;
	v1 =	vmul.f32 v1, v17;
	[tilespmem:s9+$0xFFFFFFF0] =	vst v0  }
0x167: {  	[tilespmem:s16+$0xFFFFFFE0] =	vst v2;
	v2 =	vadd.f32 v5, v4  }
0x168: {  	v0 =	vadd.f32 v1, v6;
	[tilespmem:s17+$0xFFFFFFE0] =	vst v3  }
0x169: {  	[tilespmem:s16+$0xFFFFFFF0] =	vst v2  }
0x16a: {  	[tilespmem:s17+$0xFFFFFFF0] =	vst v0  }
0x16b: {  	v0 =	vld [tilespmem:$0x1B170]  }
0x16c: {  	v1 =	vld [tilespmem:$0x1B970]  }
0x16d: {  	v2 =	vld [tilespmem:$0x1A970];
	_ =	sdelay $0x2  }
0x16e: {  	v0 =	vmul.f32 $3.199679950e+01, v0  }
0x16f: {  	v1 =	vmul.f32 $3.199679950e+01, v1  }
0x170: {  	v2 =	vmul.f32 $3.199679950e+01, v2;
	v3 =	vtrunc.f32 v0  }
0x171: {  	v4 =	vtrunc.f32 v1;
	v3 =	vcvt.f32.s32 v3  }
0x172: {  	v5 =	vtrunc.f32 v2;
	v4 =	vcvt.f32.s32 v4  }
0x173: {  	v5 =	vcvt.f32.s32 v5;
	v6 =	vmul.u32 $0x21, v3  }
0x174: {  	v7 =	vmul.u32 $0x441, v4  }
0x175: {  	v6 =	vadd.s32 v5, v6  }
0x176: {  	v6 =	vadd.s32 v7, v6;
	_ =	sdelay $0x2  }
0x177: {  	v7 =	vadd.s32 $0x1, v6;
	_ =	sdelay $0x1  }
0x178: {  	v8 =	vld.idx.msk [tilespmem:v6+s4+$0x0], $0xffff  }
0x179: {  	v3 =	vcvt.s32.f32 v3;
	v4 =	vcvt.s32.f32 v4;
	v10 =	vadd.s32 $0x21, v6;
	v9 =	vld.idx.msk [tilespmem:v6+s18+$0x0], $0xffff  }
0x17a: {  	v5 =	vcvt.s32.f32 v5;
	v11 =	vld.idx.msk [tilespmem:v6+s19+$0x0], $0xffff  }
0x17b: {  	v0 =	vsub.f32 v0, v3;
	v1 =	vsub.f32 v1, v4;
	v3 =	vld.idx.msk [tilespmem:v7+s4+$0x0], $0xffff  }
0x17c: {  	v2 =	vsub.f32 v2, v5;
	v5 =	vadd.s32 $0x22, v6;
	v4 =	vld.idx.msk [tilespmem:v7+s18+$0x0], $0xffff  }
0x17d: {  	v12 =	vsub.f32 $1.000000000e+00, v0;
	v13 =	vsub.f32 $1.000000000e+00, v1;
	v7 =	vld.idx.msk [tilespmem:v7+s19+$0x0], $0xffff  }
0x17e: {  	v14 =	vld.idx.msk [tilespmem:v10+s4+$0x0], $0xffff  }
0x17f: {  	v18 =	vadd.s32 $0x441, v6;
	v15 =	vsub.f32 $1.000000000e+00, v2;
	v16 =	vmul.f32 v13, v12;
	v17 =	vld.idx.msk [tilespmem:v10+s18+$0x0], $0xffff  }
0x180: {  	v13 =	vmul.f32 v13, v0;
	v12 =	vmul.f32 v1, v12;
	v10 =	vld.idx.msk [tilespmem:v10+s19+$0x0], $0xffff  }
0x181: {  	v0 =	vmul.f32 v1, v0;
	v1 =	vmul.f32 v16, v15;
	v19 =	vld.idx.msk [tilespmem:v5+s4+$0x0], $0xffff  }
0x182: {  	v22 =	vadd.s32 $0x442, v6;
	v16 =	vmul.f32 v16, v2;
	v20 =	vmul.f32 v13, v15;
	v21 =	vld.idx.msk [tilespmem:v5+s18+$0x0], $0xffff  }
0x183: {  	v13 =	vmul.f32 v13, v2;
	v23 =	vmul.f32 v12, v15;
	v5 =	vld.idx.msk [tilespmem:v5+s19+$0x0], $0xffff  }
0x184: {  	v24 =	vld.idx.msk [tilespmem:v18+s4+$0x0], $0xffff;
	v8 =	vmul.f32 v1, v8;
	v9 =	vmul.f32 v1, v9  }
0x185: {  	v26 =	vadd.s32 $0x462, v6;
	v25 =	vld.idx.msk [tilespmem:v18+s18+$0x0], $0xffff;
	v1 =	vmul.f32 v1, v11;
	v3 =	vmul.f32 v16, v3  }
0x186: {  	v11 =	vld.idx.msk [tilespmem:v18+s19+$0x0], $0xffff;
	v4 =	vmul.f32 v16, v4;
	v7 =	vmul.f32 v16, v7  }
0x187: {  	v6 =	vadd.s32 $0x463, v6;
	v16 =	vld.idx.msk [tilespmem:v22+s19+$0x0], $0xffff;
	v3 =	vadd.f32 v3, v8;
	v8 =	vmul.f32 v14, v20  }
0x188: {  	v4 =	vadd.f32 v4, v9;
	v9 =	vld.idx.msk [tilespmem:v22+s4+$0x0], $0xffff;
	v1 =	vadd.f32 v7, v1;
	v7 =	vmul.f32 v17, v20  }
0x189: {  	v14 =	vld.idx.msk [tilespmem:v22+s18+$0x0], $0xffff;
	v3 =	vadd.f32 v3, v8;
	v8 =	vmul.f32 v10, v20;
	v10 =	vmul.f32 v19, v13  }
0x18a: {  	v12 =	vmul.f32 v12, v2;
	v17 =	vld.idx.msk [tilespmem:v26+s4+$0x0], $0xffff;
	v4 =	vadd.f32 v7, v4;
	v7 =	vmul.f32 v21, v13  }
0x18b: {  	v5 =	vmul.f32 v5, v13;
	v13 =	vld.idx.msk [tilespmem:v26+s19+$0x0], $0xffff;
	v1 =	vadd.f32 v8, v1;
	v3 =	vadd.f32 v10, v3  }
0x18c: {  	v8 =	vld.idx.msk [tilespmem:v26+s18+$0x0], $0xffff;
	v4 =	vadd.f32 v7, v4;
	v7 =	vmul.f32 v24, v23;
	v10 =	vmul.f32 v25, v23  }
0x18d: {  	s6 =	sshll.u32 s7, $0x2;
	v15 =	vmul.f32 v0, v15;
	v1 =	vadd.f32 v5, v1;
	v5 =	vmul.f32 v11, v23;
	v11 =	vld.idx.msk [tilespmem:v6+s4+$0x0], $0xffff  }
0x18e: {  	s6 =	sand.u32 $0x78, s6;
	v3 =	vadd.f32 v7, v3;
	v4 =	vadd.f32 v10, v4;
	v7 =	vmul.f32 v9, v12;
	v9 =	vld.idx.msk [tilespmem:v6+s18+$0x0], $0xffff  }
0x18f: {  	s6 =	sor.u32 s10, s6;
	s14 =	sshll.u32 s7, $0xB;
	v10 =	vmul.f32 v16, v12;
	v6 =	vld.idx.msk [tilespmem:v6+s19+$0x0], $0xffff;
	v1 =	vadd.f32 v5, v1;
	v5 =	vmul.f32 v14, v12  }
0x190: {  	s6 =	sshll.u32 s6, $0x9;
	s9 =	sand.u32 $0x800, s14;
	v0 =	vmul.f32 v0, v2;
	v2 =	vadd.f32 v7, v3;
	v3 =	vmul.f32 v17, v15  }
0x191: {  	s6 =	sor.u32 s6, s9;
	v4 =	vadd.f32 v5, v4;
	v1 =	vadd.f32 v10, v1;
	v5 =	vmul.f32 v8, v15  }
0x192: {  	p1 =	seq.s32 s7, $0x1F;
	s6 =	sor.u32 s5, s6;
	v2 =	vadd.f32 v3, v2;
	v3 =	vmul.f32 v13, v15;
	v7 =	vmul.f32 v11, v0  }
0x193: {  	s12 =	sshrl.u32 s6, $0x3;
	s6 =	sadd.s32 @!p1 $0x2, s8;
	v4 =	vadd.f32 v5, v4;
	v5 =	vmul.f32 v9, v0  }
0x194: {  	s9 =	sshll.u32 @!p1 s6, $0x1;
	v1 =	vadd.f32 v3, v1;
	v0 =	vmul.f32 v6, v0;
	v2 =	vadd.f32 v7, v2  }
0x195: {  	s9 =	sand.u32 @!p1 $0xF8, s9;
	v3 =	vadd.f32 v5, v4  }
0x196: {  	s9 =	sadd.s32 @!p1 s10, s9;
	v0 =	vadd.f32 v0, v1;
	[tilespmem:$0x1C170] =	vst v2  }
0x197: {  	s6 =	sshll.u32 @!p1 s6, $0xA;
	s9 =	sshll.u32 @!p1 s9, $0x9;
	[tilespmem:$0x1C570] =	vst v3  }
0x198: {  	s11 =	sadd.s32 s3, s12;
	s6 =	sand.u32 @!p1 $0x800, s6;
	s9 =	sadd.s32 @!p1 s5, s9;
	[tilespmem:$0x1C970] =	vst v0  }
0x199: {  	[hbm4b:s11+s4] =	stream.linear.scatter [tilespmem:s28], [sflag:$0x3], $0x400, $0x38;
	[tilespmem:$0x1D580] =	vst v63  }
0x19a: {  	s15 =	sadd.s32 $0x8000, s11;
	s6 =	sor.u32 @!p1 s6, s9  }
0x19b: {  	[hbm4b:s15+s4] =	stream.linear.scatter [tilespmem:s29], [sflag:$0x3], $0x400, $0x38;
	[tilespmem:$0x1D580] =	vst v63  }
0x19c: {  	s16 =	sadd.s32 $0x10000, s11;
	s6 =	sshrl.u32 @!p1 s6, $0x3  }
0x19d: {  	[hbm4b:s16+s4] =	stream.linear.scatter [tilespmem:s30], [sflag:$0x3], $0x400, $0x38;
	[tilespmem:$0x1D580] =	vst v63  }
0x19e: {  	s13 =	simm.s32 @!p1 $0x1A580;
	s9 =	simm.s32 @!p1 $0x0;
	s6 =	sadd.s32 @!p1 s2, s6  }
0x19f: {  	[tilespmem:s13], [sflag:$0x1] =	stream.linear.gather @!p1 [hbm4b:s6+s9], $0x400, $0x38;
	[tilespmem:$0x1D580] =	vst v63  }
0x1a0: {  	s14 =	simm.s32 @!p1 $0x1AD80;
	s13 =	sadd.s32 @!p1 $0x8000, s6  }
0x1a1: {  	[tilespmem:s14], [sflag:$0x1] =	stream.linear.gather @!p1 [hbm4b:s13+s9], $0x400, $0x38;
	[tilespmem:$0x1D580] =	vst v63  }
0x1a2: {  	s6 =	sadd.s32 @!p1 $0x10000, s6;
	s13 =	simm.s32 @!p1 $0x1B580  }
0x1a3: {  	[tilespmem:s13], [sflag:$0x1] =	stream.linear.gather @!p1 [hbm4b:s6+s9], $0x400, $0x38;
	[tilespmem:$0x1D580] =	vst v63  }
0x1a4: {  	_ =	swait.ge [sflag:s31], $0x400  }
0x1a5: {  	[sflag:s31] =	ssyncset.done $0x0  }
0x1a6: {  	[sflag:s31] =	ssyncadd.s32 $0xFFFFFC00  }
0x1a7: {  	_ =	swait.ge [sflag:s31], $0x400  }
0x1a8: {  	[sflag:s31] =	ssyncset.done $0x0  }
0x1a9: {  	[sflag:s31] =	ssyncadd.s32 $0xFFFFFC00  }
0x1aa: {  	_ =	swait.ge [sflag:s31], $0x400  }
0x1ab: {  	[sflag:s31] =	ssyncset.done $0x0  }
0x1ac: {  	s6 =	simm.s32 @!p0 $0x4;
	[sflag:s31] =	ssyncadd.s32 $0xFFFFFC00  }
0x1ad: {  	_ =	swait.ge @!p0 [sflag:s6], $0x400  }
0x1ae: {  	[sflag:s6] =	ssyncset.done @!p0 $0x0  }
0x1af: {  	[sflag:s6] =	ssyncadd.s32 @!p0 $0xFFFFFC00  }
0x1b0: {  	_ =	swait.ge @!p0 [sflag:s6], $0x400  }
0x1b1: {  	[sflag:s6] =	ssyncset.done @!p0 $0x0  }
0x1b2: {  	[sflag:s6] =	ssyncadd.s32 @!p0 $0xFFFFFC00  }
0x1b3: {  	_ =	swait.ge @!p0 [sflag:s6], $0x400  }
0x1b4: {  	[sflag:s6] =	ssyncset.done @!p0 $0x0  }
0x1b5: {  	s17 =	simm.s32 $0x1B1A0;
	[sflag:s6] =	ssyncadd.s32 @!p0 $0xFFFFFC00  }
0x1b6: {  	s21 =	simm.s32 $0x1B9A0;
	v0 =	vld [tilespmem:s17+$0x0]  }
0x1b7: {  	s22 =	simm.s32 $0x1A990;
	v1 =	vld [tilespmem:s21+$0x0]  }
0x1b8: {  	v2 =	vld [tilespmem:s22+$0x10]  }
0x1b9: {  	v3 =	vld [tilespmem:s17+$0xFFFFFFE0]  }
0x1ba: {  	v5 =	vld [tilespmem:s17+$0xFFFFFFF0];
	_ =	sdelay $0x2  }
0x1bb: {  	v0 =	vmul.f32 $3.199679950e+01, v0;
	v1 =	vmul.f32 $3.199679950e+01, v1  }
0x1bc: {  	v2 =	vmul.f32 $3.199679950e+01, v2;
	v3 =	vmul.f32 $3.199679950e+01, v3  }
0x1bd: {  	v5 =	vmul.f32 $3.199679950e+01, v5;
	v4 =	vtrunc.f32 v0  }
0x1be: {  	v6 =	vtrunc.f32 v1;
	v4 =	vcvt.f32.s32 v4  }
0x1bf: {  	v8 =	vtrunc.f32 v2;
	v9 =	vcvt.f32.s32 v6  }
0x1c0: {  	v7 =	vld [tilespmem:s21+$0xFFFFFFE0];
	v14 =	vtrunc.f32 v3;
	v8 =	vcvt.f32.s32 v8;
	v10 =	vmul.u32 $0x21, v4  }
0x1c1: {  	v12 =	vld [tilespmem:s22+$0xFFFFFFF0];
	v14 =	vcvt.f32.s32 v14;
	v11 =	vmul.u32 $0x441, v9  }
0x1c2: {  	v17 =	vtrunc.f32 v5;
	v6 =	vld [tilespmem:s21+$0xFFFFFFF0];
	v10 =	vadd.s32 v8, v10  }
0x1c3: {  	v13 =	vld [tilespmem:s22+$0x0];
	v17 =	vcvt.f32.s32 v17;
	v29 =	vcvt.s32.f32 v14;
	v10 =	vadd.s32 v11, v10  }
0x1c4: {  	v14 =	vmul.u32 $0x21, v14;
	v4 =	vcvt.s32.f32 v4;
	v9 =	vcvt.s32.f32 v9  }
0x1c5: {  	v49 =	vmul.u32 $0x21, v17;
	v17 =	vcvt.s32.f32 v17;
	v8 =	vcvt.s32.f32 v8  }
0x1c6: {  	v4 =	vsub.f32 v0, v4;
	v0 =	vsub.f32 v1, v9;
	v18 =	vadd.s32 $0x463, v10  }
0x1c7: {  	v11 =	vmul.f32 $3.199679950e+01, v7;
	v15 =	vmul.f32 $3.199679950e+01, v6;
	v19 =	vadd.s32 $0x462, v10  }
0x1c8: {  	v7 =	vmul.f32 $3.199679950e+01, v12;
	v6 =	vmul.f32 $3.199679950e+01, v13;
	v20 =	vadd.s32 $0x442, v10;
	v13 =	vld.idx.msk [tilespmem:v10+s4+$0x0], $0xffff  }
0x1c9: {  	v22 =	vadd.s32 $0x441, v10;
	v25 =	vadd.s32 $0x22, v10;
	v27 =	vadd.s32 $0x21, v10;
	v21 =	vld.idx.msk [tilespmem:v10+s18+$0x0], $0xffff  }
0x1ca: {  	v8 =	vsub.f32 v2, v8;
	v2 =	vmul.f32 v0, v4;
	v16 =	vtrunc.f32 v11;
	v24 =	vld.idx.msk [tilespmem:v10+s19+$0x0], $0xffff  }
0x1cb: {  	v1 =	vsub.f32 $1.000000000e+00, v4;
	v12 =	vtrunc.f32 v15;
	v23 =	vtrunc.f32 v7;
	v28 =	vld.idx.msk [tilespmem:v18+s4+$0x0], $0xffff  }
0x1cc: {  	v39 =	vsub.f32 $1.000000000e+00, v0;
	v26 =	vtrunc.f32 v6;
	v16 =	vcvt.f32.s32 v16;
	v30 =	vld.idx.msk [tilespmem:v19+s4+$0x0], $0xffff  }
0x1cd: {  	v12 =	vcvt.f32.s32 v12;
	v23 =	vcvt.f32.s32 v23;
	v10 =	vadd.s32 $0x1, v10;
	v31 =	vld.idx.msk [tilespmem:v20+s4+$0x0], $0xffff  }
0x1ce: {  	v26 =	vcvt.f32.s32 v26;
	v38 =	vsub.f32 $1.000000000e+00, v8;
	v41 =	vmul.f32 v0, v1;
	v51 =	vld.idx.msk [tilespmem:v22+s4+$0x0], $0xffff  }
0x1cf: {  	v42 =	vmul.f32 v2, v8;
	v0 =	vsub.f32 v3, v29;
	v29 =	vmul.f32 v39, v1;
	v9 =	vld.idx.msk [tilespmem:v25+s4+$0x0], $0xffff  }
0x1d0: {  	v4 =	vmul.f32 v39, v4;
	v50 =	vcvt.s32.f32 v16;
	v16 =	vmul.u32 $0x441, v16;
	v36 =	vld.idx.msk [tilespmem:v27+s4+$0x0], $0xffff  }
0x1d1: {  	v35 =	vcvt.s32.f32 v12;
	v12 =	vmul.u32 $0x441, v12;
	v14 =	vadd.s32 v23, v14;
	v44 =	vld.idx.msk [tilespmem:v27+s18+$0x0], $0xffff  }
0x1d2: {  	v43 =	vmul.f32 v2, v38;
	v2 =	vsub.f32 v5, v17;
	v17 =	vmul.f32 v29, v38;
	v37 =	vld.idx.msk [tilespmem:v10+s4+$0x0], $0xffff  }
0x1d3: {  	v32 =	vadd.s32 v26, v49;
	v52 =	vmul.f32 v41, v38;
	v23 =	vcvt.s32.f32 v23;
	v40 =	vld.idx.msk [tilespmem:v10+s18+$0x0], $0xffff  }
0x1d4: {  	v1 =	vsub.f32 v11, v50;
	v11 =	vmul.f32 v41, v8;
	v3 =	vsub.f32 v15, v35;
	v10 =	vld.idx.msk [tilespmem:v10+s19+$0x0], $0xffff  }
0x1d5: {  	v27 =	vld.idx.msk [tilespmem:v27+s19+$0x0], $0xffff;
	v15 =	vmul.f32 v29, v8;
	v8 =	vmul.f32 v4, v8;
	v5 =	vadd.s32 v16, v14  }
0x1d6: {  	v53 =	vld.idx.msk [tilespmem:v25+s18+$0x0], $0xffff;
	v14 =	vmul.f32 v4, v38;
	v4 =	vadd.s32 v12, v32;
	v7 =	vsub.f32 v7, v23  }
0x1d7: {  	v25 =	vld.idx.msk [tilespmem:v25+s19+$0x0], $0xffff;
	v23 =	vadd.s32 $0x22, v5;
	v13 =	vmul.f32 v17, v13;
	v12 =	vmul.f32 v17, v21  }
0x1d8: {  	v54 =	vld.idx.msk [tilespmem:v20+s18+$0x0], $0xffff;
	v29 =	vadd.s32 $0x1, v5;
	v17 =	vmul.f32 v17, v24;
	v21 =	vmul.f32 v15, v37  }
0x1d9: {  	v20 =	vld.idx.msk [tilespmem:v20+s19+$0x0], $0xffff;
	v60 =	vadd.s32 $0x441, v5;
	v24 =	vmul.f32 v15, v40;
	v10 =	vmul.f32 v15, v10  }
0x1da: {  	v16 =	vld.idx.msk [tilespmem:v22+s18+$0x0], $0xffff;
	v9 =	vmul.f32 v9, v8;
	v15 =	vmul.f32 v36, v14;
	v13 =	vadd.f32 v21, v13  }
0x1db: {  	v22 =	vld.idx.msk [tilespmem:v22+s19+$0x0], $0xffff;
	v12 =	vadd.f32 v24, v12;
	v21 =	vmul.f32 v44, v14;
	v10 =	vadd.f32 v10, v17  }
0x1dc: {  	v45 =	vld.idx.msk [tilespmem:v23+s18+$0x0], $0xffff;
	v14 =	vmul.f32 v27, v14;
	v17 =	vmul.f32 v53, v8;
	v13 =	vadd.f32 v13, v15  }
0x1dd: {  	v24 =	vld.idx.msk [tilespmem:v19+s18+$0x0], $0xffff;
	v8 =	vmul.f32 v25, v8;
	v25 =	vadd.s32 $0x21, v5;
	v12 =	vadd.f32 v21, v12  }
0x1de: {  	v15 =	vld.idx.msk [tilespmem:v19+s19+$0x0], $0xffff;
	v19 =	vmul.f32 v51, v52;
	v10 =	vadd.f32 v14, v10;
	v9 =	vadd.f32 v9, v13  }
0x1df: {  	v38 =	vld.idx.msk [tilespmem:v60+s19+$0x0], $0xffff;
	v14 =	vmul.f32 v16, v52;
	v16 =	vmul.f32 v31, v11;
	v12 =	vadd.f32 v17, v12  }
0x1e0: {  	v21 =	vld.idx.msk [tilespmem:v18+s18+$0x0], $0xffff;
	v8 =	vadd.f32 v8, v10;
	v10 =	vmul.f32 v22, v52;
	v9 =	vadd.f32 v19, v9  }
0x1e1: {  	v13 =	vld.idx.msk [tilespmem:v18+s19+$0x0], $0xffff;
	v12 =	vadd.f32 v14, v12;
	v14 =	vmul.f32 v54, v11;
	v19 =	vmul.f32 v30, v43  }
0x1e2: {  	v27 =	vld.idx.msk [tilespmem:v4+s18+$0x0], $0xffff;
	v8 =	vadd.f32 v10, v8;
	v10 =	vmul.f32 v20, v11;
	v9 =	vadd.f32 v16, v9  }
0x1e3: {  	v51 =	vld.idx.msk [tilespmem:v23+s4+$0x0], $0xffff;
	v12 =	vadd.f32 v14, v12;
	v14 =	vmul.f32 v24, v43;
	v24 =	vmul.f32 v28, v42  }
0x1e4: {  	v17 =	vld.idx.msk [tilespmem:v29+s4+$0x0], $0xffff;
	v8 =	vadd.f32 v10, v8;
	v10 =	vmul.f32 v15, v43;
	v9 =	vadd.f32 v19, v9  }
0x1e5: {  	v18 =	vld.idx.msk [tilespmem:v29+s18+$0x0], $0xffff;
	v12 =	vadd.f32 v14, v12;
	v19 =	vmul.f32 v21, v42  }
0x1e6: {  	v22 =	vld.idx.msk [tilespmem:v29+s19+$0x0], $0xffff;
	v8 =	vadd.f32 v10, v8;
	v10 =	vmul.f32 v13, v42;
	v14 =	vadd.f32 v24, v9  }
0x1e7: {  	v55 =	vld.idx.msk [tilespmem:v25+s4+$0x0], $0xffff;
	v20 =	vadd.s32 $0x1, v4;
	v13 =	vadd.f32 v19, v12;
	v24 =	vsub.f32 $1.000000000e+00, v0  }
0x1e8: {  	v11 =	vld.idx.msk [tilespmem:v5+s4+$0x0], $0xffff;
	v12 =	vadd.f32 v10, v8;
	v10 =	vsub.f32 $1.000000000e+00, v1  }
0x1e9: {  	v30 =	vsub.f32 $1.000000000e+00, v3;
	v16 =	vld.idx.msk [tilespmem:v5+s18+$0x0], $0xffff;
	v19 =	vcvt.s32.f32 v26;
	v26 =	vsub.f32 $1.000000000e+00, v2  }
0x1ea: {  	v33 =	vsub.f32 $1.000000000e+00, v7;
	v15 =	vld.idx.msk [tilespmem:v5+s19+$0x0], $0xffff;
	v31 =	vmul.f32 v10, v24  }
0x1eb: {  	v28 =	vadd.s32 $0x21, v4;
	v21 =	vld.idx.msk [tilespmem:v4+s4+$0x0], $0xffff;
	v10 =	vmul.f32 v10, v0;
	v56 =	vmul.f32 v30, v26  }
0x1ec: {  	v29 =	vld.idx.msk [tilespmem:v20+s18+$0x0], $0xffff;
	v6 =	vsub.f32 v6, v19;
	v30 =	vmul.f32 v30, v2;
	v24 =	vmul.f32 v1, v24  }
0x1ed: {  	v8 =	vld.idx.msk [tilespmem:v20+s4+$0x0], $0xffff;
	v0 =	vmul.f32 v1, v0;
	v58 =	vmul.f32 v31, v7  }
0x1ee: {  	v20 =	vld.idx.msk [tilespmem:v20+s19+$0x0], $0xffff;
	v2 =	vmul.f32 v3, v2;
	v59 =	vsub.f32 $1.000000000e+00, v6;
	v31 =	vmul.f32 v31, v33  }
0x1ef: {  	v9 =	vld.idx.msk [tilespmem:v4+s19+$0x0], $0xffff;
	v61 =	vmul.f32 v56, v6;
	v17 =	vmul.f32 v58, v17  }
0x1f0: {  	v63 =	vadd.s32 $0x441, v4;
	v62 =	vld.idx.msk [tilespmem:v28+s4+$0x0], $0xffff;
	v34 =	vmul.f32 v56, v59;
	v18 =	vmul.f32 v58, v18  }
0x1f1: {  	v48 =	vld.idx.msk [tilespmem:v28+s18+$0x0], $0xffff;
	v19 =	vadd.s32 $0x22, v4;
	v22 =	vmul.f32 v58, v22;
	v11 =	vmul.f32 v31, v11  }
0x1f2: {  	v49 =	vadd.s32 $0x442, v5;
	v28 =	vld.idx.msk [tilespmem:v28+s19+$0x0], $0xffff;
	v16 =	vmul.f32 v31, v16;
	v15 =	vmul.f32 v31, v15  }
0x1f3: {  	v50 =	vadd.s32 $0x442, v4;
	v57 =	vld.idx.msk [tilespmem:v25+s18+$0x0], $0xffff;
	v8 =	vmul.f32 v61, v8;
	v20 =	vmul.f32 v61, v20  }
0x1f4: {  	v25 =	vld.idx.msk [tilespmem:v25+s19+$0x0], $0xffff;
	v52 =	vmul.f32 v30, v59;
	v11 =	vadd.f32 v17, v11;
	v17 =	vmul.f32 v34, v21  }
0x1f5: {  	v23 =	vld.idx.msk [tilespmem:v23+s19+$0x0], $0xffff;
	v21 =	vmul.f32 v61, v29;
	v16 =	vadd.f32 v18, v16;
	v18 =	vmul.f32 v34, v27  }
0x1f6: {  	v53 =	vadd.s32 $0x462, v4;
	v27 =	vld.idx.msk [tilespmem:v19+s4+$0x0], $0xffff;
	v29 =	vmul.f32 v10, v33;
	v9 =	vmul.f32 v34, v9  }
0x1f7: {  	v15 =	vadd.f32 v22, v15;
	v22 =	vld.idx.msk [tilespmem:v19+s18+$0x0], $0xffff;
	v10 =	vmul.f32 v10, v7;
	v28 =	vmul.f32 v28, v52  }
0x1f8: {  	v8 =	vadd.f32 v8, v17;
	v17 =	vadd.f32 v21, v18;
	v18 =	vld.idx.msk [tilespmem:v19+s19+$0x0], $0xffff;
	v19 =	vmul.f32 v55, v29  }
0x1f9: {  	v36 =	vld.idx.msk [tilespmem:v49+s19+$0x0], $0xffff;
	v31 =	vadd.s32 $0x462, v5;
	v21 =	vmul.f32 v57, v29;
	v25 =	vmul.f32 v25, v29  }
0x1fa: {  	v54 =	vld.idx.msk [tilespmem:v60+s18+$0x0], $0xffff;
	v9 =	vadd.f32 v20, v9;
	v29 =	vmul.f32 v62, v52;
	v55 =	vmul.f32 v51, v10  }
0x1fb: {  	v20 =	vld.idx.msk [tilespmem:v60+s4+$0x0], $0xffff;
	v11 =	vadd.f32 v11, v19;
	v19 =	vmul.f32 v48, v52;
	v16 =	vadd.f32 v21, v16  }
0x1fc: {  	v21 =	vmul.f32 v30, v6;
	v30 =	vld.idx.msk [tilespmem:v63+s4+$0x0], $0xffff;
	v15 =	vadd.f32 v25, v15;
	v25 =	vmul.f32 v3, v26  }
0x1fd: {  	v26 =	vld.idx.msk [tilespmem:v63+s18+$0x0], $0xffff;
	v8 =	vadd.f32 v8, v29;
	v29 =	vmul.f32 v45, v10;
	v10 =	vmul.f32 v23, v10  }
0x1fe: {  	v9 =	vadd.f32 v28, v9;
	v23 =	vld.idx.msk [tilespmem:v49+s4+$0x0], $0xffff;
	v28 =	vmul.f32 v24, v33;
	v17 =	vadd.f32 v19, v17  }
0x1ff: {  	v19 =	vld.idx.msk [tilespmem:v63+s19+$0x0], $0xffff;
	v34 =	vadd.f32 v55, v11;
	v11 =	vmul.f32 v27, v21;
	v16 =	vadd.f32 v29, v16  }
0x200: {  	v27 =	vld.idx.msk [tilespmem:v49+s18+$0x0], $0xffff;
	v29 =	vmul.f32 v25, v59;
	v22 =	vmul.f32 v22, v21;
	v10 =	vadd.f32 v10, v15  }
0x201: {  	v15 =	vld.idx.msk [tilespmem:v50+s4+$0x0], $0xffff;
	v8 =	vadd.f32 v11, v8;
	v11 =	vmul.f32 v18, v21;
	v18 =	vmul.f32 v20, v28  }
0x202: {  	v20 =	vadd.s32 $0x463, v5;
	v5 =	vadd.f32 v22, v17;
	v17 =	vld.idx.msk [tilespmem:v50+s18+$0x0], $0xffff;
	v21 =	vmul.f32 v54, v28  }
0x203: {  	v22 =	vmul.f32 v24, v7;
	v24 =	vmul.f32 v38, v28;
	v28 =	vld.idx.msk [tilespmem:v31+s4+$0x0], $0xffff  }
0x204: {  	v1 =	vmul.f32 v26, v29;
	v26 =	vld.idx.msk [tilespmem:v53+s18+$0x0], $0xffff;
	v9 =	vadd.f32 v11, v9;
	v11 =	vadd.s32 $0x463, v4  }
0x205: {  	v4 =	vld.idx.msk [tilespmem:v50+s19+$0x0], $0xffff;
	v18 =	vadd.f32 v18, v34;
	v16 =	vadd.f32 v21, v16;
	v21 =	vmul.f32 v25, v6  }
0x206: {  	v25 =	vmul.f32 v30, v29;
	v30 =	vld.idx.msk [tilespmem:v31+s18+$0x0], $0xffff;
	v10 =	vadd.f32 v24, v10;
	v23 =	vmul.f32 v23, v22  }
0x207: {  	v24 =	vld.idx.msk [tilespmem:v31+s19+$0x0], $0xffff;
	v5 =	vadd.f32 v1, v5;
	v27 =	vmul.f32 v27, v22;
	v1 =	vmul.f32 v0, v7  }
0x208: {  	s23 =	simm.s32 $0x1B1D0;
	v3 =	vadd.f32 v25, v8;
	v8 =	vmul.f32 v19, v29;
	v19 =	vld.idx.msk [tilespmem:v53+s4+$0x0], $0xffff;
	v25 =	vmul.f32 v0, v33  }
0x209: {  	s13 =	simm.s32 $0x1B9D0;
	v29 =	vmul.f32 v2, v59;
	v7 =	vadd.f32 v23, v18;
	v18 =	vmul.f32 v36, v22;
	v22 =	vld [tilespmem:s23+$0x0]  }
0x20a: {  	v0 =	vmul.f32 v2, v6;
	v2 =	vmul.f32 v15, v21;
	v6 =	vld [tilespmem:s13+$0x0]  }
0x20b: {  	s14 =	simm.s32 $0x1A9C0;
	v23 =	vld [tilespmem:s23+$0xFFFFFFE0];
	v16 =	vadd.f32 v27, v16;
	v15 =	vmul.f32 v17, v21  }
0x20c: {  	v17 =	vld [tilespmem:s14+$0x10];
	v8 =	vadd.f32 v8, v9;
	v2 =	vadd.f32 v2, v3;
	v3 =	vmul.f32 v28, v25  }
0x20d: {  	v9 =	vld.idx.msk [tilespmem:v53+s19+$0x0], $0xffff;
	v10 =	vadd.f32 v18, v10;
	v4 =	vmul.f32 v4, v21;
	v18 =	vmul.f32 v30, v25  }
0x20e: {  	v15 =	vadd.f32 v15, v5;
	v21 =	vmul.f32 v24, v25;
	v25 =	vmul.f32 v26, v29  }
0x20f: {  	v24 =	vld [tilespmem:s23+$0xFFFFFFF0];
	v19 =	vmul.f32 v19, v29;
	v8 =	vadd.f32 v4, v8;
	v26 =	vmul.f32 $3.199679950e+01, v22  }
0x210: {  	v4 =	vadd.f32 v3, v7;
	v27 =	vmul.f32 $3.199679950e+01, v6;
	v23 =	vmul.f32 $3.199679950e+01, v23  }
0x211: {  	v7 =	vld [tilespmem:s13+$0xFFFFFFE0];
	v5 =	vadd.f32 v18, v16;
	v17 =	vmul.f32 $3.199679950e+01, v17;
	v3 =	vtrunc.f32 v26  }
0x212: {  	v16 =	vld [tilespmem:s13+$0xFFFFFFF0];
	v6 =	vadd.f32 v21, v10;
	v9 =	vmul.f32 v9, v29;
	v18 =	vcvt.f32.s32 v3  }
0x213: {  	v10 =	vld [tilespmem:s14+$0xFFFFFFF0];
	v2 =	vadd.f32 v19, v2;
	v3 =	vtrunc.f32 v27;
	v19 =	vtrunc.f32 v17  }
0x214: {  	v29 =	vmul.f32 $3.199679950e+01, v24;
	v24 =	vtrunc.f32 v23  }
0x215: {  	v21 =	vcvt.f32.s32 v3;
	v19 =	vcvt.f32.s32 v19  }
0x216: {  	v3 =	vadd.f32 v25, v15;
	v58 =	vcvt.f32.s32 v24;
	v28 =	vmul.f32 $3.199679950e+01, v7  }
0x217: {  	v15 =	vmul.u32 $0x21, v18;
	v30 =	vmul.f32 $3.199679950e+01, v16;
	v56 =	vtrunc.f32 v29  }
0x218: {  	v22 =	vmul.f32 $3.199679950e+01, v10;
	v18 =	vcvt.s32.f32 v18;
	v7 =	vmul.u32 $0x441, v21  }
0x219: {  	v25 =	vld [tilespmem:s14+$0x0];
	v61 =	vmul.u32 $0x21, v58;
	v34 =	vcvt.s32.f32 v58;
	v21 =	vcvt.s32.f32 v21  }
0x21a: {  	v16 =	vld.idx.msk [tilespmem:v20+s4+$0x0], $0xffff;
	v15 =	vadd.s32 v19, v15;
	v31 =	vtrunc.f32 v28;
	v10 =	vtrunc.f32 v30  }
0x21b: {  	v59 =	vtrunc.f32 v22;
	v19 =	vcvt.s32.f32 v19;
	v57 =	vadd.s32 v7, v15;
	v15 =	vld.idx.msk [tilespmem:v20+s18+$0x0], $0xffff  }
0x21c: {  	v26 =	vsub.f32 v26, v18;
	v7 =	vadd.f32 v9, v8;
	v8 =	vld.idx.msk [tilespmem:v20+s19+$0x0], $0xffff;
	v20 =	vcvt.f32.s32 v31  }
0x21d: {  	v9 =	vld.idx.msk [tilespmem:v11+s4+$0x0], $0xffff;
	v60 =	vcvt.f32.s32 v10;
	v32 =	vcvt.f32.s32 v59;
	v18 =	vsub.f32 v27, v21  }
0x21e: {  	v10 =	vld.idx.msk [tilespmem:v11+s18+$0x0], $0xffff;
	v24 =	vmul.f32 $3.199679950e+01, v25;
	v25 =	vcvt.f32.s32 v56;
	v36 =	vadd.s32 $0x462, v57  }
0x21f: {  	v11 =	vld.idx.msk [tilespmem:v11+s19+$0x0], $0xffff;
	v31 =	vadd.s32 $0x463, v57;
	v39 =	vadd.s32 $0x442, v57;
	v42 =	vadd.s32 $0x441, v57  }
0x220: {  	v44 =	vadd.s32 $0x22, v57;
	v46 =	vadd.s32 $0x21, v57;
	v33 =	vadd.s32 $0x1, v57;
	v40 =	vld.idx.msk [tilespmem:v57+s4+$0x0], $0xffff  }
0x221: {  	v51 =	vsub.f32 v17, v19;
	v19 =	vsub.f32 $1.000000000e+00, v26;
	v48 =	vcvt.s32.f32 v20;
	v43 =	vld.idx.msk [tilespmem:v57+s18+$0x0], $0xffff  }
0x222: {  	v50 =	vmul.u32 $0x441, v20;
	v21 =	vcvt.s32.f32 v60;
	v20 =	vmul.f32 v18, v26;
	v45 =	vld.idx.msk [tilespmem:v57+s19+$0x0], $0xffff  }
0x223: {  	v37 =	vadd.s32 v32, v61;
	v55 =	vsub.f32 $1.000000000e+00, v18;
	v32 =	vcvt.s32.f32 v32;
	v49 =	vld.idx.msk [tilespmem:v36+s4+$0x0], $0xffff  }
0x224: {  	v62 =	vtrunc.f32 v24;
	v63 =	vmul.u32 $0x21, v25;
	v25 =	vcvt.s32.f32 v25;
	v52 =	vld.idx.msk [tilespmem:v42+s4+$0x0], $0xffff  }
0x225: {  	v17 =	vsub.f32 v23, v34;
	v38 =	vcvt.f32.s32 v62;
	v34 =	vmul.f32 v20, v51;
	v53 =	vld.idx.msk [tilespmem:v44+s4+$0x0], $0xffff  }
0x226: {  	v54 =	vsub.f32 $1.000000000e+00, v51;
	v23 =	vmul.f32 v55, v19;
	v26 =	vmul.f32 v55, v26;
	v56 =	vld.idx.msk [tilespmem:v46+s4+$0x0], $0xffff  }
0x227: {  	v21 =	vsub.f32 v30, v21;
	v57 =	vmul.f32 v18, v19;
	v18 =	vsub.f32 v28, v48;
	v28 =	vld.idx.msk [tilespmem:v33+s4+$0x0], $0xffff  }
0x228: {  	v48 =	vmul.f32 v20, v54;
	v20 =	vsub.f32 v29, v25;
	v59 =	vld.idx.msk [tilespmem:v33+s18+$0x0], $0xffff;
	v30 =	vmul.f32 v23, v54  }
0x229: {  	v29 =	vld.idx.msk [tilespmem:v33+s19+$0x0], $0xffff;
	v61 =	vmul.f32 v23, v51;
	v23 =	vadd.s32 v38, v63;
	v38 =	vcvt.s32.f32 v38  }
0x22a: {  	v35 =	vmul.u32 $0x441, v60;
	v60 =	vld.idx.msk [tilespmem:v46+s18+$0x0], $0xffff;
	v25 =	vmul.f32 v57, v51;
	v33 =	vmul.f32 v57, v54  }
0x22b: {  	v62 =	vld.idx.msk [tilespmem:v46+s19+$0x0], $0xffff;
	v51 =	vmul.f32 v26, v51;
	v26 =	vmul.f32 v26, v54  }
0x22c: {  	v19 =	vadd.s32 v50, v37;
	v63 =	vld.idx.msk [tilespmem:v44+s18+$0x0], $0xffff;
	v40 =	vmul.f32 v30, v40;
	v43 =	vmul.f32 v30, v43  }
0x22d: {  	v58 =	vld.idx.msk [tilespmem:v42+s18+$0x0], $0xffff;
	v23 =	vadd.s32 v35, v23;
	v30 =	vmul.f32 v30, v45;
	v28 =	vmul.f32 v61, v28  }
0x22e: {  	v44 =	vld.idx.msk [tilespmem:v44+s19+$0x0], $0xffff;
	v24 =	vsub.f32 v24, v38;
	v57 =	vmul.f32 v61, v59;
	v29 =	vmul.f32 v61, v29  }
0x22f: {  	v27 =	vld.idx.msk [tilespmem:v39+s4+$0x0], $0xffff;
	v59 =	vmul.f32 v56, v26;
	v37 =	vmul.f32 v60, v26;
	v28 =	vadd.f32 v28, v40  }
0x230: {  	v42 =	vld.idx.msk [tilespmem:v42+s19+$0x0], $0xffff;
	v60 =	vmul.f32 v53, v51;
	v26 =	vmul.f32 v62, v26;
	v43 =	vadd.f32 v57, v43  }
0x231: {  	v61 =	vld.idx.msk [tilespmem:v39+s18+$0x0], $0xffff;
	v35 =	vmul.f32 v63, v51;
	v29 =	vadd.f32 v29, v30;
	v28 =	vadd.f32 v28, v59  }
0x232: {  	v62 =	vmul.f32 v52, v33;
	v50 =	vmul.f32 v58, v33;
	v30 =	vld.idx.msk [tilespmem:v39+s19+$0x0], $0xffff;
	v37 =	vadd.f32 v37, v43  }
0x233: {  	v63 =	vld.idx.msk [tilespmem:v36+s18+$0x0], $0xffff;
	v26 =	vadd.f32 v26, v29;
	v29 =	vmul.f32 v44, v51;
	v28 =	vadd.f32 v60, v28  }
0x234: {  	v36 =	vld.idx.msk [tilespmem:v36+s19+$0x0], $0xffff;
	v27 =	vmul.f32 v27, v25;
	v58 =	vadd.s32 $0x21, v19;
	v35 =	vadd.f32 v35, v37  }
0x235: {  	v51 =	vld.idx.msk [tilespmem:v31+s18+$0x0], $0xffff;
	v26 =	vadd.f32 v29, v26;
	v29 =	vmul.f32 v42, v33;
	v28 =	vadd.f32 v62, v28  }
0x236: {  	v47 =	vld.idx.msk [tilespmem:v31+s4+$0x0], $0xffff;
	v54 =	vmul.f32 v49, v48;
	v53 =	vmul.f32 v61, v25;
	v52 =	vadd.f32 v50, v35  }
0x237: {  	v38 =	vld.idx.msk [tilespmem:v23+s19+$0x0], $0xffff;
	v25 =	vmul.f32 v30, v25;
	v26 =	vadd.f32 v29, v26;
	v27 =	vadd.f32 v27, v28  }
0x238: {  	v45 =	vadd.s32 $0x1, v19;
	v31 =	vld.idx.msk [tilespmem:v31+s19+$0x0], $0xffff;
	v30 =	vmul.f32 v63, v48;
	v29 =	vadd.f32 v53, v52  }
0x239: {  	v39 =	vld.idx.msk [tilespmem:v19+s19+$0x0], $0xffff;
	v25 =	vadd.f32 v25, v26;
	v26 =	vadd.f32 v54, v27;
	v27 =	vmul.f32 v36, v48  }
0x23a: {  	v41 =	vsub.f32 $1.000000000e+00, v20;
	v43 =	vld.idx.msk [tilespmem:v58+s19+$0x0], $0xffff;
	v29 =	vadd.f32 v30, v29;
	v30 =	vmul.f32 v51, v34  }
0x23b: {  	v55 =	vmul.f32 v47, v34;
	v57 =	vsub.f32 $1.000000000e+00, v18;
	v37 =	vld.idx.msk [tilespmem:v19+s4+$0x0], $0xffff;
	v27 =	vadd.f32 v27, v25  }
0x23c: {  	v56 =	vadd.s32 $0x1, v23;
	v33 =	vld.idx.msk [tilespmem:v19+s18+$0x0], $0xffff;
	v29 =	vadd.f32 v30, v29;
	v30 =	vsub.f32 $1.000000000e+00, v17  }
0x23d: {  	v42 =	vld.idx.msk [tilespmem:v23+s4+$0x0], $0xffff;
	v31 =	vmul.f32 v31, v34;
	v25 =	vsub.f32 v22, v32;
	v22 =	vsub.f32 $1.000000000e+00, v21  }
0x23e: {  	v40 =	vmul.f32 v57, v17;
	v35 =	vld.idx.msk [tilespmem:v45+s18+$0x0], $0xffff;
	v52 =	vadd.s32 $0x22, v23;
	v17 =	vmul.f32 v18, v17  }
0x23f: {  	v28 =	vld.idx.msk [tilespmem:v45+s4+$0x0], $0xffff;
	v27 =	vadd.f32 v31, v27;
	v31 =	vmul.f32 v57, v30;
	v59 =	vmul.f32 v22, v41  }
0x240: {  	v36 =	vld.idx.msk [tilespmem:v45+s19+$0x0], $0xffff;
	v44 =	vsub.f32 $1.000000000e+00, v25;
	v22 =	vmul.f32 v22, v20;
	v30 =	vmul.f32 v18, v30  }
0x241: {  	v60 =	vld.idx.msk [tilespmem:v56+s4+$0x0], $0xffff;
	v53 =	vsub.f32 $1.000000000e+00, v24;
	v41 =	vmul.f32 v21, v41;
	v21 =	vmul.f32 v21, v20  }
0x242: {  	v62 =	vld.idx.msk [tilespmem:v56+s18+$0x0], $0xffff;
	v61 =	vmul.f32 v31, v25;
	v31 =	vmul.f32 v31, v44  }
0x243: {  	v46 =	vadd.s32 $0x21, v23;
	v34 =	vld.idx.msk [tilespmem:v56+s19+$0x0], $0xffff;
	v63 =	vmul.f32 v59, v24;
	v45 =	vmul.f32 v59, v53  }
0x244: {  	v32 =	vld.idx.msk [tilespmem:v23+s18+$0x0], $0xffff;
	v18 =	vmul.f32 v17, v44;
	v28 =	vmul.f32 v61, v28  }
0x245: {  	v49 =	vadd.s32 $0x22, v19;
	v54 =	vld.idx.msk [tilespmem:v58+s4+$0x0], $0xffff;
	v35 =	vmul.f32 v61, v35;
	v36 =	vmul.f32 v61, v36  }
0x246: {  	s15 =	simm.s32 $0x1C9A0;
	v26 =	vadd.f32 v55, v26;
	v55 =	vld.idx.msk [tilespmem:v52+s4+$0x0], $0xffff;
	v37 =	vmul.f32 v31, v37;
	v33 =	vmul.f32 v31, v33  }
0x247: {  	s16 =	simm.s32 $0x1CDA0;
	[tilespmem:s15+$0x0] =	vst v14;
	v57 =	vld.idx.msk [tilespmem:v58+s18+$0x0], $0xffff;
	v31 =	vmul.f32 v31, v39;
	v47 =	vmul.f32 v63, v60  }
0x248: {  	s9 =	simm.s32 $0x1D1A0;
	[tilespmem:s16+$0x0] =	vst v13;
	v14 =	vadd.s32 $0x442, v19;
	v58 =	vld.idx.msk [tilespmem:v46+s4+$0x0], $0xffff;
	v50 =	vmul.f32 v63, v62;
	v34 =	vmul.f32 v63, v34  }
0x249: {  	[tilespmem:s9+$0x0] =	vst v12;
	v12 =	vadd.s32 $0x462, v19;
	v59 =	vld.idx.msk [tilespmem:v46+s18+$0x0], $0xffff;
	v42 =	vmul.f32 v45, v42;
	v32 =	vmul.f32 v45, v32  }
0x24a: {  	s17 =	simm.s32 $0x1C9D0;
	v48 =	vadd.s32 $0x441, v19;
	v46 =	vld.idx.msk [tilespmem:v46+s19+$0x0], $0xffff;
	v60 =	vmul.f32 v40, v44;
	v38 =	vmul.f32 v45, v38  }
0x24b: {  	v13 =	vadd.s32 $0x442, v23;
	[tilespmem:s17+$0x0] =	vst v26;
	v61 =	vld.idx.msk [tilespmem:v49+s4+$0x0], $0xffff;
	v63 =	vmul.f32 v22, v53;
	v40 =	vmul.f32 v40, v25  }
0x24c: {  	s21 =	simm.s32 $0x1CDD0;
	v62 =	vld.idx.msk [tilespmem:v49+s18+$0x0], $0xffff;
	v22 =	vmul.f32 v22, v24;
	v28 =	vadd.f32 v28, v37;
	v33 =	vadd.f32 v35, v33  }
0x24d: {  	[tilespmem:s21+$0x0] =	vst v29;
	v49 =	vld.idx.msk [tilespmem:v49+s19+$0x0], $0xffff;
	v37 =	vadd.s32 $0x441, v23;
	v31 =	vadd.f32 v36, v31;
	v42 =	vadd.f32 v47, v42  }
0x24e: {  	v32 =	vadd.f32 v50, v32;
	v54 =	vmul.f32 v54, v60;
	v39 =	vmul.f32 v57, v60;
	v57 =	vld.idx.msk [tilespmem:v52+s18+$0x0], $0xffff  }
0x24f: {  	s22 =	simm.s32 $0x1D1D0;
	v34 =	vadd.f32 v34, v38;
	v26 =	vmul.f32 v43, v60;
	v35 =	vmul.f32 v58, v63;
	v60 =	vld.idx.msk [tilespmem:v48+s18+$0x0], $0xffff  }
0x250: {  	[tilespmem:s22+$0x0] =	vst v27;
	v38 =	vadd.s32 $0x462, v23;
	v36 =	vmul.f32 v55, v22;
	v56 =	vmul.f32 v59, v63;
	v59 =	vld.idx.msk [tilespmem:v52+s19+$0x0], $0xffff  }
0x251: {  	v58 =	vmul.f32 v46, v63;
	v28 =	vadd.f32 v28, v54;
	v26 =	vadd.f32 v26, v31;
	v31 =	vld.idx.msk [tilespmem:v48+s4+$0x0], $0xffff  }
0x252: {  	v33 =	vadd.f32 v39, v33;
	v45 =	vmul.f32 v61, v40;
	v61 =	vmul.f32 v62, v40;
	v62 =	vld.idx.msk [tilespmem:v48+s19+$0x0], $0xffff  }
0x253: {  	v63 =	vmul.f32 v30, v44;
	v35 =	vadd.f32 v42, v35;
	v34 =	vadd.f32 v58, v34;
	v58 =	vld.idx.msk [tilespmem:v14+s18+$0x0], $0xffff  }
0x254: {  	v54 =	vmul.f32 v41, v53;
	v32 =	vadd.f32 v56, v32;
	v40 =	vmul.f32 v49, v40;
	v52 =	vld.idx.msk [tilespmem:v37+s4+$0x0], $0xffff  }
0x255: {  	v35 =	vadd.f32 v36, v35;
	v28 =	vadd.f32 v45, v28;
	v55 =	vmul.f32 v57, v22;
	v56 =	vld.idx.msk [tilespmem:v37+s18+$0x0], $0xffff  }
0x256: {  	v33 =	vadd.f32 v61, v33;
	v37 =	vld.idx.msk [tilespmem:v37+s19+$0x0], $0xffff;
	v27 =	vmul.f32 v60, v63;
	v60 =	vmul.f32 v41, v24  }
0x257: {  	v26 =	vadd.f32 v40, v26;
	v57 =	vmul.f32 v59, v22;
	v29 =	vmul.f32 v31, v63;
	v31 =	vld.idx.msk [tilespmem:v14+s4+$0x0], $0xffff  }
0x258: {  	v61 =	vld.idx.msk [tilespmem:v13+s4+$0x0], $0xffff;
	v22 =	vadd.s32 $0x463, v19;
	v19 =	vadd.s32 $0x463, v23;
	v23 =	vmul.f32 v30, v25  }
0x259: {  	v59 =	vld.idx.msk [tilespmem:v14+s19+$0x0], $0xffff;
	v32 =	vadd.f32 v55, v32;
	v28 =	vadd.f32 v29, v28;
	v29 =	vmul.f32 v62, v63  }
0x25a: {  	v30 =	vld.idx.msk [tilespmem:v12+s4+$0x0], $0xffff;
	v33 =	vadd.f32 v27, v33;
	v34 =	vadd.f32 v57, v34;
	v14 =	vmul.f32 v52, v54  }
0x25b: {  	v62 =	vld.idx.msk [tilespmem:v13+s18+$0x0], $0xffff;
	v63 =	vmul.f32 v58, v23;
	v20 =	vmul.f32 v37, v54;
	v43 =	vadd.f32 v29, v26  }
0x25c: {  	v13 =	vld.idx.msk [tilespmem:v13+s19+$0x0], $0xffff;
	v26 =	vmul.f32 v56, v54;
	v35 =	vadd.f32 v14, v35;
	v27 =	vmul.f32 v31, v23  }
0x25d: {  	v29 =	vadd.f32 v20, v34;
	v20 =	vmul.f32 v17, v25;
	v17 =	vmul.f32 v21, v24;
	v24 =	vld.idx.msk [tilespmem:v38+s4+$0x0], $0xffff  }
0x25e: {  	v14 =	vmul.f32 v21, v53;
	v23 =	vmul.f32 v59, v23;
	v31 =	vadd.f32 v26, v32;
	v26 =	vld.idx.msk [tilespmem:v12+s18+$0x0], $0xffff  }
0x25f: {  	v25 =	vadd.f32 v63, v33;
	v27 =	vadd.f32 v27, v28;
	v28 =	vld.idx.msk [tilespmem:v12+s19+$0x0], $0xffff;
	v12 =	vmul.f32 v61, v60  }
0x260: {  	v21 =	vld.idx.msk [tilespmem:v38+s18+$0x0], $0xffff;
	v32 =	vmul.f32 v16, v1;
	v23 =	vadd.f32 v23, v43;
	v33 =	vmul.f32 v62, v60  }
0x261: {  	s6 =	simm.s32 $0x30;
	s23 =	simm.s32 $0x1B200;
	v34 =	vmul.f32 v13, v60;
	v13 =	vmul.f32 v15, v1;
	v16 =	vadd.f32 v12, v35;
	v12 =	vld.idx.msk [tilespmem:v38+s19+$0x0], $0xffff  }
.LBB2_5:
0x262: {  	v15 =	vld [tilespmem:s23+$0x0];
	v30 =	vmul.f32 v30, v18;
	v31 =	vadd.f32 v33, v31;
	s13 =	sadd.s32 $0x30, s13;
	v8 =	vmul.f32 v8, v1;
	v1 =	vmovc v20  }
0x263: {  	v26 =	vmul.f32 v26, v18;
	s14 =	sadd.s32 $0x30, s14;
	v9 =	vmul.f32 v9, v0;
	v20 =	vld [tilespmem:s13+$0x0];
	v29 =	vadd.f32 v34, v29  }
0x264: {  	v18 =	vmul.f32 v28, v18;
	v28 =	vmul.f32 v10, v0;
	v33 =	vld [tilespmem:s14+$0x10];
	v27 =	vadd.f32 v30, v27  }
0x265: {  	v25 =	vadd.f32 v26, v25;
	v24 =	vmul.f32 v24, v14;
	v26 =	vmul.f32 v11, v0;
	v0 =	vmovc v17;
	v10 =	vld [tilespmem:s23+$0xFFFFFFE0]  }
0x266: {  	v17 =	vadd.f32 v18, v23;
	v18 =	vmul.f32 v21, v14;
	v21 =	vadd.f32 v32, v4;
	v11 =	vld [tilespmem:s23+$0xFFFFFFF0];
	v4 =	vmovc v27  }
0x267: {  	v16 =	vadd.f32 v24, v16;
	v12 =	vmul.f32 v12, v14;
	v23 =	vld [tilespmem:s13+$0xFFFFFFE0];
	v15 =	vmul.f32 $3.199679950e+01, v15  }
0x268: {  	v13 =	vadd.f32 v13, v5;
	v5 =	vmovc v25;
	v18 =	vadd.f32 v18, v31;
	v14 =	vld [tilespmem:s13+$0xFFFFFFF0];
	v24 =	vmul.f32 $3.199679950e+01, v20;
	[tilespmem:s15+$0xFFFFFFE0] =	vst v21  }
0x269: {  	v27 =	vadd.f32 v12, v29;
	v21 =	vld [tilespmem:s14+$0x0];
	v25 =	vmul.f32 $3.199679950e+01, v33;
	v20 =	vtrunc.f32 v15  }
0x26a: {  	v8 =	vadd.f32 v8, v6;
	v6 =	vmovc v17;
	v29 =	vld [tilespmem:s14+$0xFFFFFFF0];
	v30 =	vcvt.f32.s32 v20;
	v12 =	vtrunc.f32 v24;
	[tilespmem:s16+$0xFFFFFFE0] =	vst v13  }
0x26b: {  	v9 =	vadd.f32 v9, v2;
	v2 =	vmovc v16;
	v13 =	vtrunc.f32 v25;
	v17 =	vcvt.f32.s32 v12;
	v12 =	vld.idx.msk [tilespmem:v22+s4+$0x0], $0xffff  }
0x26c: {  	s6 =	sadd.s32 $0x30, s6;
	v16 =	vmul.f32 $3.199679950e+01, v10;
	v31 =	vcvt.f32.s32 v13;
	v10 =	vmul.u32 $0x21, v30;
	v13 =	vld.idx.msk [tilespmem:v22+s18+$0x0], $0xffff;
	[tilespmem:s9+$0xFFFFFFE0] =	vst v8  }
0x26d: {  	p0 =	slt.u32 s6, $0x3C0;
	v33 =	vmul.f32 $3.199679950e+01, v11;
	v32 =	vmul.f32 $3.199679950e+01, v23;
	v11 =	vmul.u32 $0x441, v17;
	v8 =	vld.idx.msk [tilespmem:v22+s19+$0x0], $0xffff;
	[tilespmem:s15+$0xFFFFFFF0] =	vst v9;
	s15 =	smov.u32 s17  }
0x26e: {  	v22 =	vtrunc.f32 v16;
	v34 =	vmul.f32 $3.199679950e+01, v14;
	v10 =	vadd.s32 v31, v10;
	v9 =	vld.idx.msk [tilespmem:v19+s4+$0x0], $0xffff  }
0x26f: {  	v23 =	vtrunc.f32 v33;
	v14 =	vtrunc.f32 v32;
	v35 =	vadd.s32 v11, v10;
	v10 =	vld.idx.msk [tilespmem:v19+s18+$0x0], $0xffff  }
0x270: {  	v20 =	vmul.f32 $3.199679950e+01, v29;
	v29 =	vtrunc.f32 v34;
	v11 =	vld.idx.msk [tilespmem:v19+s19+$0x0], $0xffff;
	v19 =	vadd.f32 v28, v3;
	v3 =	vmovc v18  }
0x271: {  	v21 =	vmul.f32 $3.199679950e+01, v21;
	v18 =	vcvt.f32.s32 v22;
	v22 =	vadd.f32 v26, v7;
	v7 =	vmovc v27  }
0x272: {  	v14 =	vcvt.f32.s32 v14;
	v26 =	vcvt.f32.s32 v23;
	v27 =	vadd.s32 $0x463, v35;
	[tilespmem:s16+$0xFFFFFFF0] =	vst v19;
	s16 =	smov.u32 s21  }
0x273: {  	v28 =	vcvt.f32.s32 v29;
	v29 =	vadd.s32 $0x462, v35;
	v19 =	vtrunc.f32 v20;
	[tilespmem:s9+$0xFFFFFFF0] =	vst v22;
	s9 =	smov.u32 s22  }
0x274: {  	v38 =	vadd.s32 $0x442, v35;
	v36 =	vmul.u32 $0x21, v18;
	v22 =	vtrunc.f32 v21;
	v37 =	vld.idx.msk [tilespmem:v35+s4+$0x0], $0xffff  }
0x275: {  	v40 =	vadd.s32 $0x441, v35;
	v23 =	vcvt.f32.s32 v19;
	v19 =	vmul.u32 $0x21, v26;
	v39 =	vld.idx.msk [tilespmem:v35+s18+$0x0], $0xffff  }
0x276: {  	v42 =	vadd.s32 $0x22, v35;
	v18 =	vcvt.s32.f32 v18;
	v22 =	vcvt.f32.s32 v22;
	v41 =	vld.idx.msk [tilespmem:v35+s19+$0x0], $0xffff  }
0x277: {  	v30 =	vcvt.s32.f32 v30;
	v17 =	vcvt.s32.f32 v17;
	v43 =	vadd.s32 $0x21, v35;
	v44 =	vld.idx.msk [tilespmem:v27+s4+$0x0], $0xffff  }
0x278: {  	v31 =	vcvt.s32.f32 v31;
	v45 =	vcvt.s32.f32 v14;
	v35 =	vadd.s32 $0x1, v35;
	v46 =	vld.idx.msk [tilespmem:v29+s4+$0x0], $0xffff  }
0x279: {  	v30 =	vsub.f32 v15, v30;
	v15 =	vsub.f32 v24, v17;
	v26 =	vcvt.s32.f32 v26;
	v24 =	vld.idx.msk [tilespmem:v38+s4+$0x0], $0xffff  }
0x27a: {  	v25 =	vsub.f32 v25, v31;
	v47 =	vmul.u32 $0x441, v14;
	v17 =	vcvt.s32.f32 v28;
	v31 =	vld.idx.msk [tilespmem:v40+s4+$0x0], $0xffff  }
0x27b: {  	v48 =	vsub.f32 $1.000000000e+00, v30;
	v49 =	vmul.f32 v15, v30;
	v28 =	vmul.u32 $0x441, v28;
	v50 =	vld.idx.msk [tilespmem:v42+s4+$0x0], $0xffff  }
0x27c: {  	v52 =	vsub.f32 $1.000000000e+00, v15;
	v51 =	vsub.f32 $1.000000000e+00, v25;
	v36 =	vadd.s32 v23, v36;
	v53 =	vld.idx.msk [tilespmem:v43+s4+$0x0], $0xffff  }
0x27d: {  	v55 =	vmul.f32 v49, v25;
	v54 =	vadd.s32 v22, v19;
	v19 =	vmul.f32 v15, v48;
	v56 =	vld.idx.msk [tilespmem:v35+s4+$0x0], $0xffff  }
0x27e: {  	v14 =	vsub.f32 v16, v18;
	v18 =	vmul.f32 v52, v48;
	v48 =	vmul.f32 v49, v51;
	v49 =	vld.idx.msk [tilespmem:v35+s18+$0x0], $0xffff  }
0x27f: {  	v30 =	vmul.f32 v52, v30;
	v15 =	vsub.f32 v32, v45;
	v32 =	vmul.f32 v19, v25;
	v35 =	vld.idx.msk [tilespmem:v35+s19+$0x0], $0xffff  }
0x280: {  	v16 =	vsub.f32 v33, v26;
	v26 =	vmul.f32 v18, v51;
	v33 =	vmul.f32 v19, v51;
	v45 =	vld.idx.msk [tilespmem:v43+s18+$0x0], $0xffff  }
0x281: {  	v17 =	vsub.f32 v34, v17;
	v34 =	vmul.f32 v18, v25;
	v25 =	vmul.f32 v30, v25;
	v43 =	vld.idx.msk [tilespmem:v43+s19+$0x0], $0xffff  }
0x282: {  	v19 =	vadd.s32 v47, v36;
	v30 =	vmul.f32 v30, v51;
	v36 =	vmul.f32 v26, v37;
	v37 =	vld.idx.msk [tilespmem:v42+s18+$0x0], $0xffff  }
0x283: {  	v18 =	vadd.s32 v28, v54;
	v28 =	vmul.f32 v26, v39;
	v39 =	vmul.f32 v34, v56;
	v42 =	vld.idx.msk [tilespmem:v42+s19+$0x0], $0xffff  }
0x284: {  	v47 =	vadd.s32 $0x1, v19;
	v26 =	vmul.f32 v26, v41;
	v41 =	vmul.f32 v34, v49;
	v49 =	vld.idx.msk [tilespmem:v40+s18+$0x0], $0xffff  }
0x285: {  	v36 =	vadd.f32 v39, v36;
	v34 =	vmul.f32 v34, v35;
	v35 =	vmul.f32 v53, v30;
	v39 =	vld.idx.msk [tilespmem:v40+s19+$0x0], $0xffff  }
0x286: {  	v28 =	vadd.f32 v41, v28;
	v40 =	vmul.f32 v45, v30;
	v41 =	vmul.f32 v50, v25;
	v45 =	vld.idx.msk [tilespmem:v38+s18+$0x0], $0xffff  }
0x287: {  	v26 =	vadd.f32 v34, v26;
	v34 =	vadd.f32 v36, v35;
	v30 =	vmul.f32 v43, v30;
	v35 =	vld.idx.msk [tilespmem:v38+s19+$0x0], $0xffff  }
0x288: {  	v31 =	vmul.f32 v31, v33;
	v28 =	vadd.f32 v40, v28;
	v36 =	vmul.f32 v37, v25;
	v37 =	vld.idx.msk [tilespmem:v29+s18+$0x0], $0xffff  }
0x289: {  	v26 =	vadd.f32 v30, v26;
	v30 =	vadd.f32 v41, v34;
	v25 =	vmul.f32 v42, v25;
	v29 =	vld.idx.msk [tilespmem:v29+s19+$0x0], $0xffff  }
0x28a: {  	v24 =	vmul.f32 v24, v32;
	v28 =	vadd.f32 v36, v28;
	v34 =	vmul.f32 v49, v33;
	v36 =	vld.idx.msk [tilespmem:v27+s18+$0x0], $0xffff  }
0x28b: {  	v25 =	vadd.f32 v25, v26;
	v26 =	vadd.f32 v31, v30;
	v30 =	vmul.f32 v39, v33;
	v27 =	vld.idx.msk [tilespmem:v27+s19+$0x0], $0xffff  }
0x28c: {  	v28 =	vadd.f32 v34, v28;
	v33 =	vmul.f32 v45, v32;
	v34 =	vmul.f32 v46, v48;
	v31 =	vld.idx.msk [tilespmem:v47+s4+$0x0], $0xffff  }
0x28d: {  	v25 =	vadd.f32 v30, v25;
	v24 =	vadd.f32 v24, v26;
	v26 =	vmul.f32 v35, v32;
	v38 =	vld.idx.msk [tilespmem:v47+s18+$0x0], $0xffff  }
0x28e: {  	v28 =	vadd.f32 v33, v28;
	v32 =	vmul.f32 v37, v48;
	v33 =	vmul.f32 v44, v55;
	v30 =	vld.idx.msk [tilespmem:v47+s19+$0x0], $0xffff  }
0x28f: {  	v25 =	vadd.f32 v26, v25;
	v24 =	vadd.f32 v34, v24;
	v26 =	vmul.f32 v29, v48;
	v35 =	vld.idx.msk [tilespmem:v19+s4+$0x0], $0xffff  }
0x290: {  	v23 =	vcvt.s32.f32 v23;
	v28 =	vadd.f32 v32, v28;
	v32 =	vmul.f32 v36, v55;
	v29 =	vld.idx.msk [tilespmem:v19+s18+$0x0], $0xffff  }
0x291: {  	v25 =	vadd.f32 v26, v25;
	v24 =	vadd.f32 v33, v24;
	v26 =	vmul.f32 v27, v55;
	v34 =	vld.idx.msk [tilespmem:v19+s19+$0x0], $0xffff  }
0x292: {  	s17 =	sadd.s32 $0x30, s17;
	v22 =	vcvt.s32.f32 v22;
	v33 =	vadd.s32 $0x1, v18;
	v28 =	vadd.f32 v32, v28;
	v27 =	vld.idx.msk [tilespmem:v18+s4+$0x0], $0xffff  }
0x293: {  	s21 =	sadd.s32 $0x30, s21;
	v36 =	vadd.s32 $0x21, v19;
	v32 =	vsub.f32 $1.000000000e+00, v14;
	v25 =	vadd.f32 v26, v25;
	v37 =	vld.idx.msk [tilespmem:v18+s18+$0x0], $0xffff;
	[tilespmem:s17+$0x0] =	vst v24  }
0x294: {  	s22 =	sadd.s32 $0x30, s22;
	v41 =	vadd.s32 $0x21, v18;
	v39 =	vsub.f32 $1.000000000e+00, v16;
	v26 =	vsub.f32 $1.000000000e+00, v15;
	v40 =	vld.idx.msk [tilespmem:v18+s19+$0x0], $0xffff;
	[tilespmem:s21+$0x0] =	vst v28  }
0x295: {  	v20 =	vsub.f32 v20, v23;
	v42 =	vsub.f32 $1.000000000e+00, v17;
	v28 =	vadd.s32 $0x22, v19;
	[tilespmem:s22+$0x0] =	vst v25  }
0x296: {  	v21 =	vsub.f32 v21, v22;
	v22 =	vadd.s32 $0x22, v18;
	v25 =	vmul.f32 v26, v32  }
0x297: {  	v43 =	vmul.f32 v42, v39;
	v24 =	vsub.f32 $1.000000000e+00, v20;
	v26 =	vmul.f32 v26, v14;
	v44 =	vld.idx.msk [tilespmem:v33+s4+$0x0], $0xffff  }
0x298: {  	v23 =	vsub.f32 $1.000000000e+00, v21;
	v42 =	vmul.f32 v42, v16;
	v45 =	vmul.f32 v25, v20;
	v46 =	vld.idx.msk [tilespmem:v33+s18+$0x0], $0xffff  }
0x299: {  	v47 =	vadd.s32 $0x441, v19;
	v48 =	vmul.f32 v43, v21;
	v25 =	vmul.f32 v25, v24;
	v33 =	vld.idx.msk [tilespmem:v33+s19+$0x0], $0xffff  }
0x29a: {  	v50 =	vadd.s32 $0x441, v18;
	v43 =	vmul.f32 v43, v23;
	v31 =	vmul.f32 v45, v31;
	v49 =	vld.idx.msk [tilespmem:v36+s4+$0x0], $0xffff  }
0x29b: {  	v51 =	vadd.s32 $0x442, v19;
	v38 =	vmul.f32 v45, v38;
	v30 =	vmul.f32 v45, v30;
	v45 =	vld.idx.msk [tilespmem:v36+s18+$0x0], $0xffff  }
0x29c: {  	v52 =	vadd.s32 $0x442, v18;
	v35 =	vmul.f32 v25, v35;
	v29 =	vmul.f32 v25, v29;
	v36 =	vld.idx.msk [tilespmem:v36+s19+$0x0], $0xffff  }
0x29d: {  	v25 =	vmul.f32 v25, v34;
	v34 =	vadd.s32 $0x462, v19;
	v44 =	vmul.f32 v48, v44;
	v53 =	vld.idx.msk [tilespmem:v41+s4+$0x0], $0xffff  }
0x29e: {  	v27 =	vmul.f32 v43, v27;
	v31 =	vadd.f32 v31, v35;
	v35 =	vmul.f32 v48, v46;
	v46 =	vld.idx.msk [tilespmem:v41+s18+$0x0], $0xffff  }
0x29f: {  	v37 =	vmul.f32 v43, v37;
	v29 =	vadd.f32 v38, v29;
	v33 =	vmul.f32 v48, v33;
	v38 =	vld.idx.msk [tilespmem:v41+s19+$0x0], $0xffff  }
0x2a0: {  	v40 =	vmul.f32 v43, v40;
	v25 =	vadd.f32 v30, v25;
	v41 =	vmul.f32 v26, v24;
	v30 =	vld.idx.msk [tilespmem:v28+s4+$0x0], $0xffff  }
0x2a1: {  	v48 =	vmul.f32 v42, v23;
	v27 =	vadd.f32 v44, v27;
	v35 =	vadd.f32 v35, v37;
	v43 =	vld.idx.msk [tilespmem:v28+s18+$0x0], $0xffff  }
0x2a2: {  	v33 =	vadd.f32 v33, v40;
	v37 =	vmul.f32 v49, v41;
	v44 =	vmul.f32 v45, v41;
	v28 =	vld.idx.msk [tilespmem:v28+s19+$0x0], $0xffff  }
0x2a3: {  	v36 =	vmul.f32 v36, v41;
	v45 =	vadd.s32 $0x462, v18;
	v40 =	vmul.f32 v53, v48;
	v41 =	vld.idx.msk [tilespmem:v22+s4+$0x0], $0xffff  }
0x2a4: {  	v26 =	vmul.f32 v26, v20;
	v31 =	vadd.f32 v31, v37;
	v37 =	vmul.f32 v46, v48;
	v46 =	vld.idx.msk [tilespmem:v22+s18+$0x0], $0xffff  }
0x2a5: {  	v42 =	vmul.f32 v42, v21;
	v29 =	vadd.f32 v44, v29;
	v38 =	vmul.f32 v38, v48;
	v22 =	vld.idx.msk [tilespmem:v22+s19+$0x0], $0xffff  }
0x2a6: {  	v39 =	vmul.f32 v17, v39;
	v32 =	vmul.f32 v15, v32;
	v25 =	vadd.f32 v36, v25;
	v36 =	vld.idx.msk [tilespmem:v47+s4+$0x0], $0xffff  }
0x2a7: {  	v27 =	vadd.f32 v27, v40;
	v30 =	vmul.f32 v30, v26;
	v35 =	vadd.f32 v37, v35;
	v44 =	vld.idx.msk [tilespmem:v47+s18+$0x0], $0xffff  }
0x2a8: {  	v37 =	vmul.f32 v43, v26;
	v33 =	vadd.f32 v38, v33;
	v26 =	vmul.f32 v28, v26;
	v28 =	vld.idx.msk [tilespmem:v47+s19+$0x0], $0xffff  }
0x2a9: {  	v38 =	vmul.f32 v32, v24;
	v30 =	vadd.f32 v30, v31;
	v31 =	vmul.f32 v41, v42;
	v40 =	vld.idx.msk [tilespmem:v50+s4+$0x0], $0xffff  }
0x2aa: {  	v29 =	vadd.f32 v37, v29;
	v37 =	vmul.f32 v39, v23;
	v41 =	vmul.f32 v46, v42;
	v43 =	vld.idx.msk [tilespmem:v50+s18+$0x0], $0xffff  }
0x2ab: {  	v25 =	vadd.f32 v26, v25;
	v26 =	vadd.f32 v31, v27;
	v27 =	vmul.f32 v22, v42;
	v31 =	vld.idx.msk [tilespmem:v50+s19+$0x0], $0xffff  }
0x2ac: {  	v22 =	vadd.s32 $0x463, v19;
	v36 =	vmul.f32 v36, v38;
	v35 =	vadd.f32 v41, v35;
	v42 =	vld.idx.msk [tilespmem:v51+s4+$0x0], $0xffff  }
0x2ad: {  	v19 =	vadd.s32 $0x463, v18;
	v41 =	vmul.f32 v44, v38;
	v27 =	vadd.f32 v27, v33;
	v44 =	vld.idx.msk [tilespmem:v51+s18+$0x0], $0xffff  }
0x2ae: {  	v32 =	vmul.f32 v32, v20;
	v33 =	vadd.f32 v36, v30;
	v18 =	vmul.f32 v28, v38;
	v28 =	vld.idx.msk [tilespmem:v51+s19+$0x0], $0xffff  }
0x2af: {  	v38 =	vmul.f32 v39, v21;
	v36 =	vadd.f32 v41, v29;
	v29 =	vmul.f32 v40, v37;
	v39 =	vld.idx.msk [tilespmem:v52+s4+$0x0], $0xffff  }
0x2b0: {  	v15 =	vmul.f32 v15, v14;
	v40 =	vadd.f32 v18, v25;
	v14 =	vmul.f32 v43, v37;
	v41 =	vld.idx.msk [tilespmem:v52+s18+$0x0], $0xffff  }
0x2b1: {  	v16 =	vmul.f32 v17, v16;
	v43 =	vadd.f32 v29, v26;
	v17 =	vmul.f32 v31, v37;
	v37 =	vld.idx.msk [tilespmem:v52+s19+$0x0], $0xffff  }
0x2b2: {  	v18 =	vmul.f32 v15, v24;
	v24 =	vmul.f32 v42, v32;
	v31 =	vadd.f32 v14, v35;
	v30 =	vld.idx.msk [tilespmem:v34+s4+$0x0], $0xffff  }
.Ltmp3:
0x2b3: {  	v14 =	vmul.f32 v16, v23;
	v25 =	vmul.f32 v44, v32;
	v29 =	vadd.f32 v17, v27;
	v26 =	vld.idx.msk [tilespmem:v34+s18+$0x0], $0xffff;
	(pc) =	sbr.rel @p0 .LBB2_5-.Ltmp3, $4  }
0x2b4: {  	v20 =	vmul.f32 v15, v20;
	v27 =	vadd.f32 v24, v33;
	v15 =	vmul.f32 v28, v32;
	v28 =	vld.idx.msk [tilespmem:v34+s19+$0x0], $0xffff  }
0x2b5: {  	v17 =	vmul.f32 v16, v21;
	v25 =	vadd.f32 v25, v36;
	v16 =	vmul.f32 v39, v38;
	v24 =	vld.idx.msk [tilespmem:v45+s4+$0x0], $0xffff  }
0x2b6: {  	v32 =	vmul.f32 v12, v1;
	v23 =	vadd.f32 v15, v40;
	v33 =	vmul.f32 v41, v38;
	v21 =	vld.idx.msk [tilespmem:v45+s18+$0x0], $0xffff  }
0x2b7: {  	s23 =	sadd.s32 $0x30, s23;
	v13 =	vmul.f32 v13, v1;
	v16 =	vadd.f32 v16, v43;
	v34 =	vmul.f32 v37, v38;
	v12 =	vld.idx.msk [tilespmem:v45+s19+$0x0], $0xffff  }
0x2b8: {  	_ =	sdelay $0x3  }
0x2b9: {  	v61 =	vld.idx.msk [tilespmem:v22+s4+$0x0], $0xffff  }
0x2ba: {  	v63 =	vld.idx.msk [tilespmem:v22+s18+$0x0], $0xffff  }
0x2bb: {  	v15 =	vmul.f32 v30, v18;
	v22 =	vld.idx.msk [tilespmem:v22+s19+$0x0], $0xffff  }
0x2bc: {  	v58 =	vadd.f32 v33, v31;
	v1 =	vmul.f32 v8, v1;
	v4 =	vadd.f32 v32, v4;
	v32 =	vld.idx.msk [tilespmem:v19+s18+$0x0], $0xffff  }
0x2bd: {  	v59 =	vmul.f32 v26, v18;
	v9 =	vmul.f32 v9, v0;
	v33 =	vld.idx.msk [tilespmem:v19+s19+$0x0], $0xffff;
	v60 =	vadd.f32 v34, v29  }
0x2be: {  	v10 =	vmul.f32 v10, v0;
	v5 =	vadd.f32 v13, v5;
	v29 =	vld.idx.msk [tilespmem:v19+s4+$0x0], $0xffff;
	v15 =	vadd.f32 v15, v27  }
0x2bf: {  	v62 =	vmul.f32 v28, v18;
	v8 =	vadd.f32 v59, v25;
	[tilespmem:s15+$0xFFFFFFE0] =	vst v4;
	v1 =	vadd.f32 v1, v6  }
0x2c0: {  	v24 =	vmul.f32 v24, v14;
	v25 =	vmul.f32 v11, v0;
	v2 =	vadd.f32 v9, v2;
	[tilespmem:s16+$0xFFFFFFE0] =	vst v5  }
0x2c1: {  	v3 =	vadd.f32 v10, v3;
	v31 =	vadd.f32 v62, v23;
	[tilespmem:s9+$0xFFFFFFE0] =	vst v1;
	v34 =	vmul.f32 v61, v20  }
0x2c2: {  	v35 =	vmul.f32 v21, v14;
	[tilespmem:s15+$0xFFFFFFF0] =	vst v2;
	v0 =	vadd.f32 v25, v7;
	v36 =	vmul.f32 v63, v20  }
0x2c3: {  	v37 =	vadd.f32 v24, v16;
	[tilespmem:s16+$0xFFFFFFF0] =	vst v3;
	v40 =	vmul.f32 v29, v17;
	v9 =	vadd.f32 v34, v15  }
0x2c4: {  	v39 =	vmul.f32 v12, v14;
	v38 =	vmul.f32 v22, v20;
	[tilespmem:s9+$0xFFFFFFF0] =	vst v0;
	v2 =	vadd.f32 v36, v8  }
0x2c5: {  	v41 =	vadd.f32 v35, v58;
	v5 =	vmul.f32 v32, v17;
	v0 =	vadd.f32 v40, v37;
	[tilespmem:s17+$0xFFFFFFE0] =	vst v9  }
0x2c6: {  	v1 =	vmul.f32 v33, v17;
	v42 =	vadd.f32 v39, v60;
	v3 =	vadd.f32 v38, v31;
	[tilespmem:s21+$0xFFFFFFE0] =	vst v2  }
0x2c7: {  	v43 =	vadd.f32 v5, v41;
	[tilespmem:s17+$0xFFFFFFF0] =	vst v0  }
0x2c8: {  	v44 =	vadd.f32 v1, v42;
	[tilespmem:s22+$0xFFFFFFE0] =	vst v3  }
0x2c9: {  	[tilespmem:s21+$0xFFFFFFF0] =	vst v43  }
0x2ca: {  	[tilespmem:s22+$0xFFFFFFF0] =	vst v44  }
0x2cb: {  	v0 =	vld [tilespmem:$0x1B570]  }
0x2cc: {  	v45 =	vld [tilespmem:$0x1BD70]  }
0x2cd: {  	v2 =	vld [tilespmem:$0x1AD70];
	_ =	sdelay $0x2  }
0x2ce: {  	v0 =	vmul.f32 $3.199679950e+01, v0  }
0x2cf: {  	v1 =	vmul.f32 $3.199679950e+01, v45  }
0x2d0: {  	v2 =	vmul.f32 $3.199679950e+01, v2;
	v46 =	vtrunc.f32 v0  }
0x2d1: {  	v47 =	vtrunc.f32 v1;
	v3 =	vcvt.f32.s32 v46  }
0x2d2: {  	v48 =	vtrunc.f32 v2;
	v4 =	vcvt.f32.s32 v47  }
0x2d3: {  	v5 =	vcvt.f32.s32 v48;
	v49 =	vmul.u32 $0x21, v3  }
0x2d4: {  	v50 =	vmul.u32 $0x441, v4  }
0x2d5: {  	v6 =	vadd.s32 v5, v49  }
0x2d6: {  	v6 =	vadd.s32 v50, v6;
	_ =	sdelay $0x2  }
0x2d7: {  	v7 =	vadd.s32 $0x1, v6;
	_ =	sdelay $0x1  }
0x2d8: {  	v51 =	vld.idx.msk [tilespmem:v6+s4+$0x0], $0xffff  }
0x2d9: {  	v3 =	vcvt.s32.f32 v3;
	v4 =	vcvt.s32.f32 v4;
	v52 =	vadd.s32 $0x21, v6;
	v9 =	vld.idx.msk [tilespmem:v6+s18+$0x0], $0xffff  }
0x2da: {  	v5 =	vcvt.s32.f32 v5;
	v53 =	vld.idx.msk [tilespmem:v6+s19+$0x0], $0xffff  }
0x2db: {  	v0 =	vsub.f32 v0, v3;
	v1 =	vsub.f32 v1, v4;
	v54 =	vld.idx.msk [tilespmem:v7+s4+$0x0], $0xffff  }
0x2dc: {  	v2 =	vsub.f32 v2, v5;
	v56 =	vadd.s32 $0x22, v6;
	v55 =	vld.idx.msk [tilespmem:v7+s18+$0x0], $0xffff  }
0x2dd: {  	v57 =	vsub.f32 $1.000000000e+00, v0;
	v58 =	vsub.f32 $1.000000000e+00, v1;
	v7 =	vld.idx.msk [tilespmem:v7+s19+$0x0], $0xffff  }
0x2de: {  	v59 =	vld.idx.msk [tilespmem:v52+s4+$0x0], $0xffff  }
0x2df: {  	v63 =	vadd.s32 $0x441, v6;
	v60 =	vsub.f32 $1.000000000e+00, v2;
	v61 =	vmul.f32 v58, v57;
	v62 =	vld.idx.msk [tilespmem:v52+s18+$0x0], $0xffff  }
0x2e0: {  	v13 =	vmul.f32 v58, v0;
	v12 =	vmul.f32 v1, v57;
	v10 =	vld.idx.msk [tilespmem:v52+s19+$0x0], $0xffff  }
0x2e1: {  	v0 =	vmul.f32 v1, v0;
	v28 =	vmul.f32 v61, v60;
	v29 =	vld.idx.msk [tilespmem:v56+s4+$0x0], $0xffff  }
0x2e2: {  	v32 =	vadd.s32 $0x442, v6;
	v16 =	vmul.f32 v61, v2;
	v30 =	vmul.f32 v13, v60;
	v31 =	vld.idx.msk [tilespmem:v56+s18+$0x0], $0xffff  }
0x2e3: {  	v13 =	vmul.f32 v13, v2;
	v33 =	vmul.f32 v12, v60;
	v5 =	vld.idx.msk [tilespmem:v56+s19+$0x0], $0xffff  }
0x2e4: {  	v12 =	vmul.f32 v12, v2;
	v15 =	vmul.f32 v0, v60;
	v34 =	vld.idx.msk [tilespmem:v63+s4+$0x0], $0xffff  }
0x2e5: {  	v36 =	vadd.s32 $0x462, v6;
	v0 =	vmul.f32 v0, v2;
	v35 =	vld.idx.msk [tilespmem:v63+s18+$0x0], $0xffff;
	v8 =	vmul.f32 v28, v51  }
0x2e6: {  	v37 =	vld.idx.msk [tilespmem:v63+s19+$0x0], $0xffff;
	v9 =	vmul.f32 v28, v9;
	v3 =	vmul.f32 v16, v54  }
0x2e7: {  	v6 =	vadd.s32 $0x463, v6;
	v39 =	vld.idx.msk [tilespmem:v32+s4+$0x0], $0xffff;
	v1 =	vmul.f32 v28, v53;
	v4 =	vmul.f32 v16, v55  }
0x2e8: {  	v41 =	vld.idx.msk [tilespmem:v32+s18+$0x0], $0xffff;
	v7 =	vmul.f32 v16, v7;
	v38 =	vmul.f32 v59, v30;
	v3 =	vadd.f32 v3, v8  }
0x2e9: {  	v44 =	vld.idx.msk [tilespmem:v32+s19+$0x0], $0xffff;
	v40 =	vmul.f32 v62, v30;
	v42 =	vmul.f32 v10, v30;
	v4 =	vadd.f32 v4, v9  }
0x2ea: {  	v46 =	vld.idx.msk [tilespmem:v36+s4+$0x0], $0xffff;
	v43 =	vmul.f32 v29, v13;
	v1 =	vadd.f32 v7, v1;
	v3 =	vadd.f32 v3, v38  }
0x2eb: {  	v47 =	vld.idx.msk [tilespmem:v36+s18+$0x0], $0xffff;
	v45 =	vmul.f32 v31, v13;
	v5 =	vmul.f32 v5, v13;
	v4 =	vadd.f32 v40, v4  }
0x2ec: {  	v50 =	vld.idx.msk [tilespmem:v36+s19+$0x0], $0xffff;
	v48 =	vmul.f32 v34, v33;
	v1 =	vadd.f32 v42, v1;
	v3 =	vadd.f32 v43, v3  }
0x2ed: {  	v52 =	vld.idx.msk [tilespmem:v6+s4+$0x0], $0xffff;
	v49 =	vmul.f32 v35, v33;
	v51 =	vmul.f32 v37, v33;
	v4 =	vadd.f32 v45, v4  }
0x2ee: {  	v53 =	vmul.f32 v39, v12;
	v54 =	vld.idx.msk [tilespmem:v6+s18+$0x0], $0xffff;
	v1 =	vadd.f32 v5, v1;
	v3 =	vadd.f32 v48, v3  }
0x2ef: {  	v55 =	vmul.f32 v41, v12;
	v56 =	vmul.f32 v44, v12;
	v6 =	vld.idx.msk [tilespmem:v6+s19+$0x0], $0xffff;
	v4 =	vadd.f32 v49, v4  }
0x2f0: {  	v58 =	vmul.f32 v46, v15;
	v1 =	vadd.f32 v51, v1;
	v57 =	vadd.f32 v53, v3  }
0x2f1: {  	v59 =	vmul.f32 v47, v15;
	v60 =	vmul.f32 v50, v15;
	v4 =	vadd.f32 v55, v4  }
0x2f2: {  	v61 =	vmul.f32 v52, v0;
	v1 =	vadd.f32 v56, v1;
	v2 =	vadd.f32 v58, v57  }
0x2f3: {  	v62 =	vmul.f32 v54, v0;
	v4 =	vadd.f32 v59, v4  }
0x2f4: {  	v0 =	vmul.f32 v6, v0;
	v1 =	vadd.f32 v60, v1;
	v2 =	vadd.f32 v61, v2  }
0x2f5: {  	v63 =	vadd.f32 v62, v4  }
0x2f6: {  	v0 =	vadd.f32 v0, v1;
	[tilespmem:$0x1CD70] =	vst v2  }
0x2f7: {  	s6 =	sadd.s32 s12, s3;
	[tilespmem:$0x1D170] =	vst v63  }
0x2f8: {  	s6 =	sadd.s32 $0x80, s6;
	[tilespmem:$0x1D570] =	vst v0  }
0x2f9: {  	[hbm4b:s6+s4] =	stream.linear.scatter [tilespmem:s0], [sflag:$0x4], $0x400, $0x38;
	[tilespmem:$0x1D580] =	vst v63  }
.Ltmp4:
0x2fa: {  	_ = 	snop;
	(pc) =	sbr.rel @p1 .LBB2_8-.Ltmp4, $4  }
0x2fb: {  	s22 =	sadd.s32 $0x8080, s11  }
0x2fc: {  	[hbm4b:s22+s4] =	stream.linear.scatter [tilespmem:s1], [sflag:$0x4], $0x400, $0x38;
	[tilespmem:$0x1D580] =	vst v63  }
0x2fd: {  	s23 =	sadd.s32 $0x10080, s11  }
0x2fe: {  	[hbm4b:s23+s4] =	stream.linear.scatter [tilespmem:s20], [sflag:$0x4], $0x400, $0x38;
	[tilespmem:$0x1D580] =	vst v63  }
0x2ff: {  	s6 =	sadd.s32 $0x3, s8  }
0x300: {  	s8 =	sshll.u32 s6, $0x1  }
0x301: {  	s8 =	sand.u32 $0xF8, s8  }
0x302: {  	s8 =	sadd.s32 s10, s8  }
0x303: {  	s6 =	sshll.u32 s6, $0xA;
	s8 =	sshll.u32 s8, $0x9  }
0x304: {  	s6 =	sand.u32 $0xC00, s6;
	s8 =	sadd.s32 s5, s8  }
0x305: {  	s6 =	sor.u32 s6, s8  }
0x306: {  	s6 =	sshrl.u32 s6, $0x3  }
0x307: {  	s22 =	simm.s32 $0x1A980;
	s6 =	sadd.s32 s2, s6  }
0x308: {  	[tilespmem:s22], [sflag:$0x2] =	stream.linear.gather [hbm4b:s6+s4], $0x400, $0x38;
	[tilespmem:$0x1D580] =	vst v63  }
.Ltmp5:
0x309: {  	_ = 	snop;
	(pc) =	sbr.rel .LBB2_2-.Ltmp5, $4  }
0x30a: {  	s23 =	sadd.s32 $0x8000, s6  }
0x30b: {  	[tilespmem:s24], [sflag:$0x2] =	stream.linear.gather [hbm4b:s23+s4], $0x400, $0x38;
	[tilespmem:$0x1D580] =	vst v63  }
0x30c: {  	s7 =	sadd.s32 $0x1, s7;
	s6 =	sadd.s32 $0x10000, s6  }
0x30d: {  	[tilespmem:s25], [sflag:$0x2] =	stream.linear.gather [hbm4b:s6+s4], $0x400, $0x38;
	[tilespmem:$0x1D580] =	vst v63  }
.LBB2_9:
0x30e: {  	_ =	sfence.sel $0x180000  }
0x30f: {  	[bflag:$0x0] =	sbarrier.arrive $0xFFFF  }
0x310: {  	_ =	strace $0x90000047  }
0x311: {  	s0 =	stileid.u32;
	[bflag:$0x2] =	sbarrier.arrive $0xFFFF  }
0x312: {  	p0 =	sne.s32 s0, $0x0;
	s0 =	rddreg [dreg:$0x3]  }
0x313: {  	s0 =	sadd.s32 @!p0 $0x100000, s0  }
0x314: {  	[sflag:s0] =	ssyncadd.tile.s32 @!p0 $0x1;
	_ =	shalt  }
.Lfunc_end2:
_tile_overlayer_lowered:
.L_overlay_start_2:
0x315: {  	(tag) =	ssettag $0x2  }
0x316: {  	s0 =	rddreg [dreg:$0x0];
	s2 =	stileid.u32  }
0x317: {  	s1 =	rddreg [dreg:$0x1];
	p0 =	sne.s32 s2, $0x0  }
0x318: {  	s3 =	rddreg [dreg:$0x2];
	[bflag:$0x3] =	sbarrier.arrive $0xFFFF;
	s2 =	simm.s32 @!p0 $0x1C05  }
0x319: {  	[timem:s3], [sflag:s2] =	dma.local @!p0 [hbm:s0], s1  }
0x31a: {  	s0 =	simm.s32 @!p0 $0x5  }
0x31b: {  	_ =	swait.ge @!p0 [sflag:s0], s1  }
0x31c: {  	s1 =	ssub.s32 @!p0 $0x0, s1;
	[sflag:s0] =	ssyncset.done @!p0 $0x0  }
0x31d: {  	[sflag:s0] =	ssyncadd.s32 @!p0 s1  }
0x31e: {  	[bflag:$0x3] =	sbarrier.arrive $0xFFFF  }
0x31f: {  	_ =	shalt  }

</sc_bundles>
